<compile_context>
chip_gen: v7x
topology: tpu7x:2x2x1
jax: 0.10.2.dev20260603
libtpu: 0.0.44.dev20260713+nightly
codegen_flags: <defaults>
</compile_context>

<pallas_src>
import jax
import jax.numpy as jnp
from jax import lax
from jax.experimental import pallas as pl
from jax.experimental.pallas import tpu as pltpu
from jax.experimental.pallas import tpu_sc as plsc

_BATCH = 16384
_HIST = 200
_DIM = 32
_N = _BATCH * _HIST

_NC = 2
_NS = 16
_NW = _NC * _NS
_TT = _HIST // 8
_BT = _BATCH // 128
_NSU = _TT * _BT
_PER_W = _NSU // _NW
_SU = 1024


def _gather_body(table_hbm, idx_hbm, out_hbm, idx_v, g_v, w_v, isem,
                 gsem, wsem):
    wid = lax.axis_index("s") * _NC + lax.axis_index("c")
    su0 = wid * _PER_W
    iota = lax.iota(jnp.int32, 16)

    def fire_idx(su, b):
        pltpu.async_copy(idx_hbm.at[pl.ds(su * _SU, _SU)], idx_v.at[b],
                         isem.at[b])

    def wait_idx(b):
        pltpu.make_async_copy(idx_hbm.at[pl.ds(0, _SU)], idx_v.at[b],
                              isem.at[b]).wait()

    def fire_gather(b):
        pltpu.async_copy(table_hbm.at[idx_v.at[b]], g_v.at[b], gsem.at[b])

    def wait_gather(b):
        pltpu.make_async_copy(table_hbm.at[idx_v.at[b]], g_v.at[b],
                              gsem.at[b]).wait()

    def fire_w(su, ti, wb):
        t = (su // _BT) * 8 + ti
        bt = su % _BT
        pltpu.async_copy(w_v.at[wb], out_hbm.at[t, :, bt, :, :], wsem.at[wb])

    def wait_w(wb):
        pltpu.make_async_copy(w_v.at[wb], out_hbm.at[0, :, 0, :, :],
                              wsem.at[wb]).wait()

    fire_idx(su0, 0)
    fire_idx(su0 + 1, 1)
    wait_idx(0)
    fire_gather(0)
    def pair(p, carry):
        for b in range(2):
            su = su0 + p * 2 + b
            cur, nxt = b, 1 - b
            wait_gather(cur)
            @pl.when(su + 1 < su0 + _PER_W)
            def _():
                wait_idx(nxt)
                fire_gather(nxt)

            @pl.when(su + 2 < su0 + _PER_W)
            def _():
                fire_idx(su + 2, cur)

            def do_ti(ti, c):
                wb = ti % 2
                roff = ti * 128

                @pl.when(ti >= 2)
                def _():
                    wait_w(wb)

                @plsc.parallel_loop(0, 16, unroll=2)
                def _(d):
                    t2 = (iota + d) & 15
                    cols0 = t2
                    cols1 = t2 + 16
                    eg0 = cols0 >> 3
                    es0 = cols0 & 7
                    eg1 = cols1 >> 3
                    es1 = cols1 & 7
                    for ch in range(8):
                        rows = ch * 16 + iota
                        grows = roff + rows
                        v0 = plsc.load_gather(g_v.at[cur], [grows, cols0])
                        plsc.store_scatter(w_v.at[wb], [eg0, es0, rows], v0)
                        v1 = plsc.load_gather(g_v.at[cur], [grows, cols1])
                        plsc.store_scatter(w_v.at[wb], [eg1, es1, rows], v1)

                fire_w(su, ti, wb)
                return c

            lax.fori_loop(0, 8, do_ti, 0, unroll=False)
            wait_w(0)
            wait_w(1)
        return carry

    lax.fori_loop(0, _PER_W // 2, pair, 0, unroll=False)


def kernel(indices, table):
    idx_lin = (indices.reshape(128, 128, 25, 8).transpose(2, 0, 3, 1)
               .reshape(_N))
    mesh = plsc.VectorSubcoreMesh(core_axis_name="c", subcore_axis_name="s")
    out = pl.kernel(
        _gather_body,
        out_type=jax.ShapeDtypeStruct((_HIST, 4, _BT, 8, 128), jnp.float32),
        mesh=mesh,
        compiler_params=pltpu.CompilerParams(use_tc_tiling_on_sc=False, needs_layout_passes=False),
        scratch_types=[
            pltpu.VMEM((2, _SU), jnp.int32),
            pltpu.VMEM((2, _SU, _DIM), jnp.float32),
            pltpu.VMEM((2, 4, 8, 128), jnp.float32),
            pltpu.SemaphoreType.DMA((2,)),
            pltpu.SemaphoreType.DMA((2,)),
            pltpu.SemaphoreType.DMA((2,)),
        ],
    )(table, idx_lin)
    return out.transpose(2, 4, 0, 1, 3).reshape(_BATCH, _HIST, _DIM)

# --- scband reference (transcript-rebuilt; emitter-appended) ---
"""Pipeline reference for scband-seq-embedder-6382321402130 (READ-ONLY COPY).

The authoritative reference and input builder live on the scoring server;
editing this copy changes nothing except your own understanding.
"""

import jax, jax.numpy as jnp
import numpy as np

BATCH = 16384
HIST_LEN = 200
VOCAB = 1000000
EMBED_DIM = 32


def setup_inputs(seed: int = 0) -> dict:
    key = jax.random.key(seed)
    k1, k2 = jax.random.split(key)
    indices = jax.random.randint(k1, (BATCH, HIST_LEN), 0, VOCAB, dtype=jnp.int32)
    table = jax.random.normal(k2, (VOCAB, EMBED_DIM), dtype=jnp.float32) * 0.02
    return {"indices": indices, "table": table}


def reference(indices, table):
    # SeqEmbedder with TokenInput interface: features = embedder(indices)
    # Keras Embedding layer == row gather from the embedding table.
    features = jnp.take(table, indices, axis=0)
    return features

if __name__ == "__main__":
    import jax
    _d = setup_inputs()
    print(jax.jit(kernel)(*tuple(_d.values())))

</pallas_src>

<mosaic_0001>
#map = affine_map<(d0, d1) -> (0, 0)>
#map1 = affine_map<(d0, d1) -> (0)>
#map2 = affine_map<(d0, d1) -> (0, 0, 0, 0, 0)>
module attributes {stable_mosaic.version = 14 : i64} {
  func.func @_gather_body(%arg0: i32, %arg1: i32, %arg2: memref<1000000x32xf32, #tpu.memory_space<hbm>>, %arg3: memref<3276800xi32, #tpu.memory_space<hbm>>, %arg4: memref<200x4x128x8x128xf32, #tpu.memory_space<hbm>>, %arg5: memref<2x1024xi32, #tpu.memory_space<vmem>>, %arg6: memref<2x1024x32xf32, #tpu.memory_space<vmem>>, %arg7: memref<2x4x8x128xf32, #tpu.memory_space<vmem>>, %arg8: memref<2x!tpu.dma_semaphore, #tpu.memory_space<semaphore_mem>>, %arg9: memref<2x!tpu.dma_semaphore, #tpu.memory_space<semaphore_mem>>, %arg10: memref<2x!tpu.dma_semaphore, #tpu.memory_space<semaphore_mem>>) attributes {dimension_semantics = [#tpu.dimension_semantics<core_parallel>, #tpu.dimension_semantics<subcore_parallel>], iteration_bounds = array<i64: 2, 16>, scalar_prefetch = 0 : i64, scratch_operands = 6 : i64, tpu.core_type = #tpu.core_type<sc_vector_subcore>, window_params = [{transform_indices = #map}, {transform_indices = #map1}, {transform_indices = #map2}]} {
    %mul3A = arith.constant 2 : i32
    %mul3A_0 = arith.muli %arg1, %mul3A : i32
    %add3A = arith.addi %mul3A_0, %arg0 : i32
    %mul3A_1 = arith.constant 100 : i32
    %mul3A_2 = arith.muli %add3A, %mul3A_1 : i32
    %iota3A = tpu.iota {dimensions = array<i32: 0>} : vector<16xi32>
    %mul3A_3 = arith.constant 1024 : i32
    %mul3A_4 = arith.muli %mul3A_2, %mul3A_3 : i32
    %dma_start3A = arith.constant 0 : i32
    %dma_start3A_5 = arith.constant 0 : i32
    %dma_start3A_6 = arith.constant 0 : i32
    %dma_start3A_7 = tpu.memref_slice %arg5[%dma_start3A, %dma_start3A_6] : memref<2x1024xi32, #tpu.memory_space<vmem>> -> memref<1x1024xi32, #tpu.memory_space<vmem>>
    %dma_start3A_8 = tpu.memref_squeeze %dma_start3A_7 : memref<1x1024xi32, #tpu.memory_space<vmem>> -> memref<1024xi32, #tpu.memory_space<vmem>>
    %dma_start3A_9 = tpu.memref_slice %arg3[%mul3A_4] : memref<3276800xi32, #tpu.memory_space<hbm>> -> memref<1024xi32, #tpu.memory_space<hbm>>
    %dma_start3A_10 = tpu.memref_slice %arg8[%dma_start3A_5] : memref<2x!tpu.dma_semaphore, #tpu.memory_space<semaphore_mem>> -> memref<1x!tpu.dma_semaphore, #tpu.memory_space<semaphore_mem>>
    %dma_start3A_11 = tpu.memref_squeeze %dma_start3A_10 : memref<1x!tpu.dma_semaphore, #tpu.memory_space<semaphore_mem>> -> memref<!tpu.dma_semaphore, #tpu.memory_space<semaphore_mem>>
    %dma_start3A_12 = arith.constant 0 : i32
    %dma_start3A_13 = tpu.memref_slice %arg5[%dma_start3A, %dma_start3A_12] : memref<2x1024xi32, #tpu.memory_space<vmem>> -> memref<1x1024xi32, #tpu.memory_space<vmem>>
    %dma_start3A_14 = tpu.memref_squeeze %dma_start3A_13 : memref<1x1024xi32, #tpu.memory_space<vmem>> -> memref<1024xi32, #tpu.memory_space<vmem>>
    %dma_start3A_15 = tpu.memref_slice %arg3[%mul3A_4] : memref<3276800xi32, #tpu.memory_space<hbm>> -> memref<1024xi32, #tpu.memory_space<hbm>>
    tpu.enqueue_dma source(%dma_start3A_15 : memref<1024xi32, #tpu.memory_space<hbm>>) target(%dma_start3A_14 : memref<1024xi32, #tpu.memory_space<vmem>>) target_semaphore(%dma_start3A_11 : memref<!tpu.dma_semaphore, #tpu.memory_space<semaphore_mem>>)
    %add3A_16 = arith.constant 1 : i32
    %add3A_17 = arith.addi %mul3A_2, %add3A_16 : i32
    %mul3A_18 = arith.constant 1024 : i32
    %mul3A_19 = arith.muli %add3A_17, %mul3A_18 : i32
    %dma_start3A_20 = arith.constant 1 : i32
    %dma_start3A_21 = arith.constant 1 : i32
    %dma_start3A_22 = arith.constant 0 : i32
    %dma_start3A_23 = tpu.memref_slice %arg5[%dma_start3A_20, %dma_start3A_22] : memref<2x1024xi32, #tpu.memory_space<vmem>> -> memref<1x1024xi32, #tpu.memory_space<vmem>>
    %dma_start3A_24 = tpu.memref_squeeze %dma_start3A_23 : memref<1x1024xi32, #tpu.memory_space<vmem>> -> memref<1024xi32, #tpu.memory_space<vmem>>
    %dma_start3A_25 = tpu.memref_slice %arg3[%mul3A_19] : memref<3276800xi32, #tpu.memory_space<hbm>> -> memref<1024xi32, #tpu.memory_space<hbm>>
    %dma_start3A_26 = tpu.memref_slice %arg8[%dma_start3A_21] : memref<2x!tpu.dma_semaphore, #tpu.memory_space<semaphore_mem>> -> memref<1x!tpu.dma_semaphore, #tpu.memory_space<semaphore_mem>>
    %dma_start3A_27 = tpu.memref_squeeze %dma_start3A_26 : memref<1x!tpu.dma_semaphore, #tpu.memory_space<semaphore_mem>> -> memref<!tpu.dma_semaphore, #tpu.memory_space<semaphore_mem>>
    %dma_start3A_28 = arith.constant 0 : i32
    %dma_start3A_29 = tpu.memref_slice %arg5[%dma_start3A_20, %dma_start3A_28] : memref<2x1024xi32, #tpu.memory_space<vmem>> -> memref<1x1024xi32, #tpu.memory_space<vmem>>
    %dma_start3A_30 = tpu.memref_squeeze %dma_start3A_29 : memref<1x1024xi32, #tpu.memory_space<vmem>> -> memref<1024xi32, #tpu.memory_space<vmem>>
    %dma_start3A_31 = tpu.memref_slice %arg3[%mul3A_19] : memref<3276800xi32, #tpu.memory_space<hbm>> -> memref<1024xi32, #tpu.memory_space<hbm>>
    tpu.enqueue_dma source(%dma_start3A_31 : memref<1024xi32, #tpu.memory_space<hbm>>) target(%dma_start3A_30 : memref<1024xi32, #tpu.memory_space<vmem>>) target_semaphore(%dma_start3A_27 : memref<!tpu.dma_semaphore, #tpu.memory_space<semaphore_mem>>)
    %dma_wait3A = arith.constant 0 : i32
    %dma_wait3A_32 = arith.constant 0 : i32
    %dma_wait3A_33 = arith.constant 0 : i32
    %dma_wait3A_34 = tpu.memref_slice %arg5[%dma_wait3A, %dma_wait3A_33] : memref<2x1024xi32, #tpu.memory_space<vmem>> -> memref<1x1024xi32, #tpu.memory_space<vmem>>
    %dma_wait3A_35 = tpu.memref_squeeze %dma_wait3A_34 : memref<1x1024xi32, #tpu.memory_space<vmem>> -> memref<1024xi32, #tpu.memory_space<vmem>>
    %dma_wait3A_36 = arith.constant 0 : i32
    %dma_wait3A_37 = tpu.memref_slice %arg3[%dma_wait3A_36] : memref<3276800xi32, #tpu.memory_space<hbm>> -> memref<1024xi32, #tpu.memory_space<hbm>>
    %dma_wait3A_38 = tpu.memref_slice %arg8[%dma_wait3A_32] : memref<2x!tpu.dma_semaphore, #tpu.memory_space<semaphore_mem>> -> memref<1x!tpu.dma_semaphore, #tpu.memory_space<semaphore_mem>>
    %dma_wait3A_39 = tpu.memref_squeeze %dma_wait3A_38 : memref<1x!tpu.dma_semaphore, #tpu.memory_space<semaphore_mem>> -> memref<!tpu.dma_semaphore, #tpu.memory_space<semaphore_mem>>
    %dma_wait3A_40 = arith.constant 0 : i32
    %dma_wait3A_41 = tpu.memref_slice %arg5[%dma_wait3A, %dma_wait3A_40] : memref<2x1024xi32, #tpu.memory_space<vmem>> -> memref<1x1024xi32, #tpu.memory_space<vmem>>
    %dma_wait3A_42 = tpu.memref_squeeze %dma_wait3A_41 : memref<1x1024xi32, #tpu.memory_space<vmem>> -> memref<1024xi32, #tpu.memory_space<vmem>>
    %dma_wait3A_43 = arith.constant 0 : i32
    %dma_wait3A_44 = tpu.memref_slice %arg3[%dma_wait3A_43] : memref<3276800xi32, #tpu.memory_space<hbm>> -> memref<1024xi32, #tpu.memory_space<hbm>>
    tpu.wait_dma2 semaphore(%dma_wait3A_39 : memref<!tpu.dma_semaphore, #tpu.memory_space<semaphore_mem>>) src(%dma_wait3A_44 : memref<1024xi32, #tpu.memory_space<hbm>>) dst(%dma_wait3A_42 : memref<1024xi32, #tpu.memory_space<vmem>>)
    %dma_start3A_45 = arith.constant 0 : i32
    %dma_start3A_46 = arith.constant 0 : i32
    %dma_start3A_47 = arith.constant 0 : i32
    %dma_start3A_48 = arith.constant 0 : i32
    %dma_start3A_49 = arith.constant 0 : i32
    %dma_start3A_50 = tpu.memref_slice %arg6[%dma_start3A_46, %dma_start3A_48, %dma_start3A_49] : memref<2x1024x32xf32, #tpu.memory_space<vmem>> -> memref<1x1024x32xf32, #tpu.memory_space<vmem>>
    %dma_start3A_51 = tpu.memref_squeeze %dma_start3A_50 : memref<1x1024x32xf32, #tpu.memory_space<vmem>> -> memref<1024x32xf32, #tpu.memory_space<vmem>>
    %dma_start3A_52 = arith.constant 0 : i32
    %dma_start3A_53 = tpu.memref_slice %arg5[%dma_start3A_45, %dma_start3A_52] : memref<2x1024xi32, #tpu.memory_space<vmem>> -> memref<1x1024xi32, #tpu.memory_space<vmem>>
    %dma_start3A_54 = tpu.memref_squeeze %dma_start3A_53 : memref<1x1024xi32, #tpu.memory_space<vmem>> -> memref<1024xi32, #tpu.memory_space<vmem>>
    %dma_start3A_55 = arith.constant 0 : i32
    %dma_start3A_56 = arith.constant 0 : i32
    %dma_start3A_57 = tpu.memref_slice %arg2[%dma_start3A_55, %dma_start3A_56] : memref<1000000x32xf32, #tpu.memory_space<hbm>> -> memref<1000000x32xf32, #tpu.memory_space<hbm>>
    %dma_start3A_58 = tpu.memref_slice %arg9[%dma_start3A_47] : memref<2x!tpu.dma_semaphore, #tpu.memory_space<semaphore_mem>> -> memref<1x!tpu.dma_semaphore, #tpu.memory_space<semaphore_mem>>
    %dma_start3A_59 = tpu.memref_squeeze %dma_start3A_58 : memref<1x!tpu.dma_semaphore, #tpu.memory_space<semaphore_mem>> -> memref<!tpu.dma_semaphore, #tpu.memory_space<semaphore_mem>>
    tpu.enqueue_indirect_dma source(%dma_start3A_57 : memref<1000000x32xf32, #tpu.memory_space<hbm>>) target(%dma_start3A_51 : memref<1024x32xf32, #tpu.memory_space<vmem>>) offsets(%dma_start3A_54 : memref<1024xi32, #tpu.memory_space<vmem>>) semaphore(%dma_start3A_59 : memref<!tpu.dma_semaphore, #tpu.memory_space<semaphore_mem>>)
    %scan3A = arith.constant 0 : i32
    %scan3A_60 = arith.constant 0 : i32
    %scan3A_61 = arith.constant 50 : i32
    %scan3A_62 = arith.addi %scan3A_60, %scan3A_61 : i32
    %scan3A_63 = arith.constant 1 : i32
    scf.for %scan3A_65 = %scan3A_60 to %scan3A_62 step %scan3A_63  : i32 {
      %mul3A_66 = arith.constant 2 : i32
      %mul3A_67 = arith.muli %scan3A_65, %mul3A_66 : i32
      %add3A_68 = arith.addi %mul3A_2, %mul3A_67 : i32
      %add3A_69 = arith.constant 0 : i32
      %add3A_70 = arith.addi %add3A_68, %add3A_69 : i32
      %dma_wait3A_71 = arith.constant 0 : i32
      %dma_wait3A_72 = arith.constant 0 : i32
      %dma_wait3A_73 = arith.constant 0 : i32
      %dma_wait3A_74 = arith.constant 0 : i32
      %dma_wait3A_75 = arith.constant 0 : i32
      %dma_wait3A_76 = tpu.memref_slice %arg6[%dma_wait3A_72, %dma_wait3A_74, %dma_wait3A_75] : memref<2x1024x32xf32, #tpu.memory_space<vmem>> -> memref<1x1024x32xf32, #tpu.memory_space<vmem>>
      %dma_wait3A_77 = tpu.memref_squeeze %dma_wait3A_76 : memref<1x1024x32xf32, #tpu.memory_space<vmem>> -> memref<1024x32xf32, #tpu.memory_space<vmem>>
      %dma_wait3A_78 = arith.constant 0 : i32
      %dma_wait3A_79 = tpu.memref_slice %arg5[%dma_wait3A_71, %dma_wait3A_78] : memref<2x1024xi32, #tpu.memory_space<vmem>> -> memref<1x1024xi32, #tpu.memory_space<vmem>>
      %dma_wait3A_80 = tpu.memref_squeeze %dma_wait3A_79 : memref<1x1024xi32, #tpu.memory_space<vmem>> -> memref<1024xi32, #tpu.memory_space<vmem>>
      %dma_wait3A_81 = arith.constant 0 : i32
      %dma_wait3A_82 = arith.constant 0 : i32
      %dma_wait3A_83 = tpu.memref_slice %arg2[%dma_wait3A_81, %dma_wait3A_82] : memref<1000000x32xf32, #tpu.memory_space<hbm>> -> memref<1000000x32xf32, #tpu.memory_space<hbm>>
      %dma_wait3A_84 = tpu.memref_slice %arg9[%dma_wait3A_73] : memref<2x!tpu.dma_semaphore, #tpu.memory_space<semaphore_mem>> -> memref<1x!tpu.dma_semaphore, #tpu.memory_space<semaphore_mem>>
      %dma_wait3A_85 = tpu.memref_squeeze %dma_wait3A_84 : memref<1x!tpu.dma_semaphore, #tpu.memory_space<semaphore_mem>> -> memref<!tpu.dma_semaphore, #tpu.memory_space<semaphore_mem>>
      tpu.wait_indirect_dma semaphore(%dma_wait3A_85 : memref<!tpu.dma_semaphore, #tpu.memory_space<semaphore_mem>>) src(%dma_wait3A_83 : memref<1000000x32xf32, #tpu.memory_space<hbm>>) dst(%dma_wait3A_77 : memref<1024x32xf32, #tpu.memory_space<vmem>>)
      %add3A_86 = arith.constant 1 : i32
      %add3A_87 = arith.addi %add3A_70, %add3A_86 : i32
      %add3A_88 = arith.constant 100 : i32
      %add3A_89 = arith.addi %mul3A_2, %add3A_88 : i32
      %lt3A = arith.cmpi slt, %add3A_87, %add3A_89 : i32
      %convert_element_type3A = arith.extui %lt3A : i1 to i32
      %cond3A = arith.constant 0 : i32
      %cond3A_90 = arith.cmpi ne, %convert_element_type3A, %cond3A : i32
      scf.if %cond3A_90 {
        %dma_wait3A_251 = arith.constant 1 : i32
        %dma_wait3A_252 = arith.constant 1 : i32
        %dma_wait3A_253 = arith.constant 0 : i32
        %dma_wait3A_254 = tpu.memref_slice %arg5[%dma_wait3A_251, %dma_wait3A_253] : memref<2x1024xi32, #tpu.memory_space<vmem>> -> memref<1x1024xi32, #tpu.memory_space<vmem>>
        %dma_wait3A_255 = tpu.memref_squeeze %dma_wait3A_254 : memref<1x1024xi32, #tpu.memory_space<vmem>> -> memref<1024xi32, #tpu.memory_space<vmem>>
        %dma_wait3A_256 = arith.constant 0 : i32
        %dma_wait3A_257 = tpu.memref_slice %arg3[%dma_wait3A_256] : memref<3276800xi32, #tpu.memory_space<hbm>> -> memref<1024xi32, #tpu.memory_space<hbm>>
        %dma_wait3A_258 = tpu.memref_slice %arg8[%dma_wait3A_252] : memref<2x!tpu.dma_semaphore, #tpu.memory_space<semaphore_mem>> -> memref<1x!tpu.dma_semaphore, #tpu.memory_space<semaphore_mem>>
        %dma_wait3A_259 = tpu.memref_squeeze %dma_wait3A_258 : memref<1x!tpu.dma_semaphore, #tpu.memory_space<semaphore_mem>> -> memref<!tpu.dma_semaphore, #tpu.memory_space<semaphore_mem>>
        %dma_wait3A_260 = arith.constant 0 : i32
        %dma_wait3A_261 = tpu.memref_slice %arg5[%dma_wait3A_251, %dma_wait3A_260] : memref<2x1024xi32, #tpu.memory_space<vmem>> -> memref<1x1024xi32, #tpu.memory_space<vmem>>
        %dma_wait3A_262 = tpu.memref_squeeze %dma_wait3A_261 : memref<1x1024xi32, #tpu.memory_space<vmem>> -> memref<1024xi32, #tpu.memory_space<vmem>>
        %dma_wait3A_263 = arith.constant 0 : i32
        %dma_wait3A_264 = tpu.memref_slice %arg3[%dma_wait3A_263] : memref<3276800xi32, #tpu.memory_space<hbm>> -> memref<1024xi32, #tpu.memory_space<hbm>>
        tpu.wait_dma2 semaphore(%dma_wait3A_259 : memref<!tpu.dma_semaphore, #tpu.memory_space<semaphore_mem>>) src(%dma_wait3A_264 : memref<1024xi32, #tpu.memory_space<hbm>>) dst(%dma_wait3A_262 : memref<1024xi32, #tpu.memory_space<vmem>>)
        %dma_start3A_265 = arith.constant 1 : i32
        %dma_start3A_266 = arith.constant 1 : i32
        %dma_start3A_267 = arith.constant 1 : i32
        %dma_start3A_268 = arith.constant 0 : i32
        %dma_start3A_269 = arith.constant 0 : i32
        %dma_start3A_270 = tpu.memref_slice %arg6[%dma_start3A_266, %dma_start3A_268, %dma_start3A_269] : memref<2x1024x32xf32, #tpu.memory_space<vmem>> -> memref<1x1024x32xf32, #tpu.memory_space<vmem>>
        %dma_start3A_271 = tpu.memref_squeeze %dma_start3A_270 : memref<1x1024x32xf32, #tpu.memory_space<vmem>> -> memref<1024x32xf32, #tpu.memory_space<vmem>>
        %dma_start3A_272 = arith.constant 0 : i32
        %dma_start3A_273 = tpu.memref_slice %arg5[%dma_start3A_265, %dma_start3A_272] : memref<2x1024xi32, #tpu.memory_space<vmem>> -> memref<1x1024xi32, #tpu.memory_space<vmem>>
        %dma_start3A_274 = tpu.memref_squeeze %dma_start3A_273 : memref<1x1024xi32, #tpu.memory_space<vmem>> -> memref<1024xi32, #tpu.memory_space<vmem>>
        %dma_start3A_275 = arith.constant 0 : i32
        %dma_start3A_276 = arith.constant 0 : i32
        %dma_start3A_277 = tpu.memref_slice %arg2[%dma_start3A_275, %dma_start3A_276] : memref<1000000x32xf32, #tpu.memory_space<hbm>> -> memref<1000000x32xf32, #tpu.memory_space<hbm>>
        %dma_start3A_278 = tpu.memref_slice %arg9[%dma_start3A_267] : memref<2x!tpu.dma_semaphore, #tpu.memory_space<semaphore_mem>> -> memref<1x!tpu.dma_semaphore, #tpu.memory_space<semaphore_mem>>
        %dma_start3A_279 = tpu.memref_squeeze %dma_start3A_278 : memref<1x!tpu.dma_semaphore, #tpu.memory_space<semaphore_mem>> -> memref<!tpu.dma_semaphore, #tpu.memory_space<semaphore_mem>>
        tpu.enqueue_indirect_dma source(%dma_start3A_277 : memref<1000000x32xf32, #tpu.memory_space<hbm>>) target(%dma_start3A_271 : memref<1024x32xf32, #tpu.memory_space<vmem>>) offsets(%dma_start3A_274 : memref<1024xi32, #tpu.memory_space<vmem>>) semaphore(%dma_start3A_279 : memref<!tpu.dma_semaphore, #tpu.memory_space<semaphore_mem>>)
      } else {
      }
      %add3A_91 = arith.constant 2 : i32
      %add3A_92 = arith.addi %add3A_70, %add3A_91 : i32
      %add3A_93 = arith.constant 100 : i32
      %add3A_94 = arith.addi %mul3A_2, %add3A_93 : i32
      %lt3A_95 = arith.cmpi slt, %add3A_92, %add3A_94 : i32
      %convert_element_type3A_96 = arith.extui %lt3A_95 : i1 to i32
      %cond3A_97 = arith.constant 0 : i32
      %cond3A_98 = arith.cmpi ne, %convert_element_type3A_96, %cond3A_97 : i32
      scf.if %cond3A_98 {
        %add3A_251 = arith.constant 2 : i32
        %add3A_252 = arith.addi %add3A_70, %add3A_251 : i32
        %mul3A_253 = arith.constant 1024 : i32
        %mul3A_254 = arith.muli %add3A_252, %mul3A_253 : i32
        %dma_start3A_255 = arith.constant 0 : i32
        %dma_start3A_256 = arith.constant 0 : i32
        %dma_start3A_257 = arith.constant 0 : i32
        %dma_start3A_258 = tpu.memref_slice %arg5[%dma_start3A_255, %dma_start3A_257] : memref<2x1024xi32, #tpu.memory_space<vmem>> -> memref<1x1024xi32, #tpu.memory_space<vmem>>
        %dma_start3A_259 = tpu.memref_squeeze %dma_start3A_258 : memref<1x1024xi32, #tpu.memory_space<vmem>> -> memref<1024xi32, #tpu.memory_space<vmem>>
        %dma_start3A_260 = tpu.memref_slice %arg3[%mul3A_254] : memref<3276800xi32, #tpu.memory_space<hbm>> -> memref<1024xi32, #tpu.memory_space<hbm>>
        %dma_start3A_261 = tpu.memref_slice %arg8[%dma_start3A_256] : memref<2x!tpu.dma_semaphore, #tpu.memory_space<semaphore_mem>> -> memref<1x!tpu.dma_semaphore, #tpu.memory_space<semaphore_mem>>
        %dma_start3A_262 = tpu.memref_squeeze %dma_start3A_261 : memref<1x!tpu.dma_semaphore, #tpu.memory_space<semaphore_mem>> -> memref<!tpu.dma_semaphore, #tpu.memory_space<semaphore_mem>>
        %dma_start3A_263 = arith.constant 0 : i32
        %dma_start3A_264 = tpu.memref_slice %arg5[%dma_start3A_255, %dma_start3A_263] : memref<2x1024xi32, #tpu.memory_space<vmem>> -> memref<1x1024xi32, #tpu.memory_space<vmem>>
        %dma_start3A_265 = tpu.memref_squeeze %dma_start3A_264 : memref<1x1024xi32, #tpu.memory_space<vmem>> -> memref<1024xi32, #tpu.memory_space<vmem>>
        %dma_start3A_266 = tpu.memref_slice %arg3[%mul3A_254] : memref<3276800xi32, #tpu.memory_space<hbm>> -> memref<1024xi32, #tpu.memory_space<hbm>>
        tpu.enqueue_dma source(%dma_start3A_266 : memref<1024xi32, #tpu.memory_space<hbm>>) target(%dma_start3A_265 : memref<1024xi32, #tpu.memory_space<vmem>>) target_semaphore(%dma_start3A_262 : memref<!tpu.dma_semaphore, #tpu.memory_space<semaphore_mem>>)
      } else {
      }
      %scan3A_99 = arith.constant 0 : i32
      %scan3A_100 = arith.constant 0 : i32
      %scan3A_101 = arith.constant 8 : i32
      %scan3A_102 = arith.addi %scan3A_100, %scan3A_101 : i32
      %scan3A_103 = arith.constant 1 : i32
      scf.for %scan3A_251 = %scan3A_100 to %scan3A_102 step %scan3A_103  : i32 {
        %jit3A = arith.constant 2 : i32
        %eq3A = arith.constant 0 : i32
        %eq3A_252 = arith.cmpi eq, %jit3A, %eq3A : i32
        %jit3A_253 = arith.constant 1 : i32
        %select_n3A = arith.select %eq3A_252, %jit3A_253, %jit3A : i32
        %rem3A = arith.remsi %scan3A_251, %select_n3A : i32
        %ne3A = arith.constant 0 : i32
        %ne3A_254 = arith.cmpi ne, %rem3A, %ne3A : i32
        %lt3A_255 = arith.constant 0 : i32
        %lt3A_256 = arith.cmpi slt, %rem3A, %lt3A_255 : i32
        %lt3A_257 = arith.constant 0 : i32
        %lt3A_258 = arith.cmpi slt, %select_n3A, %lt3A_257 : i32
        %ne3A_259 = arith.xori %lt3A_256, %lt3A_258 : i1
        %and3A = arith.andi %ne3A_259, %ne3A_254 : i1
        %add3A_260 = arith.addi %rem3A, %select_n3A : i32
        %select_n3A_261 = arith.select %and3A, %add3A_260, %rem3A : i32
        %mul3A_262 = arith.constant 128 : i32
        %mul3A_263 = arith.muli %scan3A_251, %mul3A_262 : i32
        %ge3A = arith.constant 2 : i32
        %ge3A_264 = arith.cmpi sge, %scan3A_251, %ge3A : i32
        %convert_element_type3A_265 = arith.extui %ge3A_264 : i1 to i32
        %cond3A_266 = arith.constant 0 : i32
        %cond3A_267 = arith.cmpi ne, %convert_element_type3A_265, %cond3A_266 : i32
        scf.if %cond3A_267 {
          %dma_wait3A_332 = arith.constant 0 : i32
          %dma_wait3A_333 = arith.constant 0 : i32
          %dma_wait3A_334 = arith.constant 0 : i32
          %dma_wait3A_335 = arith.constant 0 : i32
          %dma_wait3A_336 = arith.constant 0 : i32
          %dma_wait3A_337 = tpu.memref_slice %arg7[%select_n3A_261, %dma_wait3A_334, %dma_wait3A_335, %dma_wait3A_336] : memref<2x4x8x128xf32, #tpu.memory_space<vmem>> -> memref<1x4x8x128xf32, #tpu.memory_space<vmem>>
          %dma_wait3A_338 = tpu.memref_squeeze %dma_wait3A_337 : memref<1x4x8x128xf32, #tpu.memory_space<vmem>> -> memref<4x8x128xf32, #tpu.memory_space<vmem>>
          %dma_wait3A_339 = arith.constant 0 : i32
          %dma_wait3A_340 = arith.constant 0 : i32
          %dma_wait3A_341 = arith.constant 0 : i32
          %dma_wait3A_342 = tpu.memref_slice %arg4[%dma_wait3A_332, %dma_wait3A_339, %dma_wait3A_333, %dma_wait3A_340, %dma_wait3A_341] : memref<200x4x128x8x128xf32, #tpu.memory_space<hbm>> -> memref<1x4x1x8x128xf32, #tpu.memory_space<hbm>>
          %dma_wait3A_343 = tpu.memref_squeeze %dma_wait3A_342 : memref<1x4x1x8x128xf32, #tpu.memory_space<hbm>> -> memref<4x8x128xf32, #tpu.memory_space<hbm>>
          %dma_wait3A_344 = tpu.memref_slice %arg10[%select_n3A_261] : memref<2x!tpu.dma_semaphore, #tpu.memory_space<semaphore_mem>> -> memref<1x!tpu.dma_semaphore, #tpu.memory_space<semaphore_mem>>
          %dma_wait3A_345 = tpu.memref_squeeze %dma_wait3A_344 : memref<1x!tpu.dma_semaphore, #tpu.memory_space<semaphore_mem>> -> memref<!tpu.dma_semaphore, #tpu.memory_space<semaphore_mem>>
          %dma_wait3A_346 = arith.constant 0 : i32
          %dma_wait3A_347 = arith.constant 0 : i32
          %dma_wait3A_348 = arith.constant 0 : i32
          %dma_wait3A_349 = tpu.memref_slice %arg4[%dma_wait3A_332, %dma_wait3A_346, %dma_wait3A_333, %dma_wait3A_347, %dma_wait3A_348] : memref<200x4x128x8x128xf32, #tpu.memory_space<hbm>> -> memref<1x4x1x8x128xf32, #tpu.memory_space<hbm>>
          %dma_wait3A_350 = tpu.memref_squeeze %dma_wait3A_349 : memref<1x4x1x8x128xf32, #tpu.memory_space<hbm>> -> memref<4x8x128xf32, #tpu.memory_space<hbm>>
          %dma_wait3A_351 = arith.constant 0 : i32
          %dma_wait3A_352 = arith.constant 0 : i32
          %dma_wait3A_353 = arith.constant 0 : i32
          %dma_wait3A_354 = tpu.memref_slice %arg7[%select_n3A_261, %dma_wait3A_351, %dma_wait3A_352, %dma_wait3A_353] : memref<2x4x8x128xf32, #tpu.memory_space<vmem>> -> memref<1x4x8x128xf32, #tpu.memory_space<vmem>>
          %dma_wait3A_355 = tpu.memref_squeeze %dma_wait3A_354 : memref<1x4x8x128xf32, #tpu.memory_space<vmem>> -> memref<4x8x128xf32, #tpu.memory_space<vmem>>
          tpu.wait_dma2 semaphore(%dma_wait3A_345 : memref<!tpu.dma_semaphore, #tpu.memory_space<semaphore_mem>>) src(%dma_wait3A_355 : memref<4x8x128xf32, #tpu.memory_space<vmem>>) dst(%dma_wait3A_350 : memref<4x8x128xf32, #tpu.memory_space<hbm>>)
        } else {
        }
        %parallel_loop3A = arith.constant 0 : i32
        %parallel_loop3A_268 = arith.constant 16 : i32
        %parallel_loop3A_269 = arith.constant 1 : i32
        scf.for %parallel_loop3A_332 = %parallel_loop3A to %parallel_loop3A_268 step %parallel_loop3A_269  : i32 {
          %parallel_loop3A_333 = vector.broadcast %parallel_loop3A_332 : i32 to vector<16xi32>
          %parallel_loop3A_334 = arith.addi %iota3A, %parallel_loop3A_333 : vector<16xi32>
          %parallel_loop3A_335 = arith.constant 15 : i32
          %parallel_loop3A_336 = vector.broadcast %parallel_loop3A_335 : i32 to vector<16xi32>
          %parallel_loop3A_337 = arith.andi %parallel_loop3A_334, %parallel_loop3A_336 : vector<16xi32>
          %parallel_loop3A_338 = arith.constant 16 : i32
          %parallel_loop3A_339 = vector.broadcast %parallel_loop3A_338 : i32 to vector<16xi32>
          %parallel_loop3A_340 = arith.addi %parallel_loop3A_337, %parallel_loop3A_339 : vector<16xi32>
          %parallel_loop3A_341 = arith.constant 3 : i32
          %parallel_loop3A_342 = vector.broadcast %parallel_loop3A_341 : i32 to vector<16xi32>
          %parallel_loop3A_343 = arith.shrsi %parallel_loop3A_337, %parallel_loop3A_342 : vector<16xi32>
          %parallel_loop3A_344 = arith.constant 7 : i32
          %parallel_loop3A_345 = vector.broadcast %parallel_loop3A_344 : i32 to vector<16xi32>
          %parallel_loop3A_346 = arith.andi %parallel_loop3A_337, %parallel_loop3A_345 : vector<16xi32>
          %parallel_loop3A_347 = arith.constant 3 : i32
          %parallel_loop3A_348 = vector.broadcast %parallel_loop3A_347 : i32 to vector<16xi32>
          %parallel_loop3A_349 = arith.shrsi %parallel_loop3A_340, %parallel_loop3A_348 : vector<16xi32>
          %parallel_loop3A_350 = arith.constant 7 : i32
          %parallel_loop3A_351 = vector.broadcast %parallel_loop3A_350 : i32 to vector<16xi32>
          %parallel_loop3A_352 = arith.andi %parallel_loop3A_340, %parallel_loop3A_351 : vector<16xi32>
          %parallel_loop3A_353 = arith.constant 0 : i32
          %parallel_loop3A_354 = vector.broadcast %parallel_loop3A_353 : i32 to vector<16xi32>
          %parallel_loop3A_355 = arith.addi %parallel_loop3A_354, %iota3A : vector<16xi32>
          %parallel_loop3A_356 = vector.broadcast %mul3A_263 : i32 to vector<16xi32>
          %parallel_loop3A_357 = arith.addi %parallel_loop3A_356, %parallel_loop3A_355 : vector<16xi32>
          %parallel_loop3A_358 = arith.constant 0 : i32
          %parallel_loop3A_359 = arith.constant 0 : i32
          %parallel_loop3A_360 = arith.constant 0 : i32
          %parallel_loop3A_361 = tpu.memref_slice %arg6[%parallel_loop3A_358, %parallel_loop3A_359, %parallel_loop3A_360] : memref<2x1024x32xf32, #tpu.memory_space<vmem>> -> memref<1x1024x32xf32, #tpu.memory_space<vmem>>
          %parallel_loop3A_362 = tpu.memref_squeeze %parallel_loop3A_361 : memref<1x1024x32xf32, #tpu.memory_space<vmem>> -> memref<1024x32xf32, #tpu.memory_space<vmem>>
          %parallel_loop3A_363 = tpu.vector_load_idx %parallel_loop3A_362[%parallel_loop3A_357, %parallel_loop3A_337] : memref<1024x32xf32, #tpu.memory_space<vmem>>[vector<16xi32>, vector<16xi32>], vector<16xf32>,
          %parallel_loop3A_364 = arith.constant 0 : i32
          %parallel_loop3A_365 = arith.constant 0 : i32
          %parallel_loop3A_366 = arith.constant 0 : i32
          %parallel_loop3A_367 = tpu.memref_slice %arg7[%select_n3A_261, %parallel_loop3A_364, %parallel_loop3A_365, %parallel_loop3A_366] : memref<2x4x8x128xf32, #tpu.memory_space<vmem>> -> memref<1x4x8x128xf32, #tpu.memory_space<vmem>>
          %parallel_loop3A_368 = tpu.memref_squeeze %parallel_loop3A_367 : memref<1x4x8x128xf32, #tpu.memory_space<vmem>> -> memref<4x8x128xf32, #tpu.memory_space<vmem>>
          tpu.vector_store_idx %parallel_loop3A_368[%parallel_loop3A_343, %parallel_loop3A_346, %parallel_loop3A_355], %parallel_loop3A_363 : memref<4x8x128xf32, #tpu.memory_space<vmem>>[vector<16xi32>, vector<16xi32>, vector<16xi32>], vector<16xf32>,
          %parallel_loop3A_369 = arith.constant 0 : i32
          %parallel_loop3A_370 = arith.constant 0 : i32
          %parallel_loop3A_371 = arith.constant 0 : i32
          %parallel_loop3A_372 = tpu.memref_slice %arg6[%parallel_loop3A_369, %parallel_loop3A_370, %parallel_loop3A_371] : memref<2x1024x32xf32, #tpu.memory_space<vmem>> -> memref<1x1024x32xf32, #tpu.memory_space<vmem>>
          %parallel_loop3A_373 = tpu.memref_squeeze %parallel_loop3A_372 : memref<1x1024x32xf32, #tpu.memory_space<vmem>> -> memref<1024x32xf32, #tpu.memory_space<vmem>>
          %parallel_loop3A_374 = tpu.vector_load_idx %parallel_loop3A_373[%parallel_loop3A_357, %parallel_loop3A_340] : memref<1024x32xf32, #tpu.memory_space<vmem>>[vector<16xi32>, vector<16xi32>], vector<16xf32>,
          %parallel_loop3A_375 = arith.constant 0 : i32
          %parallel_loop3A_376 = arith.constant 0 : i32
          %parallel_loop3A_377 = arith.constant 0 : i32
          %parallel_loop3A_378 = tpu.memref_slice %arg7[%select_n3A_261, %parallel_loop3A_375, %parallel_loop3A_376, %parallel_loop3A_377] : memref<2x4x8x128xf32, #tpu.memory_space<vmem>> -> memref<1x4x8x128xf32, #tpu.memory_space<vmem>>
          %parallel_loop3A_379 = tpu.memref_squeeze %parallel_loop3A_378 : memref<1x4x8x128xf32, #tpu.memory_space<vmem>> -> memref<4x8x128xf32, #tpu.memory_space<vmem>>
          tpu.vector_store_idx %parallel_loop3A_379[%parallel_loop3A_349, %parallel_loop3A_352, %parallel_loop3A_355], %parallel_loop3A_374 : memref<4x8x128xf32, #tpu.memory_space<vmem>>[vector<16xi32>, vector<16xi32>, vector<16xi32>], vector<16xf32>,
          %parallel_loop3A_380 = arith.constant 16 : i32
          %parallel_loop3A_381 = vector.broadcast %parallel_loop3A_380 : i32 to vector<16xi32>
          %parallel_loop3A_382 = arith.addi %parallel_loop3A_381, %iota3A : vector<16xi32>
          %parallel_loop3A_383 = vector.broadcast %mul3A_263 : i32 to vector<16xi32>
          %parallel_loop3A_384 = arith.addi %parallel_loop3A_383, %parallel_loop3A_382 : vector<16xi32>
          %parallel_loop3A_385 = arith.constant 0 : i32
          %parallel_loop3A_386 = arith.constant 0 : i32
          %parallel_loop3A_387 = arith.constant 0 : i32
          %parallel_loop3A_388 = tpu.memref_slice %arg6[%parallel_loop3A_385, %parallel_loop3A_386, %parallel_loop3A_387] : memref<2x1024x32xf32, #tpu.memory_space<vmem>> -> memref<1x1024x32xf32, #tpu.memory_space<vmem>>
          %parallel_loop3A_389 = tpu.memref_squeeze %parallel_loop3A_388 : memref<1x1024x32xf32, #tpu.memory_space<vmem>> -> memref<1024x32xf32, #tpu.memory_space<vmem>>
          %parallel_loop3A_390 = tpu.vector_load_idx %parallel_loop3A_389[%parallel_loop3A_384, %parallel_loop3A_337] : memref<1024x32xf32, #tpu.memory_space<vmem>>[vector<16xi32>, vector<16xi32>], vector<16xf32>,
          %parallel_loop3A_391 = arith.constant 0 : i32
          %parallel_loop3A_392 = arith.constant 0 : i32
          %parallel_loop3A_393 = arith.constant 0 : i32
          %parallel_loop3A_394 = tpu.memref_slice %arg7[%select_n3A_261, %parallel_loop3A_391, %parallel_loop3A_392, %parallel_loop3A_393] : memref<2x4x8x128xf32, #tpu.memory_space<vmem>> -> memref<1x4x8x128xf32, #tpu.memory_space<vmem>>
          %parallel_loop3A_395 = tpu.memref_squeeze %parallel_loop3A_394 : memref<1x4x8x128xf32, #tpu.memory_space<vmem>> -> memref<4x8x128xf32, #tpu.memory_space<vmem>>
          tpu.vector_store_idx %parallel_loop3A_395[%parallel_loop3A_343, %parallel_loop3A_346, %parallel_loop3A_382], %parallel_loop3A_390 : memref<4x8x128xf32, #tpu.memory_space<vmem>>[vector<16xi32>, vector<16xi32>, vector<16xi32>], vector<16xf32>,
          %parallel_loop3A_396 = arith.constant 0 : i32
          %parallel_loop3A_397 = arith.constant 0 : i32
          %parallel_loop3A_398 = arith.constant 0 : i32
          %parallel_loop3A_399 = tpu.memref_slice %arg6[%parallel_loop3A_396, %parallel_loop3A_397, %parallel_loop3A_398] : memref<2x1024x32xf32, #tpu.memory_space<vmem>> -> memref<1x1024x32xf32, #tpu.memory_space<vmem>>
          %parallel_loop3A_400 = tpu.memref_squeeze %parallel_loop3A_399 : memref<1x1024x32xf32, #tpu.memory_space<vmem>> -> memref<1024x32xf32, #tpu.memory_space<vmem>>
          %parallel_loop3A_401 = tpu.vector_load_idx %parallel_loop3A_400[%parallel_loop3A_384, %parallel_loop3A_340] : memref<1024x32xf32, #tpu.memory_space<vmem>>[vector<16xi32>, vector<16xi32>], vector<16xf32>,
          %parallel_loop3A_402 = arith.constant 0 : i32
          %parallel_loop3A_403 = arith.constant 0 : i32
          %parallel_loop3A_404 = arith.constant 0 : i32
          %parallel_loop3A_405 = tpu.memref_slice %arg7[%select_n3A_261, %parallel_loop3A_402, %parallel_loop3A_403, %parallel_loop3A_404] : memref<2x4x8x128xf32, #tpu.memory_space<vmem>> -> memref<1x4x8x128xf32, #tpu.memory_space<vmem>>
          %parallel_loop3A_406 = tpu.memref_squeeze %parallel_loop3A_405 : memref<1x4x8x128xf32, #tpu.memory_space<vmem>> -> memref<4x8x128xf32, #tpu.memory_space<vmem>>
          tpu.vector_store_idx %parallel_loop3A_406[%parallel_loop3A_349, %parallel_loop3A_352, %parallel_loop3A_382], %parallel_loop3A_401 : memref<4x8x128xf32, #tpu.memory_space<vmem>>[vector<16xi32>, vector<16xi32>, vector<16xi32>], vector<16xf32>,
          %parallel_loop3A_407 = arith.constant 32 : i32
          %parallel_loop3A_408 = vector.broadcast %parallel_loop3A_407 : i32 to vector<16xi32>
          %parallel_loop3A_409 = arith.addi %parallel_loop3A_408, %iota3A : vector<16xi32>
          %parallel_loop3A_410 = vector.broadcast %mul3A_263 : i32 to vector<16xi32>
          %parallel_loop3A_411 = arith.addi %parallel_loop3A_410, %parallel_loop3A_409 : vector<16xi32>
          %parallel_loop3A_412 = arith.constant 0 : i32
          %parallel_loop3A_413 = arith.constant 0 : i32
          %parallel_loop3A_414 = arith.constant 0 : i32
          %parallel_loop3A_415 = tpu.memref_slice %arg6[%parallel_loop3A_412, %parallel_loop3A_413, %parallel_loop3A_414] : memref<2x1024x32xf32, #tpu.memory_space<vmem>> -> memref<1x1024x32xf32, #tpu.memory_space<vmem>>
          %parallel_loop3A_416 = tpu.memref_squeeze %parallel_loop3A_415 : memref<1x1024x32xf32, #tpu.memory_space<vmem>> -> memref<1024x32xf32, #tpu.memory_space<vmem>>
          %parallel_loop3A_417 = tpu.vector_load_idx %parallel_loop3A_416[%parallel_loop3A_411, %parallel_loop3A_337] : memref<1024x32xf32, #tpu.memory_space<vmem>>[vector<16xi32>, vector<16xi32>], vector<16xf32>,
          %parallel_loop3A_418 = arith.constant 0 : i32
          %parallel_loop3A_419 = arith.constant 0 : i32
          %parallel_loop3A_420 = arith.constant 0 : i32
          %parallel_loop3A_421 = tpu.memref_slice %arg7[%select_n3A_261, %parallel_loop3A_418, %parallel_loop3A_419, %parallel_loop3A_420] : memref<2x4x8x128xf32, #tpu.memory_space<vmem>> -> memref<1x4x8x128xf32, #tpu.memory_space<vmem>>
          %parallel_loop3A_422 = tpu.memref_squeeze %parallel_loop3A_421 : memref<1x4x8x128xf32, #tpu.memory_space<vmem>> -> memref<4x8x128xf32, #tpu.memory_space<vmem>>
          tpu.vector_store_idx %parallel_loop3A_422[%parallel_loop3A_343, %parallel_loop3A_346, %parallel_loop3A_409], %parallel_loop3A_417 : memref<4x8x128xf32, #tpu.memory_space<vmem>>[vector<16xi32>, vector<16xi32>, vector<16xi32>], vector<16xf32>,
          %parallel_loop3A_423 = arith.constant 0 : i32
          %parallel_loop3A_424 = arith.constant 0 : i32
          %parallel_loop3A_425 = arith.constant 0 : i32
          %parallel_loop3A_426 = tpu.memref_slice %arg6[%parallel_loop3A_423, %parallel_loop3A_424, %parallel_loop3A_425] : memref<2x1024x32xf32, #tpu.memory_space<vmem>> -> memref<1x1024x32xf32, #tpu.memory_space<vmem>>
          %parallel_loop3A_427 = tpu.memref_squeeze %parallel_loop3A_426 : memref<1x1024x32xf32, #tpu.memory_space<vmem>> -> memref<1024x32xf32, #tpu.memory_space<vmem>>
          %parallel_loop3A_428 = tpu.vector_load_idx %parallel_loop3A_427[%parallel_loop3A_411, %parallel_loop3A_340] : memref<1024x32xf32, #tpu.memory_space<vmem>>[vector<16xi32>, vector<16xi32>], vector<16xf32>,
          %parallel_loop3A_429 = arith.constant 0 : i32
          %parallel_loop3A_430 = arith.constant 0 : i32
          %parallel_loop3A_431 = arith.constant 0 : i32
          %parallel_loop3A_432 = tpu.memref_slice %arg7[%select_n3A_261, %parallel_loop3A_429, %parallel_loop3A_430, %parallel_loop3A_431] : memref<2x4x8x128xf32, #tpu.memory_space<vmem>> -> memref<1x4x8x128xf32, #tpu.memory_space<vmem>>
          %parallel_loop3A_433 = tpu.memref_squeeze %parallel_loop3A_432 : memref<1x4x8x128xf32, #tpu.memory_space<vmem>> -> memref<4x8x128xf32, #tpu.memory_space<vmem>>
          tpu.vector_store_idx %parallel_loop3A_433[%parallel_loop3A_349, %parallel_loop3A_352, %parallel_loop3A_409], %parallel_loop3A_428 : memref<4x8x128xf32, #tpu.memory_space<vmem>>[vector<16xi32>, vector<16xi32>, vector<16xi32>], vector<16xf32>,
          %parallel_loop3A_434 = arith.constant 48 : i32
          %parallel_loop3A_435 = vector.broadcast %parallel_loop3A_434 : i32 to vector<16xi32>
          %parallel_loop3A_436 = arith.addi %parallel_loop3A_435, %iota3A : vector<16xi32>
          %parallel_loop3A_437 = vector.broadcast %mul3A_263 : i32 to vector<16xi32>
          %parallel_loop3A_438 = arith.addi %parallel_loop3A_437, %parallel_loop3A_436 : vector<16xi32>
          %parallel_loop3A_439 = arith.constant 0 : i32
          %parallel_loop3A_440 = arith.constant 0 : i32
          %parallel_loop3A_441 = arith.constant 0 : i32
          %parallel_loop3A_442 = tpu.memref_slice %arg6[%parallel_loop3A_439, %parallel_loop3A_440, %parallel_loop3A_441] : memref<2x1024x32xf32, #tpu.memory_space<vmem>> -> memref<1x1024x32xf32, #tpu.memory_space<vmem>>
          %parallel_loop3A_443 = tpu.memref_squeeze %parallel_loop3A_442 : memref<1x1024x32xf32, #tpu.memory_space<vmem>> -> memref<1024x32xf32, #tpu.memory_space<vmem>>
          %parallel_loop3A_444 = tpu.vector_load_idx %parallel_loop3A_443[%parallel_loop3A_438, %parallel_loop3A_337] : memref<1024x32xf32, #tpu.memory_space<vmem>>[vector<16xi32>, vector<16xi32>], vector<16xf32>,
          %parallel_loop3A_445 = arith.constant 0 : i32
          %parallel_loop3A_446 = arith.constant 0 : i32
          %parallel_loop3A_447 = arith.constant 0 : i32
          %parallel_loop3A_448 = tpu.memref_slice %arg7[%select_n3A_261, %parallel_loop3A_445, %parallel_loop3A_446, %parallel_loop3A_447] : memref<2x4x8x128xf32, #tpu.memory_space<vmem>> -> memref<1x4x8x128xf32, #tpu.memory_space<vmem>>
          %parallel_loop3A_449 = tpu.memref_squeeze %parallel_loop3A_448 : memref<1x4x8x128xf32, #tpu.memory_space<vmem>> -> memref<4x8x128xf32, #tpu.memory_space<vmem>>
          tpu.vector_store_idx %parallel_loop3A_449[%parallel_loop3A_343, %parallel_loop3A_346, %parallel_loop3A_436], %parallel_loop3A_444 : memref<4x8x128xf32, #tpu.memory_space<vmem>>[vector<16xi32>, vector<16xi32>, vector<16xi32>], vector<16xf32>,
          %parallel_loop3A_450 = arith.constant 0 : i32
          %parallel_loop3A_451 = arith.constant 0 : i32
          %parallel_loop3A_452 = arith.constant 0 : i32
          %parallel_loop3A_453 = tpu.memref_slice %arg6[%parallel_loop3A_450, %parallel_loop3A_451, %parallel_loop3A_452] : memref<2x1024x32xf32, #tpu.memory_space<vmem>> -> memref<1x1024x32xf32, #tpu.memory_space<vmem>>
          %parallel_loop3A_454 = tpu.memref_squeeze %parallel_loop3A_453 : memref<1x1024x32xf32, #tpu.memory_space<vmem>> -> memref<1024x32xf32, #tpu.memory_space<vmem>>
          %parallel_loop3A_455 = tpu.vector_load_idx %parallel_loop3A_454[%parallel_loop3A_438, %parallel_loop3A_340] : memref<1024x32xf32, #tpu.memory_space<vmem>>[vector<16xi32>, vector<16xi32>], vector<16xf32>,
          %parallel_loop3A_456 = arith.constant 0 : i32
          %parallel_loop3A_457 = arith.constant 0 : i32
          %parallel_loop3A_458 = arith.constant 0 : i32
          %parallel_loop3A_459 = tpu.memref_slice %arg7[%select_n3A_261, %parallel_loop3A_456, %parallel_loop3A_457, %parallel_loop3A_458] : memref<2x4x8x128xf32, #tpu.memory_space<vmem>> -> memref<1x4x8x128xf32, #tpu.memory_space<vmem>>
          %parallel_loop3A_460 = tpu.memref_squeeze %parallel_loop3A_459 : memref<1x4x8x128xf32, #tpu.memory_space<vmem>> -> memref<4x8x128xf32, #tpu.memory_space<vmem>>
          tpu.vector_store_idx %parallel_loop3A_460[%parallel_loop3A_349, %parallel_loop3A_352, %parallel_loop3A_436], %parallel_loop3A_455 : memref<4x8x128xf32, #tpu.memory_space<vmem>>[vector<16xi32>, vector<16xi32>, vector<16xi32>], vector<16xf32>,
          %parallel_loop3A_461 = arith.constant 64 : i32
          %parallel_loop3A_462 = vector.broadcast %parallel_loop3A_461 : i32 to vector<16xi32>
          %parallel_loop3A_463 = arith.addi %parallel_loop3A_462, %iota3A : vector<16xi32>
          %parallel_loop3A_464 = vector.broadcast %mul3A_263 : i32 to vector<16xi32>
          %parallel_loop3A_465 = arith.addi %parallel_loop3A_464, %parallel_loop3A_463 : vector<16xi32>
          %parallel_loop3A_466 = arith.constant 0 : i32
          %parallel_loop3A_467 = arith.constant 0 : i32
          %parallel_loop3A_468 = arith.constant 0 : i32
          %parallel_loop3A_469 = tpu.memref_slice %arg6[%parallel_loop3A_466, %parallel_loop3A_467, %parallel_loop3A_468] : memref<2x1024x32xf32, #tpu.memory_space<vmem>> -> memref<1x1024x32xf32, #tpu.memory_space<vmem>>
          %parallel_loop3A_470 = tpu.memref_squeeze %parallel_loop3A_469 : memref<1x1024x32xf32, #tpu.memory_space<vmem>> -> memref<1024x32xf32, #tpu.memory_space<vmem>>
          %parallel_loop3A_471 = tpu.vector_load_idx %parallel_loop3A_470[%parallel_loop3A_465, %parallel_loop3A_337] : memref<1024x32xf32, #tpu.memory_space<vmem>>[vector<16xi32>, vector<16xi32>], vector<16xf32>,
          %parallel_loop3A_472 = arith.constant 0 : i32
          %parallel_loop3A_473 = arith.constant 0 : i32
          %parallel_loop3A_474 = arith.constant 0 : i32
          %parallel_loop3A_475 = tpu.memref_slice %arg7[%select_n3A_261, %parallel_loop3A_472, %parallel_loop3A_473, %parallel_loop3A_474] : memref<2x4x8x128xf32, #tpu.memory_space<vmem>> -> memref<1x4x8x128xf32, #tpu.memory_space<vmem>>
          %parallel_loop3A_476 = tpu.memref_squeeze %parallel_loop3A_475 : memref<1x4x8x128xf32, #tpu.memory_space<vmem>> -> memref<4x8x128xf32, #tpu.memory_space<vmem>>
          tpu.vector_store_idx %parallel_loop3A_476[%parallel_loop3A_343, %parallel_loop3A_346, %parallel_loop3A_463], %parallel_loop3A_471 : memref<4x8x128xf32, #tpu.memory_space<vmem>>[vector<16xi32>, vector<16xi32>, vector<16xi32>], vector<16xf32>,
          %parallel_loop3A_477 = arith.constant 0 : i32
          %parallel_loop3A_478 = arith.constant 0 : i32
          %parallel_loop3A_479 = arith.constant 0 : i32
          %parallel_loop3A_480 = tpu.memref_slice %arg6[%parallel_loop3A_477, %parallel_loop3A_478, %parallel_loop3A_479] : memref<2x1024x32xf32, #tpu.memory_space<vmem>> -> memref<1x1024x32xf32, #tpu.memory_space<vmem>>
          %parallel_loop3A_481 = tpu.memref_squeeze %parallel_loop3A_480 : memref<1x1024x32xf32, #tpu.memory_space<vmem>> -> memref<1024x32xf32, #tpu.memory_space<vmem>>
          %parallel_loop3A_482 = tpu.vector_load_idx %parallel_loop3A_481[%parallel_loop3A_465, %parallel_loop3A_340] : memref<1024x32xf32, #tpu.memory_space<vmem>>[vector<16xi32>, vector<16xi32>], vector<16xf32>,
          %parallel_loop3A_483 = arith.constant 0 : i32
          %parallel_loop3A_484 = arith.constant 0 : i32
          %parallel_loop3A_485 = arith.constant 0 : i32
          %parallel_loop3A_486 = tpu.memref_slice %arg7[%select_n3A_261, %parallel_loop3A_483, %parallel_loop3A_484, %parallel_loop3A_485] : memref<2x4x8x128xf32, #tpu.memory_space<vmem>> -> memref<1x4x8x128xf32, #tpu.memory_space<vmem>>
          %parallel_loop3A_487 = tpu.memref_squeeze %parallel_loop3A_486 : memref<1x4x8x128xf32, #tpu.memory_space<vmem>> -> memref<4x8x128xf32, #tpu.memory_space<vmem>>
          tpu.vector_store_idx %parallel_loop3A_487[%parallel_loop3A_349, %parallel_loop3A_352, %parallel_loop3A_463], %parallel_loop3A_482 : memref<4x8x128xf32, #tpu.memory_space<vmem>>[vector<16xi32>, vector<16xi32>, vector<16xi32>], vector<16xf32>,
          %parallel_loop3A_488 = arith.constant 80 : i32
          %parallel_loop3A_489 = vector.broadcast %parallel_loop3A_488 : i32 to vector<16xi32>
          %parallel_loop3A_490 = arith.addi %parallel_loop3A_489, %iota3A : vector<16xi32>
          %parallel_loop3A_491 = vector.broadcast %mul3A_263 : i32 to vector<16xi32>
          %parallel_loop3A_492 = arith.addi %parallel_loop3A_491, %parallel_loop3A_490 : vector<16xi32>
          %parallel_loop3A_493 = arith.constant 0 : i32
          %parallel_loop3A_494 = arith.constant 0 : i32
          %parallel_loop3A_495 = arith.constant 0 : i32
          %parallel_loop3A_496 = tpu.memref_slice %arg6[%parallel_loop3A_493, %parallel_loop3A_494, %parallel_loop3A_495] : memref<2x1024x32xf32, #tpu.memory_space<vmem>> -> memref<1x1024x32xf32, #tpu.memory_space<vmem>>
          %parallel_loop3A_497 = tpu.memref_squeeze %parallel_loop3A_496 : memref<1x1024x32xf32, #tpu.memory_space<vmem>> -> memref<1024x32xf32, #tpu.memory_space<vmem>>
          %parallel_loop3A_498 = tpu.vector_load_idx %parallel_loop3A_497[%parallel_loop3A_492, %parallel_loop3A_337] : memref<1024x32xf32, #tpu.memory_space<vmem>>[vector<16xi32>, vector<16xi32>], vector<16xf32>,
          %parallel_loop3A_499 = arith.constant 0 : i32
          %parallel_loop3A_500 = arith.constant 0 : i32
          %parallel_loop3A_501 = arith.constant 0 : i32
          %parallel_loop3A_502 = tpu.memref_slice %arg7[%select_n3A_261, %parallel_loop3A_499, %parallel_loop3A_500, %parallel_loop3A_501] : memref<2x4x8x128xf32, #tpu.memory_space<vmem>> -> memref<1x4x8x128xf32, #tpu.memory_space<vmem>>
          %parallel_loop3A_503 = tpu.memref_squeeze %parallel_loop3A_502 : memref<1x4x8x128xf32, #tpu.memory_space<vmem>> -> memref<4x8x128xf32, #tpu.memory_space<vmem>>
          tpu.vector_store_idx %parallel_loop3A_503[%parallel_loop3A_343, %parallel_loop3A_346, %parallel_loop3A_490], %parallel_loop3A_498 : memref<4x8x128xf32, #tpu.memory_space<vmem>>[vector<16xi32>, vector<16xi32>, vector<16xi32>], vector<16xf32>,
          %parallel_loop3A_504 = arith.constant 0 : i32
          %parallel_loop3A_505 = arith.constant 0 : i32
          %parallel_loop3A_506 = arith.constant 0 : i32
          %parallel_loop3A_507 = tpu.memref_slice %arg6[%parallel_loop3A_504, %parallel_loop3A_505, %parallel_loop3A_506] : memref<2x1024x32xf32, #tpu.memory_space<vmem>> -> memref<1x1024x32xf32, #tpu.memory_space<vmem>>
          %parallel_loop3A_508 = tpu.memref_squeeze %parallel_loop3A_507 : memref<1x1024x32xf32, #tpu.memory_space<vmem>> -> memref<1024x32xf32, #tpu.memory_space<vmem>>
          %parallel_loop3A_509 = tpu.vector_load_idx %parallel_loop3A_508[%parallel_loop3A_492, %parallel_loop3A_340] : memref<1024x32xf32, #tpu.memory_space<vmem>>[vector<16xi32>, vector<16xi32>], vector<16xf32>,
          %parallel_loop3A_510 = arith.constant 0 : i32
          %parallel_loop3A_511 = arith.constant 0 : i32
          %parallel_loop3A_512 = arith.constant 0 : i32
          %parallel_loop3A_513 = tpu.memref_slice %arg7[%select_n3A_261, %parallel_loop3A_510, %parallel_loop3A_511, %parallel_loop3A_512] : memref<2x4x8x128xf32, #tpu.memory_space<vmem>> -> memref<1x4x8x128xf32, #tpu.memory_space<vmem>>
          %parallel_loop3A_514 = tpu.memref_squeeze %parallel_loop3A_513 : memref<1x4x8x128xf32, #tpu.memory_space<vmem>> -> memref<4x8x128xf32, #tpu.memory_space<vmem>>
          tpu.vector_store_idx %parallel_loop3A_514[%parallel_loop3A_349, %parallel_loop3A_352, %parallel_loop3A_490], %parallel_loop3A_509 : memref<4x8x128xf32, #tpu.memory_space<vmem>>[vector<16xi32>, vector<16xi32>, vector<16xi32>], vector<16xf32>,
          %parallel_loop3A_515 = arith.constant 96 : i32
          %parallel_loop3A_516 = vector.broadcast %parallel_loop3A_515 : i32 to vector<16xi32>
          %parallel_loop3A_517 = arith.addi %parallel_loop3A_516, %iota3A : vector<16xi32>
          %parallel_loop3A_518 = vector.broadcast %mul3A_263 : i32 to vector<16xi32>
          %parallel_loop3A_519 = arith.addi %parallel_loop3A_518, %parallel_loop3A_517 : vector<16xi32>
          %parallel_loop3A_520 = arith.constant 0 : i32
          %parallel_loop3A_521 = arith.constant 0 : i32
          %parallel_loop3A_522 = arith.constant 0 : i32
          %parallel_loop3A_523 = tpu.memref_slice %arg6[%parallel_loop3A_520, %parallel_loop3A_521, %parallel_loop3A_522] : memref<2x1024x32xf32, #tpu.memory_space<vmem>> -> memref<1x1024x32xf32, #tpu.memory_space<vmem>>
          %parallel_loop3A_524 = tpu.memref_squeeze %parallel_loop3A_523 : memref<1x1024x32xf32, #tpu.memory_space<vmem>> -> memref<1024x32xf32, #tpu.memory_space<vmem>>
          %parallel_loop3A_525 = tpu.vector_load_idx %parallel_loop3A_524[%parallel_loop3A_519, %parallel_loop3A_337] : memref<1024x32xf32, #tpu.memory_space<vmem>>[vector<16xi32>, vector<16xi32>], vector<16xf32>,
          %parallel_loop3A_526 = arith.constant 0 : i32
          %parallel_loop3A_527 = arith.constant 0 : i32
          %parallel_loop3A_528 = arith.constant 0 : i32
          %parallel_loop3A_529 = tpu.memref_slice %arg7[%select_n3A_261, %parallel_loop3A_526, %parallel_loop3A_527, %parallel_loop3A_528] : memref<2x4x8x128xf32, #tpu.memory_space<vmem>> -> memref<1x4x8x128xf32, #tpu.memory_space<vmem>>
          %parallel_loop3A_530 = tpu.memref_squeeze %parallel_loop3A_529 : memref<1x4x8x128xf32, #tpu.memory_space<vmem>> -> memref<4x8x128xf32, #tpu.memory_space<vmem>>
          tpu.vector_store_idx %parallel_loop3A_530[%parallel_loop3A_343, %parallel_loop3A_346, %parallel_loop3A_517], %parallel_loop3A_525 : memref<4x8x128xf32, #tpu.memory_space<vmem>>[vector<16xi32>, vector<16xi32>, vector<16xi32>], vector<16xf32>,
          %parallel_loop3A_531 = arith.constant 0 : i32
          %parallel_loop3A_532 = arith.constant 0 : i32
          %parallel_loop3A_533 = arith.constant 0 : i32
          %parallel_loop3A_534 = tpu.memref_slice %arg6[%parallel_loop3A_531, %parallel_loop3A_532, %parallel_loop3A_533] : memref<2x1024x32xf32, #tpu.memory_space<vmem>> -> memref<1x1024x32xf32, #tpu.memory_space<vmem>>
          %parallel_loop3A_535 = tpu.memref_squeeze %parallel_loop3A_534 : memref<1x1024x32xf32, #tpu.memory_space<vmem>> -> memref<1024x32xf32, #tpu.memory_space<vmem>>
          %parallel_loop3A_536 = tpu.vector_load_idx %parallel_loop3A_535[%parallel_loop3A_519, %parallel_loop3A_340] : memref<1024x32xf32, #tpu.memory_space<vmem>>[vector<16xi32>, vector<16xi32>], vector<16xf32>,
          %parallel_loop3A_537 = arith.constant 0 : i32
          %parallel_loop3A_538 = arith.constant 0 : i32
          %parallel_loop3A_539 = arith.constant 0 : i32
          %parallel_loop3A_540 = tpu.memref_slice %arg7[%select_n3A_261, %parallel_loop3A_537, %parallel_loop3A_538, %parallel_loop3A_539] : memref<2x4x8x128xf32, #tpu.memory_space<vmem>> -> memref<1x4x8x128xf32, #tpu.memory_space<vmem>>
          %parallel_loop3A_541 = tpu.memref_squeeze %parallel_loop3A_540 : memref<1x4x8x128xf32, #tpu.memory_space<vmem>> -> memref<4x8x128xf32, #tpu.memory_space<vmem>>
          tpu.vector_store_idx %parallel_loop3A_541[%parallel_loop3A_349, %parallel_loop3A_352, %parallel_loop3A_517], %parallel_loop3A_536 : memref<4x8x128xf32, #tpu.memory_space<vmem>>[vector<16xi32>, vector<16xi32>, vector<16xi32>], vector<16xf32>,
          %parallel_loop3A_542 = arith.constant 112 : i32
          %parallel_loop3A_543 = vector.broadcast %parallel_loop3A_542 : i32 to vector<16xi32>
          %parallel_loop3A_544 = arith.addi %parallel_loop3A_543, %iota3A : vector<16xi32>
          %parallel_loop3A_545 = vector.broadcast %mul3A_263 : i32 to vector<16xi32>
          %parallel_loop3A_546 = arith.addi %parallel_loop3A_545, %parallel_loop3A_544 : vector<16xi32>
          %parallel_loop3A_547 = arith.constant 0 : i32
          %parallel_loop3A_548 = arith.constant 0 : i32
          %parallel_loop3A_549 = arith.constant 0 : i32
          %parallel_loop3A_550 = tpu.memref_slice %arg6[%parallel_loop3A_547, %parallel_loop3A_548, %parallel_loop3A_549] : memref<2x1024x32xf32, #tpu.memory_space<vmem>> -> memref<1x1024x32xf32, #tpu.memory_space<vmem>>
          %parallel_loop3A_551 = tpu.memref_squeeze %parallel_loop3A_550 : memref<1x1024x32xf32, #tpu.memory_space<vmem>> -> memref<1024x32xf32, #tpu.memory_space<vmem>>
          %parallel_loop3A_552 = tpu.vector_load_idx %parallel_loop3A_551[%parallel_loop3A_546, %parallel_loop3A_337] : memref<1024x32xf32, #tpu.memory_space<vmem>>[vector<16xi32>, vector<16xi32>], vector<16xf32>,
          %parallel_loop3A_553 = arith.constant 0 : i32
          %parallel_loop3A_554 = arith.constant 0 : i32
          %parallel_loop3A_555 = arith.constant 0 : i32
          %parallel_loop3A_556 = tpu.memref_slice %arg7[%select_n3A_261, %parallel_loop3A_553, %parallel_loop3A_554, %parallel_loop3A_555] : memref<2x4x8x128xf32, #tpu.memory_space<vmem>> -> memref<1x4x8x128xf32, #tpu.memory_space<vmem>>
          %parallel_loop3A_557 = tpu.memref_squeeze %parallel_loop3A_556 : memref<1x4x8x128xf32, #tpu.memory_space<vmem>> -> memref<4x8x128xf32, #tpu.memory_space<vmem>>
          tpu.vector_store_idx %parallel_loop3A_557[%parallel_loop3A_343, %parallel_loop3A_346, %parallel_loop3A_544], %parallel_loop3A_552 : memref<4x8x128xf32, #tpu.memory_space<vmem>>[vector<16xi32>, vector<16xi32>, vector<16xi32>], vector<16xf32>,
          %parallel_loop3A_558 = arith.constant 0 : i32
          %parallel_loop3A_559 = arith.constant 0 : i32
          %parallel_loop3A_560 = arith.constant 0 : i32
          %parallel_loop3A_561 = tpu.memref_slice %arg6[%parallel_loop3A_558, %parallel_loop3A_559, %parallel_loop3A_560] : memref<2x1024x32xf32, #tpu.memory_space<vmem>> -> memref<1x1024x32xf32, #tpu.memory_space<vmem>>
          %parallel_loop3A_562 = tpu.memref_squeeze %parallel_loop3A_561 : memref<1x1024x32xf32, #tpu.memory_space<vmem>> -> memref<1024x32xf32, #tpu.memory_space<vmem>>
          %parallel_loop3A_563 = tpu.vector_load_idx %parallel_loop3A_562[%parallel_loop3A_546, %parallel_loop3A_340] : memref<1024x32xf32, #tpu.memory_space<vmem>>[vector<16xi32>, vector<16xi32>], vector<16xf32>,
          %parallel_loop3A_564 = arith.constant 0 : i32
          %parallel_loop3A_565 = arith.constant 0 : i32
          %parallel_loop3A_566 = arith.constant 0 : i32
          %parallel_loop3A_567 = tpu.memref_slice %arg7[%select_n3A_261, %parallel_loop3A_564, %parallel_loop3A_565, %parallel_loop3A_566] : memref<2x4x8x128xf32, #tpu.memory_space<vmem>> -> memref<1x4x8x128xf32, #tpu.memory_space<vmem>>
          %parallel_loop3A_568 = tpu.memref_squeeze %parallel_loop3A_567 : memref<1x4x8x128xf32, #tpu.memory_space<vmem>> -> memref<4x8x128xf32, #tpu.memory_space<vmem>>
          tpu.vector_store_idx %parallel_loop3A_568[%parallel_loop3A_349, %parallel_loop3A_352, %parallel_loop3A_544], %parallel_loop3A_563 : memref<4x8x128xf32, #tpu.memory_space<vmem>>[vector<16xi32>, vector<16xi32>, vector<16xi32>], vector<16xf32>,
        } {sc.loop_unroll_factor = 2 : i64, sc.parallel_access}
        %jit3A_270 = arith.constant 128 : i32
        %div3A = arith.divsi %add3A_70, %jit3A_270 : i32
        %sign3A = arith.constant 0 : i32
        %sign3A_271 = arith.cmpi sgt, %add3A_70, %sign3A : i32
        %sign3A_272 = arith.extui %sign3A_271 : i1 to i32
        %sign3A_273 = arith.constant 0 : i32
        %sign3A_274 = arith.cmpi slt, %add3A_70, %sign3A_273 : i32
        %sign3A_275 = arith.extui %sign3A_274 : i1 to i32
        %sign3A_276 = arith.subi %sign3A_272, %sign3A_275 : i32
        %sign3A_277 = arith.constant 0 : i32
        %sign3A_278 = arith.cmpi sgt, %jit3A_270, %sign3A_277 : i32
        %sign3A_279 = arith.extui %sign3A_278 : i1 to i32
        %sign3A_280 = arith.constant 0 : i32
        %sign3A_281 = arith.cmpi slt, %jit3A_270, %sign3A_280 : i32
        %sign3A_282 = arith.extui %sign3A_281 : i1 to i32
        %sign3A_283 = arith.subi %sign3A_279, %sign3A_282 : i32
        %ne3A_284 = arith.cmpi ne, %sign3A_276, %sign3A_283 : i32
        %rem3A_285 = arith.remsi %add3A_70, %jit3A_270 : i32
        %ne3A_286 = arith.constant 0 : i32
        %ne3A_287 = arith.cmpi ne, %rem3A_285, %ne3A_286 : i32
        %and3A_288 = arith.andi %ne3A_284, %ne3A_287 : i1
        %sub3A = arith.constant 1 : i32
        %sub3A_289 = arith.subi %div3A, %sub3A : i32
        %select_n3A_290 = arith.select %and3A_288, %sub3A_289, %div3A : i32
        %mul3A_291 = arith.constant 8 : i32
        %mul3A_292 = arith.muli %select_n3A_290, %mul3A_291 : i32
        %add3A_293 = arith.addi %mul3A_292, %scan3A_251 : i32
        %jit3A_294 = arith.constant 128 : i32
        %eq3A_295 = arith.constant 0 : i32
        %eq3A_296 = arith.cmpi eq, %jit3A_294, %eq3A_295 : i32
        %jit3A_297 = arith.constant 1 : i32
        %select_n3A_298 = arith.select %eq3A_296, %jit3A_297, %jit3A_294 : i32
        %rem3A_299 = arith.remsi %add3A_70, %select_n3A_298 : i32
        %ne3A_300 = arith.constant 0 : i32
        %ne3A_301 = arith.cmpi ne, %rem3A_299, %ne3A_300 : i32
        %lt3A_302 = arith.constant 0 : i32
        %lt3A_303 = arith.cmpi slt, %rem3A_299, %lt3A_302 : i32
        %lt3A_304 = arith.constant 0 : i32
        %lt3A_305 = arith.cmpi slt, %select_n3A_298, %lt3A_304 : i32
        %ne3A_306 = arith.xori %lt3A_303, %lt3A_305 : i1
        %and3A_307 = arith.andi %ne3A_306, %ne3A_301 : i1
        %add3A_308 = arith.addi %rem3A_299, %select_n3A_298 : i32
        %select_n3A_309 = arith.select %and3A_307, %add3A_308, %rem3A_299 : i32
        %dma_start3A_310 = arith.constant 0 : i32
        %dma_start3A_311 = arith.constant 0 : i32
        %dma_start3A_312 = arith.constant 0 : i32
        %dma_start3A_313 = tpu.memref_slice %arg7[%select_n3A_261, %dma_start3A_310, %dma_start3A_311, %dma_start3A_312] : memref<2x4x8x128xf32, #tpu.memory_space<vmem>> -> memref<1x4x8x128xf32, #tpu.memory_space<vmem>>
        %dma_start3A_314 = tpu.memref_squeeze %dma_start3A_313 : memref<1x4x8x128xf32, #tpu.memory_space<vmem>> -> memref<4x8x128xf32, #tpu.memory_space<vmem>>
        %dma_start3A_315 = arith.constant 0 : i32
        %dma_start3A_316 = arith.constant 0 : i32
        %dma_start3A_317 = arith.constant 0 : i32
        %dma_start3A_318 = tpu.memref_slice %arg4[%add3A_293, %dma_start3A_315, %select_n3A_309, %dma_start3A_316, %dma_start3A_317] : memref<200x4x128x8x128xf32, #tpu.memory_space<hbm>> -> memref<1x4x1x8x128xf32, #tpu.memory_space<hbm>>
        %dma_start3A_319 = tpu.memref_squeeze %dma_start3A_318 : memref<1x4x1x8x128xf32, #tpu.memory_space<hbm>> -> memref<4x8x128xf32, #tpu.memory_space<hbm>>
        %dma_start3A_320 = tpu.memref_slice %arg10[%select_n3A_261] : memref<2x!tpu.dma_semaphore, #tpu.memory_space<semaphore_mem>> -> memref<1x!tpu.dma_semaphore, #tpu.memory_space<semaphore_mem>>
        %dma_start3A_321 = tpu.memref_squeeze %dma_start3A_320 : memref<1x!tpu.dma_semaphore, #tpu.memory_space<semaphore_mem>> -> memref<!tpu.dma_semaphore, #tpu.memory_space<semaphore_mem>>
        %dma_start3A_322 = arith.constant 0 : i32
        %dma_start3A_323 = arith.constant 0 : i32
        %dma_start3A_324 = arith.constant 0 : i32
        %dma_start3A_325 = tpu.memref_slice %arg4[%add3A_293, %dma_start3A_322, %select_n3A_309, %dma_start3A_323, %dma_start3A_324] : memref<200x4x128x8x128xf32, #tpu.memory_space<hbm>> -> memref<1x4x1x8x128xf32, #tpu.memory_space<hbm>>
        %dma_start3A_326 = tpu.memref_squeeze %dma_start3A_325 : memref<1x4x1x8x128xf32, #tpu.memory_space<hbm>> -> memref<4x8x128xf32, #tpu.memory_space<hbm>>
        %dma_start3A_327 = arith.constant 0 : i32
        %dma_start3A_328 = arith.constant 0 : i32
        %dma_start3A_329 = arith.constant 0 : i32
        %dma_start3A_330 = tpu.memref_slice %arg7[%select_n3A_261, %dma_start3A_327, %dma_start3A_328, %dma_start3A_329] : memref<2x4x8x128xf32, #tpu.memory_space<vmem>> -> memref<1x4x8x128xf32, #tpu.memory_space<vmem>>
        %dma_start3A_331 = tpu.memref_squeeze %dma_start3A_330 : memref<1x4x8x128xf32, #tpu.memory_space<vmem>> -> memref<4x8x128xf32, #tpu.memory_space<vmem>>
        tpu.enqueue_dma source(%dma_start3A_331 : memref<4x8x128xf32, #tpu.memory_space<vmem>>) target(%dma_start3A_326 : memref<4x8x128xf32, #tpu.memory_space<hbm>>) target_semaphore(%dma_start3A_321 : memref<!tpu.dma_semaphore, #tpu.memory_space<semaphore_mem>>)
      }
      %scan3A_104 = arith.constant 8 : i32
      %dma_wait3A_105 = arith.constant 0 : i32
      %dma_wait3A_106 = arith.constant 0 : i32
      %dma_wait3A_107 = arith.constant 0 : i32
      %dma_wait3A_108 = arith.constant 0 : i32
      %dma_wait3A_109 = arith.constant 0 : i32
      %dma_wait3A_110 = arith.constant 0 : i32
      %dma_wait3A_111 = arith.constant 0 : i32
      %dma_wait3A_112 = tpu.memref_slice %arg7[%dma_wait3A_105, %dma_wait3A_109, %dma_wait3A_110, %dma_wait3A_111] : memref<2x4x8x128xf32, #tpu.memory_space<vmem>> -> memref<1x4x8x128xf32, #tpu.memory_space<vmem>>
      %dma_wait3A_113 = tpu.memref_squeeze %dma_wait3A_112 : memref<1x4x8x128xf32, #tpu.memory_space<vmem>> -> memref<4x8x128xf32, #tpu.memory_space<vmem>>
      %dma_wait3A_114 = arith.constant 0 : i32
      %dma_wait3A_115 = arith.constant 0 : i32
      %dma_wait3A_116 = arith.constant 0 : i32
      %dma_wait3A_117 = tpu.memref_slice %arg4[%dma_wait3A_106, %dma_wait3A_114, %dma_wait3A_107, %dma_wait3A_115, %dma_wait3A_116] : memref<200x4x128x8x128xf32, #tpu.memory_space<hbm>> -> memref<1x4x1x8x128xf32, #tpu.memory_space<hbm>>
      %dma_wait3A_118 = tpu.memref_squeeze %dma_wait3A_117 : memref<1x4x1x8x128xf32, #tpu.memory_space<hbm>> -> memref<4x8x128xf32, #tpu.memory_space<hbm>>
      %dma_wait3A_119 = tpu.memref_slice %arg10[%dma_wait3A_108] : memref<2x!tpu.dma_semaphore, #tpu.memory_space<semaphore_mem>> -> memref<1x!tpu.dma_semaphore, #tpu.memory_space<semaphore_mem>>
      %dma_wait3A_120 = tpu.memref_squeeze %dma_wait3A_119 : memref<1x!tpu.dma_semaphore, #tpu.memory_space<semaphore_mem>> -> memref<!tpu.dma_semaphore, #tpu.memory_space<semaphore_mem>>
      %dma_wait3A_121 = arith.constant 0 : i32
      %dma_wait3A_122 = arith.constant 0 : i32
      %dma_wait3A_123 = arith.constant 0 : i32
      %dma_wait3A_124 = tpu.memref_slice %arg4[%dma_wait3A_106, %dma_wait3A_121, %dma_wait3A_107, %dma_wait3A_122, %dma_wait3A_123] : memref<200x4x128x8x128xf32, #tpu.memory_space<hbm>> -> memref<1x4x1x8x128xf32, #tpu.memory_space<hbm>>
      %dma_wait3A_125 = tpu.memref_squeeze %dma_wait3A_124 : memref<1x4x1x8x128xf32, #tpu.memory_space<hbm>> -> memref<4x8x128xf32, #tpu.memory_space<hbm>>
      %dma_wait3A_126 = arith.constant 0 : i32
      %dma_wait3A_127 = arith.constant 0 : i32
      %dma_wait3A_128 = arith.constant 0 : i32
      %dma_wait3A_129 = tpu.memref_slice %arg7[%dma_wait3A_105, %dma_wait3A_126, %dma_wait3A_127, %dma_wait3A_128] : memref<2x4x8x128xf32, #tpu.memory_space<vmem>> -> memref<1x4x8x128xf32, #tpu.memory_space<vmem>>
      %dma_wait3A_130 = tpu.memref_squeeze %dma_wait3A_129 : memref<1x4x8x128xf32, #tpu.memory_space<vmem>> -> memref<4x8x128xf32, #tpu.memory_space<vmem>>
      tpu.wait_dma2 semaphore(%dma_wait3A_120 : memref<!tpu.dma_semaphore, #tpu.memory_space<semaphore_mem>>) src(%dma_wait3A_130 : memref<4x8x128xf32, #tpu.memory_space<vmem>>) dst(%dma_wait3A_125 : memref<4x8x128xf32, #tpu.memory_space<hbm>>)
      %dma_wait3A_131 = arith.constant 1 : i32
      %dma_wait3A_132 = arith.constant 0 : i32
      %dma_wait3A_133 = arith.constant 0 : i32
      %dma_wait3A_134 = arith.constant 1 : i32
      %dma_wait3A_135 = arith.constant 0 : i32
      %dma_wait3A_136 = arith.constant 0 : i32
      %dma_wait3A_137 = arith.constant 0 : i32
      %dma_wait3A_138 = tpu.memref_slice %arg7[%dma_wait3A_131, %dma_wait3A_135, %dma_wait3A_136, %dma_wait3A_137] : memref<2x4x8x128xf32, #tpu.memory_space<vmem>> -> memref<1x4x8x128xf32, #tpu.memory_space<vmem>>
      %dma_wait3A_139 = tpu.memref_squeeze %dma_wait3A_138 : memref<1x4x8x128xf32, #tpu.memory_space<vmem>> -> memref<4x8x128xf32, #tpu.memory_space<vmem>>
      %dma_wait3A_140 = arith.constant 0 : i32
      %dma_wait3A_141 = arith.constant 0 : i32
      %dma_wait3A_142 = arith.constant 0 : i32
      %dma_wait3A_143 = tpu.memref_slice %arg4[%dma_wait3A_132, %dma_wait3A_140, %dma_wait3A_133, %dma_wait3A_141, %dma_wait3A_142] : memref<200x4x128x8x128xf32, #tpu.memory_space<hbm>> -> memref<1x4x1x8x128xf32, #tpu.memory_space<hbm>>
      %dma_wait3A_144 = tpu.memref_squeeze %dma_wait3A_143 : memref<1x4x1x8x128xf32, #tpu.memory_space<hbm>> -> memref<4x8x128xf32, #tpu.memory_space<hbm>>
      %dma_wait3A_145 = tpu.memref_slice %arg10[%dma_wait3A_134] : memref<2x!tpu.dma_semaphore, #tpu.memory_space<semaphore_mem>> -> memref<1x!tpu.dma_semaphore, #tpu.memory_space<semaphore_mem>>
      %dma_wait3A_146 = tpu.memref_squeeze %dma_wait3A_145 : memref<1x!tpu.dma_semaphore, #tpu.memory_space<semaphore_mem>> -> memref<!tpu.dma_semaphore, #tpu.memory_space<semaphore_mem>>
      %dma_wait3A_147 = arith.constant 0 : i32
      %dma_wait3A_148 = arith.constant 0 : i32
      %dma_wait3A_149 = arith.constant 0 : i32
      %dma_wait3A_150 = tpu.memref_slice %arg4[%dma_wait3A_132, %dma_wait3A_147, %dma_wait3A_133, %dma_wait3A_148, %dma_wait3A_149] : memref<200x4x128x8x128xf32, #tpu.memory_space<hbm>> -> memref<1x4x1x8x128xf32, #tpu.memory_space<hbm>>
      %dma_wait3A_151 = tpu.memref_squeeze %dma_wait3A_150 : memref<1x4x1x8x128xf32, #tpu.memory_space<hbm>> -> memref<4x8x128xf32, #tpu.memory_space<hbm>>
      %dma_wait3A_152 = arith.constant 0 : i32
      %dma_wait3A_153 = arith.constant 0 : i32
      %dma_wait3A_154 = arith.constant 0 : i32
      %dma_wait3A_155 = tpu.memref_slice %arg7[%dma_wait3A_131, %dma_wait3A_152, %dma_wait3A_153, %dma_wait3A_154] : memref<2x4x8x128xf32, #tpu.memory_space<vmem>> -> memref<1x4x8x128xf32, #tpu.memory_space<vmem>>
      %dma_wait3A_156 = tpu.memref_squeeze %dma_wait3A_155 : memref<1x4x8x128xf32, #tpu.memory_space<vmem>> -> memref<4x8x128xf32, #tpu.memory_space<vmem>>
      tpu.wait_dma2 semaphore(%dma_wait3A_146 : memref<!tpu.dma_semaphore, #tpu.memory_space<semaphore_mem>>) src(%dma_wait3A_156 : memref<4x8x128xf32, #tpu.memory_space<vmem>>) dst(%dma_wait3A_151 : memref<4x8x128xf32, #tpu.memory_space<hbm>>)
      %mul3A_157 = arith.constant 2 : i32
      %mul3A_158 = arith.muli %scan3A_65, %mul3A_157 : i32
      %add3A_159 = arith.addi %mul3A_2, %mul3A_158 : i32
      %add3A_160 = arith.constant 1 : i32
      %add3A_161 = arith.addi %add3A_159, %add3A_160 : i32
      %dma_wait3A_162 = arith.constant 1 : i32
      %dma_wait3A_163 = arith.constant 1 : i32
      %dma_wait3A_164 = arith.constant 1 : i32
      %dma_wait3A_165 = arith.constant 0 : i32
      %dma_wait3A_166 = arith.constant 0 : i32
      %dma_wait3A_167 = tpu.memref_slice %arg6[%dma_wait3A_163, %dma_wait3A_165, %dma_wait3A_166] : memref<2x1024x32xf32, #tpu.memory_space<vmem>> -> memref<1x1024x32xf32, #tpu.memory_space<vmem>>
      %dma_wait3A_168 = tpu.memref_squeeze %dma_wait3A_167 : memref<1x1024x32xf32, #tpu.memory_space<vmem>> -> memref<1024x32xf32, #tpu.memory_space<vmem>>
      %dma_wait3A_169 = arith.constant 0 : i32
      %dma_wait3A_170 = tpu.memref_slice %arg5[%dma_wait3A_162, %dma_wait3A_169] : memref<2x1024xi32, #tpu.memory_space<vmem>> -> memref<1x1024xi32, #tpu.memory_space<vmem>>
      %dma_wait3A_171 = tpu.memref_squeeze %dma_wait3A_170 : memref<1x1024xi32, #tpu.memory_space<vmem>> -> memref<1024xi32, #tpu.memory_space<vmem>>
      %dma_wait3A_172 = arith.constant 0 : i32
      %dma_wait3A_173 = arith.constant 0 : i32
      %dma_wait3A_174 = tpu.memref_slice %arg2[%dma_wait3A_172, %dma_wait3A_173] : memref<1000000x32xf32, #tpu.memory_space<hbm>> -> memref<1000000x32xf32, #tpu.memory_space<hbm>>
      %dma_wait3A_175 = tpu.memref_slice %arg9[%dma_wait3A_164] : memref<2x!tpu.dma_semaphore, #tpu.memory_space<semaphore_mem>> -> memref<1x!tpu.dma_semaphore, #tpu.memory_space<semaphore_mem>>
      %dma_wait3A_176 = tpu.memref_squeeze %dma_wait3A_175 : memref<1x!tpu.dma_semaphore, #tpu.memory_space<semaphore_mem>> -> memref<!tpu.dma_semaphore, #tpu.memory_space<semaphore_mem>>
      tpu.wait_indirect_dma semaphore(%dma_wait3A_176 : memref<!tpu.dma_semaphore, #tpu.memory_space<semaphore_mem>>) src(%dma_wait3A_174 : memref<1000000x32xf32, #tpu.memory_space<hbm>>) dst(%dma_wait3A_168 : memref<1024x32xf32, #tpu.memory_space<vmem>>)
      %add3A_177 = arith.constant 1 : i32
      %add3A_178 = arith.addi %add3A_161, %add3A_177 : i32
      %add3A_179 = arith.constant 100 : i32
      %add3A_180 = arith.addi %mul3A_2, %add3A_179 : i32
      %lt3A_181 = arith.cmpi slt, %add3A_178, %add3A_180 : i32
      %convert_element_type3A_182 = arith.extui %lt3A_181 : i1 to i32
      %cond3A_183 = arith.constant 0 : i32
      %cond3A_184 = arith.cmpi ne, %convert_element_type3A_182, %cond3A_183 : i32
      scf.if %cond3A_184 {
        %dma_wait3A_251 = arith.constant 0 : i32
        %dma_wait3A_252 = arith.constant 0 : i32
        %dma_wait3A_253 = arith.constant 0 : i32
        %dma_wait3A_254 = tpu.memref_slice %arg5[%dma_wait3A_251, %dma_wait3A_253] : memref<2x1024xi32, #tpu.memory_space<vmem>> -> memref<1x1024xi32, #tpu.memory_space<vmem>>
        %dma_wait3A_255 = tpu.memref_squeeze %dma_wait3A_254 : memref<1x1024xi32, #tpu.memory_space<vmem>> -> memref<1024xi32, #tpu.memory_space<vmem>>
        %dma_wait3A_256 = arith.constant 0 : i32
        %dma_wait3A_257 = tpu.memref_slice %arg3[%dma_wait3A_256] : memref<3276800xi32, #tpu.memory_space<hbm>> -> memref<1024xi32, #tpu.memory_space<hbm>>
        %dma_wait3A_258 = tpu.memref_slice %arg8[%dma_wait3A_252] : memref<2x!tpu.dma_semaphore, #tpu.memory_space<semaphore_mem>> -> memref<1x!tpu.dma_semaphore, #tpu.memory_space<semaphore_mem>>
        %dma_wait3A_259 = tpu.memref_squeeze %dma_wait3A_258 : memref<1x!tpu.dma_semaphore, #tpu.memory_space<semaphore_mem>> -> memref<!tpu.dma_semaphore, #tpu.memory_space<semaphore_mem>>
        %dma_wait3A_260 = arith.constant 0 : i32
        %dma_wait3A_261 = tpu.memref_slice %arg5[%dma_wait3A_251, %dma_wait3A_260] : memref<2x1024xi32, #tpu.memory_space<vmem>> -> memref<1x1024xi32, #tpu.memory_space<vmem>>
        %dma_wait3A_262 = tpu.memref_squeeze %dma_wait3A_261 : memref<1x1024xi32, #tpu.memory_space<vmem>> -> memref<1024xi32, #tpu.memory_space<vmem>>
        %dma_wait3A_263 = arith.constant 0 : i32
        %dma_wait3A_264 = tpu.memref_slice %arg3[%dma_wait3A_263] : memref<3276800xi32, #tpu.memory_space<hbm>> -> memref<1024xi32, #tpu.memory_space<hbm>>
        tpu.wait_dma2 semaphore(%dma_wait3A_259 : memref<!tpu.dma_semaphore, #tpu.memory_space<semaphore_mem>>) src(%dma_wait3A_264 : memref<1024xi32, #tpu.memory_space<hbm>>) dst(%dma_wait3A_262 : memref<1024xi32, #tpu.memory_space<vmem>>)
        %dma_start3A_265 = arith.constant 0 : i32
        %dma_start3A_266 = arith.constant 0 : i32
        %dma_start3A_267 = arith.constant 0 : i32
        %dma_start3A_268 = arith.constant 0 : i32
        %dma_start3A_269 = arith.constant 0 : i32
        %dma_start3A_270 = tpu.memref_slice %arg6[%dma_start3A_266, %dma_start3A_268, %dma_start3A_269] : memref<2x1024x32xf32, #tpu.memory_space<vmem>> -> memref<1x1024x32xf32, #tpu.memory_space<vmem>>
        %dma_start3A_271 = tpu.memref_squeeze %dma_start3A_270 : memref<1x1024x32xf32, #tpu.memory_space<vmem>> -> memref<1024x32xf32, #tpu.memory_space<vmem>>
        %dma_start3A_272 = arith.constant 0 : i32
        %dma_start3A_273 = tpu.memref_slice %arg5[%dma_start3A_265, %dma_start3A_272] : memref<2x1024xi32, #tpu.memory_space<vmem>> -> memref<1x1024xi32, #tpu.memory_space<vmem>>
        %dma_start3A_274 = tpu.memref_squeeze %dma_start3A_273 : memref<1x1024xi32, #tpu.memory_space<vmem>> -> memref<1024xi32, #tpu.memory_space<vmem>>
        %dma_start3A_275 = arith.constant 0 : i32
        %dma_start3A_276 = arith.constant 0 : i32
        %dma_start3A_277 = tpu.memref_slice %arg2[%dma_start3A_275, %dma_start3A_276] : memref<1000000x32xf32, #tpu.memory_space<hbm>> -> memref<1000000x32xf32, #tpu.memory_space<hbm>>
        %dma_start3A_278 = tpu.memref_slice %arg9[%dma_start3A_267] : memref<2x!tpu.dma_semaphore, #tpu.memory_space<semaphore_mem>> -> memref<1x!tpu.dma_semaphore, #tpu.memory_space<semaphore_mem>>
        %dma_start3A_279 = tpu.memref_squeeze %dma_start3A_278 : memref<1x!tpu.dma_semaphore, #tpu.memory_space<semaphore_mem>> -> memref<!tpu.dma_semaphore, #tpu.memory_space<semaphore_mem>>
        tpu.enqueue_indirect_dma source(%dma_start3A_277 : memref<1000000x32xf32, #tpu.memory_space<hbm>>) target(%dma_start3A_271 : memref<1024x32xf32, #tpu.memory_space<vmem>>) offsets(%dma_start3A_274 : memref<1024xi32, #tpu.memory_space<vmem>>) semaphore(%dma_start3A_279 : memref<!tpu.dma_semaphore, #tpu.memory_space<semaphore_mem>>)
      } else {
      }
      %add3A_185 = arith.constant 2 : i32
      %add3A_186 = arith.addi %add3A_161, %add3A_185 : i32
      %add3A_187 = arith.constant 100 : i32
      %add3A_188 = arith.addi %mul3A_2, %add3A_187 : i32
      %lt3A_189 = arith.cmpi slt, %add3A_186, %add3A_188 : i32
      %convert_element_type3A_190 = arith.extui %lt3A_189 : i1 to i32
      %cond3A_191 = arith.constant 0 : i32
      %cond3A_192 = arith.cmpi ne, %convert_element_type3A_190, %cond3A_191 : i32
      scf.if %cond3A_192 {
        %add3A_251 = arith.constant 2 : i32
        %add3A_252 = arith.addi %add3A_161, %add3A_251 : i32
        %mul3A_253 = arith.constant 1024 : i32
        %mul3A_254 = arith.muli %add3A_252, %mul3A_253 : i32
        %dma_start3A_255 = arith.constant 1 : i32
        %dma_start3A_256 = arith.constant 1 : i32
        %dma_start3A_257 = arith.constant 0 : i32
        %dma_start3A_258 = tpu.memref_slice %arg5[%dma_start3A_255, %dma_start3A_257] : memref<2x1024xi32, #tpu.memory_space<vmem>> -> memref<1x1024xi32, #tpu.memory_space<vmem>>
        %dma_start3A_259 = tpu.memref_squeeze %dma_start3A_258 : memref<1x1024xi32, #tpu.memory_space<vmem>> -> memref<1024xi32, #tpu.memory_space<vmem>>
        %dma_start3A_260 = tpu.memref_slice %arg3[%mul3A_254] : memref<3276800xi32, #tpu.memory_space<hbm>> -> memref<1024xi32, #tpu.memory_space<hbm>>
        %dma_start3A_261 = tpu.memref_slice %arg8[%dma_start3A_256] : memref<2x!tpu.dma_semaphore, #tpu.memory_space<semaphore_mem>> -> memref<1x!tpu.dma_semaphore, #tpu.memory_space<semaphore_mem>>
        %dma_start3A_262 = tpu.memref_squeeze %dma_start3A_261 : memref<1x!tpu.dma_semaphore, #tpu.memory_space<semaphore_mem>> -> memref<!tpu.dma_semaphore, #tpu.memory_space<semaphore_mem>>
        %dma_start3A_263 = arith.constant 0 : i32
        %dma_start3A_264 = tpu.memref_slice %arg5[%dma_start3A_255, %dma_start3A_263] : memref<2x1024xi32, #tpu.memory_space<vmem>> -> memref<1x1024xi32, #tpu.memory_space<vmem>>
        %dma_start3A_265 = tpu.memref_squeeze %dma_start3A_264 : memref<1x1024xi32, #tpu.memory_space<vmem>> -> memref<1024xi32, #tpu.memory_space<vmem>>
        %dma_start3A_266 = tpu.memref_slice %arg3[%mul3A_254] : memref<3276800xi32, #tpu.memory_space<hbm>> -> memref<1024xi32, #tpu.memory_space<hbm>>
        tpu.enqueue_dma source(%dma_start3A_266 : memref<1024xi32, #tpu.memory_space<hbm>>) target(%dma_start3A_265 : memref<1024xi32, #tpu.memory_space<vmem>>) target_semaphore(%dma_start3A_262 : memref<!tpu.dma_semaphore, #tpu.memory_space<semaphore_mem>>)
      } else {
      }
      %scan3A_193 = arith.constant 0 : i32
      %scan3A_194 = arith.constant 0 : i32
      %scan3A_195 = arith.constant 8 : i32
      %scan3A_196 = arith.addi %scan3A_194, %scan3A_195 : i32
      %scan3A_197 = arith.constant 1 : i32
      scf.for %scan3A_251 = %scan3A_194 to %scan3A_196 step %scan3A_197  : i32 {
        %jit3A = arith.constant 2 : i32
        %eq3A = arith.constant 0 : i32
        %eq3A_252 = arith.cmpi eq, %jit3A, %eq3A : i32
        %jit3A_253 = arith.constant 1 : i32
        %select_n3A = arith.select %eq3A_252, %jit3A_253, %jit3A : i32
        %rem3A = arith.remsi %scan3A_251, %select_n3A : i32
        %ne3A = arith.constant 0 : i32
        %ne3A_254 = arith.cmpi ne, %rem3A, %ne3A : i32
        %lt3A_255 = arith.constant 0 : i32
        %lt3A_256 = arith.cmpi slt, %rem3A, %lt3A_255 : i32
        %lt3A_257 = arith.constant 0 : i32
        %lt3A_258 = arith.cmpi slt, %select_n3A, %lt3A_257 : i32
        %ne3A_259 = arith.xori %lt3A_256, %lt3A_258 : i1
        %and3A = arith.andi %ne3A_259, %ne3A_254 : i1
        %add3A_260 = arith.addi %rem3A, %select_n3A : i32
        %select_n3A_261 = arith.select %and3A, %add3A_260, %rem3A : i32
        %mul3A_262 = arith.constant 128 : i32
        %mul3A_263 = arith.muli %scan3A_251, %mul3A_262 : i32
        %ge3A = arith.constant 2 : i32
        %ge3A_264 = arith.cmpi sge, %scan3A_251, %ge3A : i32
        %convert_element_type3A_265 = arith.extui %ge3A_264 : i1 to i32
        %cond3A_266 = arith.constant 0 : i32
        %cond3A_267 = arith.cmpi ne, %convert_element_type3A_265, %cond3A_266 : i32
        scf.if %cond3A_267 {
          %dma_wait3A_332 = arith.constant 0 : i32
          %dma_wait3A_333 = arith.constant 0 : i32
          %dma_wait3A_334 = arith.constant 0 : i32
          %dma_wait3A_335 = arith.constant 0 : i32
          %dma_wait3A_336 = arith.constant 0 : i32
          %dma_wait3A_337 = tpu.memref_slice %arg7[%select_n3A_261, %dma_wait3A_334, %dma_wait3A_335, %dma_wait3A_336] : memref<2x4x8x128xf32, #tpu.memory_space<vmem>> -> memref<1x4x8x128xf32, #tpu.memory_space<vmem>>
          %dma_wait3A_338 = tpu.memref_squeeze %dma_wait3A_337 : memref<1x4x8x128xf32, #tpu.memory_space<vmem>> -> memref<4x8x128xf32, #tpu.memory_space<vmem>>
          %dma_wait3A_339 = arith.constant 0 : i32
          %dma_wait3A_340 = arith.constant 0 : i32
          %dma_wait3A_341 = arith.constant 0 : i32
          %dma_wait3A_342 = tpu.memref_slice %arg4[%dma_wait3A_332, %dma_wait3A_339, %dma_wait3A_333, %dma_wait3A_340, %dma_wait3A_341] : memref<200x4x128x8x128xf32, #tpu.memory_space<hbm>> -> memref<1x4x1x8x128xf32, #tpu.memory_space<hbm>>
          %dma_wait3A_343 = tpu.memref_squeeze %dma_wait3A_342 : memref<1x4x1x8x128xf32, #tpu.memory_space<hbm>> -> memref<4x8x128xf32, #tpu.memory_space<hbm>>
          %dma_wait3A_344 = tpu.memref_slice %arg10[%select_n3A_261] : memref<2x!tpu.dma_semaphore, #tpu.memory_space<semaphore_mem>> -> memref<1x!tpu.dma_semaphore, #tpu.memory_space<semaphore_mem>>
          %dma_wait3A_345 = tpu.memref_squeeze %dma_wait3A_344 : memref<1x!tpu.dma_semaphore, #tpu.memory_space<semaphore_mem>> -> memref<!tpu.dma_semaphore, #tpu.memory_space<semaphore_mem>>
          %dma_wait3A_346 = arith.constant 0 : i32
          %dma_wait3A_347 = arith.constant 0 : i32
          %dma_wait3A_348 = arith.constant 0 : i32
          %dma_wait3A_349 = tpu.memref_slice %arg4[%dma_wait3A_332, %dma_wait3A_346, %dma_wait3A_333, %dma_wait3A_347, %dma_wait3A_348] : memref<200x4x128x8x128xf32, #tpu.memory_space<hbm>> -> memref<1x4x1x8x128xf32, #tpu.memory_space<hbm>>
          %dma_wait3A_350 = tpu.memref_squeeze %dma_wait3A_349 : memref<1x4x1x8x128xf32, #tpu.memory_space<hbm>> -> memref<4x8x128xf32, #tpu.memory_space<hbm>>
          %dma_wait3A_351 = arith.constant 0 : i32
          %dma_wait3A_352 = arith.constant 0 : i32
          %dma_wait3A_353 = arith.constant 0 : i32
          %dma_wait3A_354 = tpu.memref_slice %arg7[%select_n3A_261, %dma_wait3A_351, %dma_wait3A_352, %dma_wait3A_353] : memref<2x4x8x128xf32, #tpu.memory_space<vmem>> -> memref<1x4x8x128xf32, #tpu.memory_space<vmem>>
          %dma_wait3A_355 = tpu.memref_squeeze %dma_wait3A_354 : memref<1x4x8x128xf32, #tpu.memory_space<vmem>> -> memref<4x8x128xf32, #tpu.memory_space<vmem>>
          tpu.wait_dma2 semaphore(%dma_wait3A_345 : memref<!tpu.dma_semaphore, #tpu.memory_space<semaphore_mem>>) src(%dma_wait3A_355 : memref<4x8x128xf32, #tpu.memory_space<vmem>>) dst(%dma_wait3A_350 : memref<4x8x128xf32, #tpu.memory_space<hbm>>)
        } else {
        }
        %parallel_loop3A = arith.constant 0 : i32
        %parallel_loop3A_268 = arith.constant 16 : i32
        %parallel_loop3A_269 = arith.constant 1 : i32
        scf.for %parallel_loop3A_332 = %parallel_loop3A to %parallel_loop3A_268 step %parallel_loop3A_269  : i32 {
          %parallel_loop3A_333 = vector.broadcast %parallel_loop3A_332 : i32 to vector<16xi32>
          %parallel_loop3A_334 = arith.addi %iota3A, %parallel_loop3A_333 : vector<16xi32>
          %parallel_loop3A_335 = arith.constant 15 : i32
          %parallel_loop3A_336 = vector.broadcast %parallel_loop3A_335 : i32 to vector<16xi32>
          %parallel_loop3A_337 = arith.andi %parallel_loop3A_334, %parallel_loop3A_336 : vector<16xi32>
          %parallel_loop3A_338 = arith.constant 16 : i32
          %parallel_loop3A_339 = vector.broadcast %parallel_loop3A_338 : i32 to vector<16xi32>
          %parallel_loop3A_340 = arith.addi %parallel_loop3A_337, %parallel_loop3A_339 : vector<16xi32>
          %parallel_loop3A_341 = arith.constant 3 : i32
          %parallel_loop3A_342 = vector.broadcast %parallel_loop3A_341 : i32 to vector<16xi32>
          %parallel_loop3A_343 = arith.shrsi %parallel_loop3A_337, %parallel_loop3A_342 : vector<16xi32>
          %parallel_loop3A_344 = arith.constant 7 : i32
          %parallel_loop3A_345 = vector.broadcast %parallel_loop3A_344 : i32 to vector<16xi32>
          %parallel_loop3A_346 = arith.andi %parallel_loop3A_337, %parallel_loop3A_345 : vector<16xi32>
          %parallel_loop3A_347 = arith.constant 3 : i32
          %parallel_loop3A_348 = vector.broadcast %parallel_loop3A_347 : i32 to vector<16xi32>
          %parallel_loop3A_349 = arith.shrsi %parallel_loop3A_340, %parallel_loop3A_348 : vector<16xi32>
          %parallel_loop3A_350 = arith.constant 7 : i32
          %parallel_loop3A_351 = vector.broadcast %parallel_loop3A_350 : i32 to vector<16xi32>
          %parallel_loop3A_352 = arith.andi %parallel_loop3A_340, %parallel_loop3A_351 : vector<16xi32>
          %parallel_loop3A_353 = arith.constant 0 : i32
          %parallel_loop3A_354 = vector.broadcast %parallel_loop3A_353 : i32 to vector<16xi32>
          %parallel_loop3A_355 = arith.addi %parallel_loop3A_354, %iota3A : vector<16xi32>
          %parallel_loop3A_356 = vector.broadcast %mul3A_263 : i32 to vector<16xi32>
          %parallel_loop3A_357 = arith.addi %parallel_loop3A_356, %parallel_loop3A_355 : vector<16xi32>
          %parallel_loop3A_358 = arith.constant 1 : i32
          %parallel_loop3A_359 = arith.constant 0 : i32
          %parallel_loop3A_360 = arith.constant 0 : i32
          %parallel_loop3A_361 = tpu.memref_slice %arg6[%parallel_loop3A_358, %parallel_loop3A_359, %parallel_loop3A_360] : memref<2x1024x32xf32, #tpu.memory_space<vmem>> -> memref<1x1024x32xf32, #tpu.memory_space<vmem>>
          %parallel_loop3A_362 = tpu.memref_squeeze %parallel_loop3A_361 : memref<1x1024x32xf32, #tpu.memory_space<vmem>> -> memref<1024x32xf32, #tpu.memory_space<vmem>>
          %parallel_loop3A_363 = tpu.vector_load_idx %parallel_loop3A_362[%parallel_loop3A_357, %parallel_loop3A_337] : memref<1024x32xf32, #tpu.memory_space<vmem>>[vector<16xi32>, vector<16xi32>], vector<16xf32>,
          %parallel_loop3A_364 = arith.constant 0 : i32
          %parallel_loop3A_365 = arith.constant 0 : i32
          %parallel_loop3A_366 = arith.constant 0 : i32
          %parallel_loop3A_367 = tpu.memref_slice %arg7[%select_n3A_261, %parallel_loop3A_364, %parallel_loop3A_365, %parallel_loop3A_366] : memref<2x4x8x128xf32, #tpu.memory_space<vmem>> -> memref<1x4x8x128xf32, #tpu.memory_space<vmem>>
          %parallel_loop3A_368 = tpu.memref_squeeze %parallel_loop3A_367 : memref<1x4x8x128xf32, #tpu.memory_space<vmem>> -> memref<4x8x128xf32, #tpu.memory_space<vmem>>
          tpu.vector_store_idx %parallel_loop3A_368[%parallel_loop3A_343, %parallel_loop3A_346, %parallel_loop3A_355], %parallel_loop3A_363 : memref<4x8x128xf32, #tpu.memory_space<vmem>>[vector<16xi32>, vector<16xi32>, vector<16xi32>], vector<16xf32>,
          %parallel_loop3A_369 = arith.constant 1 : i32
          %parallel_loop3A_370 = arith.constant 0 : i32
          %parallel_loop3A_371 = arith.constant 0 : i32
          %parallel_loop3A_372 = tpu.memref_slice %arg6[%parallel_loop3A_369, %parallel_loop3A_370, %parallel_loop3A_371] : memref<2x1024x32xf32, #tpu.memory_space<vmem>> -> memref<1x1024x32xf32, #tpu.memory_space<vmem>>
          %parallel_loop3A_373 = tpu.memref_squeeze %parallel_loop3A_372 : memref<1x1024x32xf32, #tpu.memory_space<vmem>> -> memref<1024x32xf32, #tpu.memory_space<vmem>>
          %parallel_loop3A_374 = tpu.vector_load_idx %parallel_loop3A_373[%parallel_loop3A_357, %parallel_loop3A_340] : memref<1024x32xf32, #tpu.memory_space<vmem>>[vector<16xi32>, vector<16xi32>], vector<16xf32>,
          %parallel_loop3A_375 = arith.constant 0 : i32
          %parallel_loop3A_376 = arith.constant 0 : i32
          %parallel_loop3A_377 = arith.constant 0 : i32
          %parallel_loop3A_378 = tpu.memref_slice %arg7[%select_n3A_261, %parallel_loop3A_375, %parallel_loop3A_376, %parallel_loop3A_377] : memref<2x4x8x128xf32, #tpu.memory_space<vmem>> -> memref<1x4x8x128xf32, #tpu.memory_space<vmem>>
          %parallel_loop3A_379 = tpu.memref_squeeze %parallel_loop3A_378 : memref<1x4x8x128xf32, #tpu.memory_space<vmem>> -> memref<4x8x128xf32, #tpu.memory_space<vmem>>
          tpu.vector_store_idx %parallel_loop3A_379[%parallel_loop3A_349, %parallel_loop3A_352, %parallel_loop3A_355], %parallel_loop3A_374 : memref<4x8x128xf32, #tpu.memory_space<vmem>>[vector<16xi32>, vector<16xi32>, vector<16xi32>], vector<16xf32>,
          %parallel_loop3A_380 = arith.constant 16 : i32
          %parallel_loop3A_381 = vector.broadcast %parallel_loop3A_380 : i32 to vector<16xi32>
          %parallel_loop3A_382 = arith.addi %parallel_loop3A_381, %iota3A : vector<16xi32>
          %parallel_loop3A_383 = vector.broadcast %mul3A_263 : i32 to vector<16xi32>
          %parallel_loop3A_384 = arith.addi %parallel_loop3A_383, %parallel_loop3A_382 : vector<16xi32>
          %parallel_loop3A_385 = arith.constant 1 : i32
          %parallel_loop3A_386 = arith.constant 0 : i32
          %parallel_loop3A_387 = arith.constant 0 : i32
          %parallel_loop3A_388 = tpu.memref_slice %arg6[%parallel_loop3A_385, %parallel_loop3A_386, %parallel_loop3A_387] : memref<2x1024x32xf32, #tpu.memory_space<vmem>> -> memref<1x1024x32xf32, #tpu.memory_space<vmem>>
          %parallel_loop3A_389 = tpu.memref_squeeze %parallel_loop3A_388 : memref<1x1024x32xf32, #tpu.memory_space<vmem>> -> memref<1024x32xf32, #tpu.memory_space<vmem>>
          %parallel_loop3A_390 = tpu.vector_load_idx %parallel_loop3A_389[%parallel_loop3A_384, %parallel_loop3A_337] : memref<1024x32xf32, #tpu.memory_space<vmem>>[vector<16xi32>, vector<16xi32>], vector<16xf32>,
          %parallel_loop3A_391 = arith.constant 0 : i32
          %parallel_loop3A_392 = arith.constant 0 : i32
          %parallel_loop3A_393 = arith.constant 0 : i32
          %parallel_loop3A_394 = tpu.memref_slice %arg7[%select_n3A_261, %parallel_loop3A_391, %parallel_loop3A_392, %parallel_loop3A_393] : memref<2x4x8x128xf32, #tpu.memory_space<vmem>> -> memref<1x4x8x128xf32, #tpu.memory_space<vmem>>
          %parallel_loop3A_395 = tpu.memref_squeeze %parallel_loop3A_394 : memref<1x4x8x128xf32, #tpu.memory_space<vmem>> -> memref<4x8x128xf32, #tpu.memory_space<vmem>>
          tpu.vector_store_idx %parallel_loop3A_395[%parallel_loop3A_343, %parallel_loop3A_346, %parallel_loop3A_382], %parallel_loop3A_390 : memref<4x8x128xf32, #tpu.memory_space<vmem>>[vector<16xi32>, vector<16xi32>, vector<16xi32>], vector<16xf32>,
          %parallel_loop3A_396 = arith.constant 1 : i32
          %parallel_loop3A_397 = arith.constant 0 : i32
          %parallel_loop3A_398 = arith.constant 0 : i32
          %parallel_loop3A_399 = tpu.memref_slice %arg6[%parallel_loop3A_396, %parallel_loop3A_397, %parallel_loop3A_398] : memref<2x1024x32xf32, #tpu.memory_space<vmem>> -> memref<1x1024x32xf32, #tpu.memory_space<vmem>>
          %parallel_loop3A_400 = tpu.memref_squeeze %parallel_loop3A_399 : memref<1x1024x32xf32, #tpu.memory_space<vmem>> -> memref<1024x32xf32, #tpu.memory_space<vmem>>
          %parallel_loop3A_401 = tpu.vector_load_idx %parallel_loop3A_400[%parallel_loop3A_384, %parallel_loop3A_340] : memref<1024x32xf32, #tpu.memory_space<vmem>>[vector<16xi32>, vector<16xi32>], vector<16xf32>,
          %parallel_loop3A_402 = arith.constant 0 : i32
          %parallel_loop3A_403 = arith.constant 0 : i32
          %parallel_loop3A_404 = arith.constant 0 : i32
          %parallel_loop3A_405 = tpu.memref_slice %arg7[%select_n3A_261, %parallel_loop3A_402, %parallel_loop3A_403, %parallel_loop3A_404] : memref<2x4x8x128xf32, #tpu.memory_space<vmem>> -> memref<1x4x8x128xf32, #tpu.memory_space<vmem>>
          %parallel_loop3A_406 = tpu.memref_squeeze %parallel_loop3A_405 : memref<1x4x8x128xf32, #tpu.memory_space<vmem>> -> memref<4x8x128xf32, #tpu.memory_space<vmem>>
          tpu.vector_store_idx %parallel_loop3A_406[%parallel_loop3A_349, %parallel_loop3A_352, %parallel_loop3A_382], %parallel_loop3A_401 : memref<4x8x128xf32, #tpu.memory_space<vmem>>[vector<16xi32>, vector<16xi32>, vector<16xi32>], vector<16xf32>,
          %parallel_loop3A_407 = arith.constant 32 : i32
          %parallel_loop3A_408 = vector.broadcast %parallel_loop3A_407 : i32 to vector<16xi32>
          %parallel_loop3A_409 = arith.addi %parallel_loop3A_408, %iota3A : vector<16xi32>
          %parallel_loop3A_410 = vector.broadcast %mul3A_263 : i32 to vector<16xi32>
          %parallel_loop3A_411 = arith.addi %parallel_loop3A_410, %parallel_loop3A_409 : vector<16xi32>
          %parallel_loop3A_412 = arith.constant 1 : i32
          %parallel_loop3A_413 = arith.constant 0 : i32
          %parallel_loop3A_414 = arith.constant 0 : i32
          %parallel_loop3A_415 = tpu.memref_slice %arg6[%parallel_loop3A_412, %parallel_loop3A_413, %parallel_loop3A_414] : memref<2x1024x32xf32, #tpu.memory_space<vmem>> -> memref<1x1024x32xf32, #tpu.memory_space<vmem>>
          %parallel_loop3A_416 = tpu.memref_squeeze %parallel_loop3A_415 : memref<1x1024x32xf32, #tpu.memory_space<vmem>> -> memref<1024x32xf32, #tpu.memory_space<vmem>>
          %parallel_loop3A_417 = tpu.vector_load_idx %parallel_loop3A_416[%parallel_loop3A_411, %parallel_loop3A_337] : memref<1024x32xf32, #tpu.memory_space<vmem>>[vector<16xi32>, vector<16xi32>], vector<16xf32>,
          %parallel_loop3A_418 = arith.constant 0 : i32
          %parallel_loop3A_419 = arith.constant 0 : i32
          %parallel_loop3A_420 = arith.constant 0 : i32
          %parallel_loop3A_421 = tpu.memref_slice %arg7[%select_n3A_261, %parallel_loop3A_418, %parallel_loop3A_419, %parallel_loop3A_420] : memref<2x4x8x128xf32, #tpu.memory_space<vmem>> -> memref<1x4x8x128xf32, #tpu.memory_space<vmem>>
          %parallel_loop3A_422 = tpu.memref_squeeze %parallel_loop3A_421 : memref<1x4x8x128xf32, #tpu.memory_space<vmem>> -> memref<4x8x128xf32, #tpu.memory_space<vmem>>
          tpu.vector_store_idx %parallel_loop3A_422[%parallel_loop3A_343, %parallel_loop3A_346, %parallel_loop3A_409], %parallel_loop3A_417 : memref<4x8x128xf32, #tpu.memory_space<vmem>>[vector<16xi32>, vector<16xi32>, vector<16xi32>], vector<16xf32>,
          %parallel_loop3A_423 = arith.constant 1 : i32
          %parallel_loop3A_424 = arith.constant 0 : i32
          %parallel_loop3A_425 = arith.constant 0 : i32
          %parallel_loop3A_426 = tpu.memref_slice %arg6[%parallel_loop3A_423, %parallel_loop3A_424, %parallel_loop3A_425] : memref<2x1024x32xf32, #tpu.memory_space<vmem>> -> memref<1x1024x32xf32, #tpu.memory_space<vmem>>
          %parallel_loop3A_427 = tpu.memref_squeeze %parallel_loop3A_426 : memref<1x1024x32xf32, #tpu.memory_space<vmem>> -> memref<1024x32xf32, #tpu.memory_space<vmem>>
          %parallel_loop3A_428 = tpu.vector_load_idx %parallel_loop3A_427[%parallel_loop3A_411, %parallel_loop3A_340] : memref<1024x32xf32, #tpu.memory_space<vmem>>[vector<16xi32>, vector<16xi32>], vector<16xf32>,
          %parallel_loop3A_429 = arith.constant 0 : i32
          %parallel_loop3A_430 = arith.constant 0 : i32
          %parallel_loop3A_431 = arith.constant 0 : i32
          %parallel_loop3A_432 = tpu.memref_slice %arg7[%select_n3A_261, %parallel_loop3A_429, %parallel_loop3A_430, %parallel_loop3A_431] : memref<2x4x8x128xf32, #tpu.memory_space<vmem>> -> memref<1x4x8x128xf32, #tpu.memory_space<vmem>>
          %parallel_loop3A_433 = tpu.memref_squeeze %parallel_loop3A_432 : memref<1x4x8x128xf32, #tpu.memory_space<vmem>> -> memref<4x8x128xf32, #tpu.memory_space<vmem>>
          tpu.vector_store_idx %parallel_loop3A_433[%parallel_loop3A_349, %parallel_loop3A_352, %parallel_loop3A_409], %parallel_loop3A_428 : memref<4x8x128xf32, #tpu.memory_space<vmem>>[vector<16xi32>, vector<16xi32>, vector<16xi32>], vector<16xf32>,
          %parallel_loop3A_434 = arith.constant 48 : i32
          %parallel_loop3A_435 = vector.broadcast %parallel_loop3A_434 : i32 to vector<16xi32>
          %parallel_loop3A_436 = arith.addi %parallel_loop3A_435, %iota3A : vector<16xi32>
          %parallel_loop3A_437 = vector.broadcast %mul3A_263 : i32 to vector<16xi32>
          %parallel_loop3A_438 = arith.addi %parallel_loop3A_437, %parallel_loop3A_436 : vector<16xi32>
          %parallel_loop3A_439 = arith.constant 1 : i32
          %parallel_loop3A_440 = arith.constant 0 : i32
          %parallel_loop3A_441 = arith.constant 0 : i32
          %parallel_loop3A_442 = tpu.memref_slice %arg6[%parallel_loop3A_439, %parallel_loop3A_440, %parallel_loop3A_441] : memref<2x1024x32xf32, #tpu.memory_space<vmem>> -> memref<1x1024x32xf32, #tpu.memory_space<vmem>>
          %parallel_loop3A_443 = tpu.memref_squeeze %parallel_loop3A_442 : memref<1x1024x32xf32, #tpu.memory_space<vmem>> -> memref<1024x32xf32, #tpu.memory_space<vmem>>
          %parallel_loop3A_444 = tpu.vector_load_idx %parallel_loop3A_443[%parallel_loop3A_438, %parallel_loop3A_337] : memref<1024x32xf32, #tpu.memory_space<vmem>>[vector<16xi32>, vector<16xi32>], vector<16xf32>,
          %parallel_loop3A_445 = arith.constant 0 : i32
          %parallel_loop3A_446 = arith.constant 0 : i32
          %parallel_loop3A_447 = arith.constant 0 : i32
          %parallel_loop3A_448 = tpu.memref_slice %arg7[%select_n3A_261, %parallel_loop3A_445, %parallel_loop3A_446, %parallel_loop3A_447] : memref<2x4x8x128xf32, #tpu.memory_space<vmem>> -> memref<1x4x8x128xf32, #tpu.memory_space<vmem>>
          %parallel_loop3A_449 = tpu.memref_squeeze %parallel_loop3A_448 : memref<1x4x8x128xf32, #tpu.memory_space<vmem>> -> memref<4x8x128xf32, #tpu.memory_space<vmem>>
          tpu.vector_store_idx %parallel_loop3A_449[%parallel_loop3A_343, %parallel_loop3A_346, %parallel_loop3A_436], %parallel_loop3A_444 : memref<4x8x128xf32, #tpu.memory_space<vmem>>[vector<16xi32>, vector<16xi32>, vector<16xi32>], vector<16xf32>,
          %parallel_loop3A_450 = arith.constant 1 : i32
          %parallel_loop3A_451 = arith.constant 0 : i32
          %parallel_loop3A_452 = arith.constant 0 : i32
          %parallel_loop3A_453 = tpu.memref_slice %arg6[%parallel_loop3A_450, %parallel_loop3A_451, %parallel_loop3A_452] : memref<2x1024x32xf32, #tpu.memory_space<vmem>> -> memref<1x1024x32xf32, #tpu.memory_space<vmem>>
          %parallel_loop3A_454 = tpu.memref_squeeze %parallel_loop3A_453 : memref<1x1024x32xf32, #tpu.memory_space<vmem>> -> memref<1024x32xf32, #tpu.memory_space<vmem>>
          %parallel_loop3A_455 = tpu.vector_load_idx %parallel_loop3A_454[%parallel_loop3A_438, %parallel_loop3A_340] : memref<1024x32xf32, #tpu.memory_space<vmem>>[vector<16xi32>, vector<16xi32>], vector<16xf32>,
          %parallel_loop3A_456 = arith.constant 0 : i32
          %parallel_loop3A_457 = arith.constant 0 : i32
          %parallel_loop3A_458 = arith.constant 0 : i32
          %parallel_loop3A_459 = tpu.memref_slice %arg7[%select_n3A_261, %parallel_loop3A_456, %parallel_loop3A_457, %parallel_loop3A_458] : memref<2x4x8x128xf32, #tpu.memory_space<vmem>> -> memref<1x4x8x128xf32, #tpu.memory_space<vmem>>
          %parallel_loop3A_460 = tpu.memref_squeeze %parallel_loop3A_459 : memref<1x4x8x128xf32, #tpu.memory_space<vmem>> -> memref<4x8x128xf32, #tpu.memory_space<vmem>>
          tpu.vector_store_idx %parallel_loop3A_460[%parallel_loop3A_349, %parallel_loop3A_352, %parallel_loop3A_436], %parallel_loop3A_455 : memref<4x8x128xf32, #tpu.memory_space<vmem>>[vector<16xi32>, vector<16xi32>, vector<16xi32>], vector<16xf32>,
          %parallel_loop3A_461 = arith.constant 64 : i32
          %parallel_loop3A_462 = vector.broadcast %parallel_loop3A_461 : i32 to vector<16xi32>
          %parallel_loop3A_463 = arith.addi %parallel_loop3A_462, %iota3A : vector<16xi32>
          %parallel_loop3A_464 = vector.broadcast %mul3A_263 : i32 to vector<16xi32>
          %parallel_loop3A_465 = arith.addi %parallel_loop3A_464, %parallel_loop3A_463 : vector<16xi32>
          %parallel_loop3A_466 = arith.constant 1 : i32
          %parallel_loop3A_467 = arith.constant 0 : i32
          %parallel_loop3A_468 = arith.constant 0 : i32
          %parallel_loop3A_469 = tpu.memref_slice %arg6[%parallel_loop3A_466, %parallel_loop3A_467, %parallel_loop3A_468] : memref<2x1024x32xf32, #tpu.memory_space<vmem>> -> memref<1x1024x32xf32, #tpu.memory_space<vmem>>
          %parallel_loop3A_470 = tpu.memref_squeeze %parallel_loop3A_469 : memref<1x1024x32xf32, #tpu.memory_space<vmem>> -> memref<1024x32xf32, #tpu.memory_space<vmem>>
          %parallel_loop3A_471 = tpu.vector_load_idx %parallel_loop3A_470[%parallel_loop3A_465, %parallel_loop3A_337] : memref<1024x32xf32, #tpu.memory_space<vmem>>[vector<16xi32>, vector<16xi32>], vector<16xf32>,
          %parallel_loop3A_472 = arith.constant 0 : i32
          %parallel_loop3A_473 = arith.constant 0 : i32
          %parallel_loop3A_474 = arith.constant 0 : i32
          %parallel_loop3A_475 = tpu.memref_slice %arg7[%select_n3A_261, %parallel_loop3A_472, %parallel_loop3A_473, %parallel_loop3A_474] : memref<2x4x8x128xf32, #tpu.memory_space<vmem>> -> memref<1x4x8x128xf32, #tpu.memory_space<vmem>>
          %parallel_loop3A_476 = tpu.memref_squeeze %parallel_loop3A_475 : memref<1x4x8x128xf32, #tpu.memory_space<vmem>> -> memref<4x8x128xf32, #tpu.memory_space<vmem>>
          tpu.vector_store_idx %parallel_loop3A_476[%parallel_loop3A_343, %parallel_loop3A_346, %parallel_loop3A_463], %parallel_loop3A_471 : memref<4x8x128xf32, #tpu.memory_space<vmem>>[vector<16xi32>, vector<16xi32>, vector<16xi32>], vector<16xf32>,
          %parallel_loop3A_477 = arith.constant 1 : i32
          %parallel_loop3A_478 = arith.constant 0 : i32
          %parallel_loop3A_479 = arith.constant 0 : i32
          %parallel_loop3A_480 = tpu.memref_slice %arg6[%parallel_loop3A_477, %parallel_loop3A_478, %parallel_loop3A_479] : memref<2x1024x32xf32, #tpu.memory_space<vmem>> -> memref<1x1024x32xf32, #tpu.memory_space<vmem>>
          %parallel_loop3A_481 = tpu.memref_squeeze %parallel_loop3A_480 : memref<1x1024x32xf32, #tpu.memory_space<vmem>> -> memref<1024x32xf32, #tpu.memory_space<vmem>>
          %parallel_loop3A_482 = tpu.vector_load_idx %parallel_loop3A_481[%parallel_loop3A_465, %parallel_loop3A_340] : memref<1024x32xf32, #tpu.memory_space<vmem>>[vector<16xi32>, vector<16xi32>], vector<16xf32>,
          %parallel_loop3A_483 = arith.constant 0 : i32
          %parallel_loop3A_484 = arith.constant 0 : i32
          %parallel_loop3A_485 = arith.constant 0 : i32
          %parallel_loop3A_486 = tpu.memref_slice %arg7[%select_n3A_261, %parallel_loop3A_483, %parallel_loop3A_484, %parallel_loop3A_485] : memref<2x4x8x128xf32, #tpu.memory_space<vmem>> -> memref<1x4x8x128xf32, #tpu.memory_space<vmem>>
          %parallel_loop3A_487 = tpu.memref_squeeze %parallel_loop3A_486 : memref<1x4x8x128xf32, #tpu.memory_space<vmem>> -> memref<4x8x128xf32, #tpu.memory_space<vmem>>
          tpu.vector_store_idx %parallel_loop3A_487[%parallel_loop3A_349, %parallel_loop3A_352, %parallel_loop3A_463], %parallel_loop3A_482 : memref<4x8x128xf32, #tpu.memory_space<vmem>>[vector<16xi32>, vector<16xi32>, vector<16xi32>], vector<16xf32>,
          %parallel_loop3A_488 = arith.constant 80 : i32
          %parallel_loop3A_489 = vector.broadcast %parallel_loop3A_488 : i32 to vector<16xi32>
          %parallel_loop3A_490 = arith.addi %parallel_loop3A_489, %iota3A : vector<16xi32>
          %parallel_loop3A_491 = vector.broadcast %mul3A_263 : i32 to vector<16xi32>
          %parallel_loop3A_492 = arith.addi %parallel_loop3A_491, %parallel_loop3A_490 : vector<16xi32>
          %parallel_loop3A_493 = arith.constant 1 : i32
          %parallel_loop3A_494 = arith.constant 0 : i32
          %parallel_loop3A_495 = arith.constant 0 : i32
          %parallel_loop3A_496 = tpu.memref_slice %arg6[%parallel_loop3A_493, %parallel_loop3A_494, %parallel_loop3A_495] : memref<2x1024x32xf32, #tpu.memory_space<vmem>> -> memref<1x1024x32xf32, #tpu.memory_space<vmem>>
          %parallel_loop3A_497 = tpu.memref_squeeze %parallel_loop3A_496 : memref<1x1024x32xf32, #tpu.memory_space<vmem>> -> memref<1024x32xf32, #tpu.memory_space<vmem>>
          %parallel_loop3A_498 = tpu.vector_load_idx %parallel_loop3A_497[%parallel_loop3A_492, %parallel_loop3A_337] : memref<1024x32xf32, #tpu.memory_space<vmem>>[vector<16xi32>, vector<16xi32>], vector<16xf32>,
          %parallel_loop3A_499 = arith.constant 0 : i32
          %parallel_loop3A_500 = arith.constant 0 : i32
          %parallel_loop3A_501 = arith.constant 0 : i32
          %parallel_loop3A_502 = tpu.memref_slice %arg7[%select_n3A_261, %parallel_loop3A_499, %parallel_loop3A_500, %parallel_loop3A_501] : memref<2x4x8x128xf32, #tpu.memory_space<vmem>> -> memref<1x4x8x128xf32, #tpu.memory_space<vmem>>
          %parallel_loop3A_503 = tpu.memref_squeeze %parallel_loop3A_502 : memref<1x4x8x128xf32, #tpu.memory_space<vmem>> -> memref<4x8x128xf32, #tpu.memory_space<vmem>>
          tpu.vector_store_idx %parallel_loop3A_503[%parallel_loop3A_343, %parallel_loop3A_346, %parallel_loop3A_490], %parallel_loop3A_498 : memref<4x8x128xf32, #tpu.memory_space<vmem>>[vector<16xi32>, vector<16xi32>, vector<16xi32>], vector<16xf32>,
          %parallel_loop3A_504 = arith.constant 1 : i32
          %parallel_loop3A_505 = arith.constant 0 : i32
          %parallel_loop3A_506 = arith.constant 0 : i32
          %parallel_loop3A_507 = tpu.memref_slice %arg6[%parallel_loop3A_504, %parallel_loop3A_505, %parallel_loop3A_506] : memref<2x1024x32xf32, #tpu.memory_space<vmem>> -> memref<1x1024x32xf32, #tpu.memory_space<vmem>>
          %parallel_loop3A_508 = tpu.memref_squeeze %parallel_loop3A_507 : memref<1x1024x32xf32, #tpu.memory_space<vmem>> -> memref<1024x32xf32, #tpu.memory_space<vmem>>
          %parallel_loop3A_509 = tpu.vector_load_idx %parallel_loop3A_508[%parallel_loop3A_492, %parallel_loop3A_340] : memref<1024x32xf32, #tpu.memory_space<vmem>>[vector<16xi32>, vector<16xi32>], vector<16xf32>,
          %parallel_loop3A_510 = arith.constant 0 : i32
          %parallel_loop3A_511 = arith.constant 0 : i32
          %parallel_loop3A_512 = arith.constant 0 : i32
          %parallel_loop3A_513 = tpu.memref_slice %arg7[%select_n3A_261, %parallel_loop3A_510, %parallel_loop3A_511, %parallel_loop3A_512] : memref<2x4x8x128xf32, #tpu.memory_space<vmem>> -> memref<1x4x8x128xf32, #tpu.memory_space<vmem>>
          %parallel_loop3A_514 = tpu.memref_squeeze %parallel_loop3A_513 : memref<1x4x8x128xf32, #tpu.memory_space<vmem>> -> memref<4x8x128xf32, #tpu.memory_space<vmem>>
          tpu.vector_store_idx %parallel_loop3A_514[%parallel_loop3A_349, %parallel_loop3A_352, %parallel_loop3A_490], %parallel_loop3A_509 : memref<4x8x128xf32, #tpu.memory_space<vmem>>[vector<16xi32>, vector<16xi32>, vector<16xi32>], vector<16xf32>,
          %parallel_loop3A_515 = arith.constant 96 : i32
          %parallel_loop3A_516 = vector.broadcast %parallel_loop3A_515 : i32 to vector<16xi32>
          %parallel_loop3A_517 = arith.addi %parallel_loop3A_516, %iota3A : vector<16xi32>
          %parallel_loop3A_518 = vector.broadcast %mul3A_263 : i32 to vector<16xi32>
          %parallel_loop3A_519 = arith.addi %parallel_loop3A_518, %parallel_loop3A_517 : vector<16xi32>
          %parallel_loop3A_520 = arith.constant 1 : i32
          %parallel_loop3A_521 = arith.constant 0 : i32
          %parallel_loop3A_522 = arith.constant 0 : i32
          %parallel_loop3A_523 = tpu.memref_slice %arg6[%parallel_loop3A_520, %parallel_loop3A_521, %parallel_loop3A_522] : memref<2x1024x32xf32, #tpu.memory_space<vmem>> -> memref<1x1024x32xf32, #tpu.memory_space<vmem>>
          %parallel_loop3A_524 = tpu.memref_squeeze %parallel_loop3A_523 : memref<1x1024x32xf32, #tpu.memory_space<vmem>> -> memref<1024x32xf32, #tpu.memory_space<vmem>>
          %parallel_loop3A_525 = tpu.vector_load_idx %parallel_loop3A_524[%parallel_loop3A_519, %parallel_loop3A_337] : memref<1024x32xf32, #tpu.memory_space<vmem>>[vector<16xi32>, vector<16xi32>], vector<16xf32>,
          %parallel_loop3A_526 = arith.constant 0 : i32
          %parallel_loop3A_527 = arith.constant 0 : i32
          %parallel_loop3A_528 = arith.constant 0 : i32
          %parallel_loop3A_529 = tpu.memref_slice %arg7[%select_n3A_261, %parallel_loop3A_526, %parallel_loop3A_527, %parallel_loop3A_528] : memref<2x4x8x128xf32, #tpu.memory_space<vmem>> -> memref<1x4x8x128xf32, #tpu.memory_space<vmem>>
          %parallel_loop3A_530 = tpu.memref_squeeze %parallel_loop3A_529 : memref<1x4x8x128xf32, #tpu.memory_space<vmem>> -> memref<4x8x128xf32, #tpu.memory_space<vmem>>
          tpu.vector_store_idx %parallel_loop3A_530[%parallel_loop3A_343, %parallel_loop3A_346, %parallel_loop3A_517], %parallel_loop3A_525 : memref<4x8x128xf32, #tpu.memory_space<vmem>>[vector<16xi32>, vector<16xi32>, vector<16xi32>], vector<16xf32>,
          %parallel_loop3A_531 = arith.constant 1 : i32
          %parallel_loop3A_532 = arith.constant 0 : i32
          %parallel_loop3A_533 = arith.constant 0 : i32
          %parallel_loop3A_534 = tpu.memref_slice %arg6[%parallel_loop3A_531, %parallel_loop3A_532, %parallel_loop3A_533] : memref<2x1024x32xf32, #tpu.memory_space<vmem>> -> memref<1x1024x32xf32, #tpu.memory_space<vmem>>
          %parallel_loop3A_535 = tpu.memref_squeeze %parallel_loop3A_534 : memref<1x1024x32xf32, #tpu.memory_space<vmem>> -> memref<1024x32xf32, #tpu.memory_space<vmem>>
          %parallel_loop3A_536 = tpu.vector_load_idx %parallel_loop3A_535[%parallel_loop3A_519, %parallel_loop3A_340] : memref<1024x32xf32, #tpu.memory_space<vmem>>[vector<16xi32>, vector<16xi32>], vector<16xf32>,
          %parallel_loop3A_537 = arith.constant 0 : i32
          %parallel_loop3A_538 = arith.constant 0 : i32
          %parallel_loop3A_539 = arith.constant 0 : i32
          %parallel_loop3A_540 = tpu.memref_slice %arg7[%select_n3A_261, %parallel_loop3A_537, %parallel_loop3A_538, %parallel_loop3A_539] : memref<2x4x8x128xf32, #tpu.memory_space<vmem>> -> memref<1x4x8x128xf32, #tpu.memory_space<vmem>>
          %parallel_loop3A_541 = tpu.memref_squeeze %parallel_loop3A_540 : memref<1x4x8x128xf32, #tpu.memory_space<vmem>> -> memref<4x8x128xf32, #tpu.memory_space<vmem>>
          tpu.vector_store_idx %parallel_loop3A_541[%parallel_loop3A_349, %parallel_loop3A_352, %parallel_loop3A_517], %parallel_loop3A_536 : memref<4x8x128xf32, #tpu.memory_space<vmem>>[vector<16xi32>, vector<16xi32>, vector<16xi32>], vector<16xf32>,
          %parallel_loop3A_542 = arith.constant 112 : i32
          %parallel_loop3A_543 = vector.broadcast %parallel_loop3A_542 : i32 to vector<16xi32>
          %parallel_loop3A_544 = arith.addi %parallel_loop3A_543, %iota3A : vector<16xi32>
          %parallel_loop3A_545 = vector.broadcast %mul3A_263 : i32 to vector<16xi32>
          %parallel_loop3A_546 = arith.addi %parallel_loop3A_545, %parallel_loop3A_544 : vector<16xi32>
          %parallel_loop3A_547 = arith.constant 1 : i32
          %parallel_loop3A_548 = arith.constant 0 : i32
          %parallel_loop3A_549 = arith.constant 0 : i32
          %parallel_loop3A_550 = tpu.memref_slice %arg6[%parallel_loop3A_547, %parallel_loop3A_548, %parallel_loop3A_549] : memref<2x1024x32xf32, #tpu.memory_space<vmem>> -> memref<1x1024x32xf32, #tpu.memory_space<vmem>>
          %parallel_loop3A_551 = tpu.memref_squeeze %parallel_loop3A_550 : memref<1x1024x32xf32, #tpu.memory_space<vmem>> -> memref<1024x32xf32, #tpu.memory_space<vmem>>
          %parallel_loop3A_552 = tpu.vector_load_idx %parallel_loop3A_551[%parallel_loop3A_546, %parallel_loop3A_337] : memref<1024x32xf32, #tpu.memory_space<vmem>>[vector<16xi32>, vector<16xi32>], vector<16xf32>,
          %parallel_loop3A_553 = arith.constant 0 : i32
          %parallel_loop3A_554 = arith.constant 0 : i32
          %parallel_loop3A_555 = arith.constant 0 : i32
          %parallel_loop3A_556 = tpu.memref_slice %arg7[%select_n3A_261, %parallel_loop3A_553, %parallel_loop3A_554, %parallel_loop3A_555] : memref<2x4x8x128xf32, #tpu.memory_space<vmem>> -> memref<1x4x8x128xf32, #tpu.memory_space<vmem>>
          %parallel_loop3A_557 = tpu.memref_squeeze %parallel_loop3A_556 : memref<1x4x8x128xf32, #tpu.memory_space<vmem>> -> memref<4x8x128xf32, #tpu.memory_space<vmem>>
          tpu.vector_store_idx %parallel_loop3A_557[%parallel_loop3A_343, %parallel_loop3A_346, %parallel_loop3A_544], %parallel_loop3A_552 : memref<4x8x128xf32, #tpu.memory_space<vmem>>[vector<16xi32>, vector<16xi32>, vector<16xi32>], vector<16xf32>,
          %parallel_loop3A_558 = arith.constant 1 : i32
          %parallel_loop3A_559 = arith.constant 0 : i32
          %parallel_loop3A_560 = arith.constant 0 : i32
          %parallel_loop3A_561 = tpu.memref_slice %arg6[%parallel_loop3A_558, %parallel_loop3A_559, %parallel_loop3A_560] : memref<2x1024x32xf32, #tpu.memory_space<vmem>> -> memref<1x1024x32xf32, #tpu.memory_space<vmem>>
          %parallel_loop3A_562 = tpu.memref_squeeze %parallel_loop3A_561 : memref<1x1024x32xf32, #tpu.memory_space<vmem>> -> memref<1024x32xf32, #tpu.memory_space<vmem>>
          %parallel_loop3A_563 = tpu.vector_load_idx %parallel_loop3A_562[%parallel_loop3A_546, %parallel_loop3A_340] : memref<1024x32xf32, #tpu.memory_space<vmem>>[vector<16xi32>, vector<16xi32>], vector<16xf32>,
          %parallel_loop3A_564 = arith.constant 0 : i32
          %parallel_loop3A_565 = arith.constant 0 : i32
          %parallel_loop3A_566 = arith.constant 0 : i32
          %parallel_loop3A_567 = tpu.memref_slice %arg7[%select_n3A_261, %parallel_loop3A_564, %parallel_loop3A_565, %parallel_loop3A_566] : memref<2x4x8x128xf32, #tpu.memory_space<vmem>> -> memref<1x4x8x128xf32, #tpu.memory_space<vmem>>
          %parallel_loop3A_568 = tpu.memref_squeeze %parallel_loop3A_567 : memref<1x4x8x128xf32, #tpu.memory_space<vmem>> -> memref<4x8x128xf32, #tpu.memory_space<vmem>>
          tpu.vector_store_idx %parallel_loop3A_568[%parallel_loop3A_349, %parallel_loop3A_352, %parallel_loop3A_544], %parallel_loop3A_563 : memref<4x8x128xf32, #tpu.memory_space<vmem>>[vector<16xi32>, vector<16xi32>, vector<16xi32>], vector<16xf32>,
        } {sc.loop_unroll_factor = 2 : i64, sc.parallel_access}
        %jit3A_270 = arith.constant 128 : i32
        %div3A = arith.divsi %add3A_161, %jit3A_270 : i32
        %sign3A = arith.constant 0 : i32
        %sign3A_271 = arith.cmpi sgt, %add3A_161, %sign3A : i32
        %sign3A_272 = arith.extui %sign3A_271 : i1 to i32
        %sign3A_273 = arith.constant 0 : i32
        %sign3A_274 = arith.cmpi slt, %add3A_161, %sign3A_273 : i32
        %sign3A_275 = arith.extui %sign3A_274 : i1 to i32
        %sign3A_276 = arith.subi %sign3A_272, %sign3A_275 : i32
        %sign3A_277 = arith.constant 0 : i32
        %sign3A_278 = arith.cmpi sgt, %jit3A_270, %sign3A_277 : i32
        %sign3A_279 = arith.extui %sign3A_278 : i1 to i32
        %sign3A_280 = arith.constant 0 : i32
        %sign3A_281 = arith.cmpi slt, %jit3A_270, %sign3A_280 : i32
        %sign3A_282 = arith.extui %sign3A_281 : i1 to i32
        %sign3A_283 = arith.subi %sign3A_279, %sign3A_282 : i32
        %ne3A_284 = arith.cmpi ne, %sign3A_276, %sign3A_283 : i32
        %rem3A_285 = arith.remsi %add3A_161, %jit3A_270 : i32
        %ne3A_286 = arith.constant 0 : i32
        %ne3A_287 = arith.cmpi ne, %rem3A_285, %ne3A_286 : i32
        %and3A_288 = arith.andi %ne3A_284, %ne3A_287 : i1
        %sub3A = arith.constant 1 : i32
        %sub3A_289 = arith.subi %div3A, %sub3A : i32
        %select_n3A_290 = arith.select %and3A_288, %sub3A_289, %div3A : i32
        %mul3A_291 = arith.constant 8 : i32
        %mul3A_292 = arith.muli %select_n3A_290, %mul3A_291 : i32
        %add3A_293 = arith.addi %mul3A_292, %scan3A_251 : i32
        %jit3A_294 = arith.constant 128 : i32
        %eq3A_295 = arith.constant 0 : i32
        %eq3A_296 = arith.cmpi eq, %jit3A_294, %eq3A_295 : i32
        %jit3A_297 = arith.constant 1 : i32
        %select_n3A_298 = arith.select %eq3A_296, %jit3A_297, %jit3A_294 : i32
        %rem3A_299 = arith.remsi %add3A_161, %select_n3A_298 : i32
        %ne3A_300 = arith.constant 0 : i32
        %ne3A_301 = arith.cmpi ne, %rem3A_299, %ne3A_300 : i32
        %lt3A_302 = arith.constant 0 : i32
        %lt3A_303 = arith.cmpi slt, %rem3A_299, %lt3A_302 : i32
        %lt3A_304 = arith.constant 0 : i32
        %lt3A_305 = arith.cmpi slt, %select_n3A_298, %lt3A_304 : i32
        %ne3A_306 = arith.xori %lt3A_303, %lt3A_305 : i1
        %and3A_307 = arith.andi %ne3A_306, %ne3A_301 : i1
        %add3A_308 = arith.addi %rem3A_299, %select_n3A_298 : i32
        %select_n3A_309 = arith.select %and3A_307, %add3A_308, %rem3A_299 : i32
        %dma_start3A_310 = arith.constant 0 : i32
        %dma_start3A_311 = arith.constant 0 : i32
        %dma_start3A_312 = arith.constant 0 : i32
        %dma_start3A_313 = tpu.memref_slice %arg7[%select_n3A_261, %dma_start3A_310, %dma_start3A_311, %dma_start3A_312] : memref<2x4x8x128xf32, #tpu.memory_space<vmem>> -> memref<1x4x8x128xf32, #tpu.memory_space<vmem>>
        %dma_start3A_314 = tpu.memref_squeeze %dma_start3A_313 : memref<1x4x8x128xf32, #tpu.memory_space<vmem>> -> memref<4x8x128xf32, #tpu.memory_space<vmem>>
        %dma_start3A_315 = arith.constant 0 : i32
        %dma_start3A_316 = arith.constant 0 : i32
        %dma_start3A_317 = arith.constant 0 : i32
        %dma_start3A_318 = tpu.memref_slice %arg4[%add3A_293, %dma_start3A_315, %select_n3A_309, %dma_start3A_316, %dma_start3A_317] : memref<200x4x128x8x128xf32, #tpu.memory_space<hbm>> -> memref<1x4x1x8x128xf32, #tpu.memory_space<hbm>>
        %dma_start3A_319 = tpu.memref_squeeze %dma_start3A_318 : memref<1x4x1x8x128xf32, #tpu.memory_space<hbm>> -> memref<4x8x128xf32, #tpu.memory_space<hbm>>
        %dma_start3A_320 = tpu.memref_slice %arg10[%select_n3A_261] : memref<2x!tpu.dma_semaphore, #tpu.memory_space<semaphore_mem>> -> memref<1x!tpu.dma_semaphore, #tpu.memory_space<semaphore_mem>>
        %dma_start3A_321 = tpu.memref_squeeze %dma_start3A_320 : memref<1x!tpu.dma_semaphore, #tpu.memory_space<semaphore_mem>> -> memref<!tpu.dma_semaphore, #tpu.memory_space<semaphore_mem>>
        %dma_start3A_322 = arith.constant 0 : i32
        %dma_start3A_323 = arith.constant 0 : i32
        %dma_start3A_324 = arith.constant 0 : i32
        %dma_start3A_325 = tpu.memref_slice %arg4[%add3A_293, %dma_start3A_322, %select_n3A_309, %dma_start3A_323, %dma_start3A_324] : memref<200x4x128x8x128xf32, #tpu.memory_space<hbm>> -> memref<1x4x1x8x128xf32, #tpu.memory_space<hbm>>
        %dma_start3A_326 = tpu.memref_squeeze %dma_start3A_325 : memref<1x4x1x8x128xf32, #tpu.memory_space<hbm>> -> memref<4x8x128xf32, #tpu.memory_space<hbm>>
        %dma_start3A_327 = arith.constant 0 : i32
        %dma_start3A_328 = arith.constant 0 : i32
        %dma_start3A_329 = arith.constant 0 : i32
        %dma_start3A_330 = tpu.memref_slice %arg7[%select_n3A_261, %dma_start3A_327, %dma_start3A_328, %dma_start3A_329] : memref<2x4x8x128xf32, #tpu.memory_space<vmem>> -> memref<1x4x8x128xf32, #tpu.memory_space<vmem>>
        %dma_start3A_331 = tpu.memref_squeeze %dma_start3A_330 : memref<1x4x8x128xf32, #tpu.memory_space<vmem>> -> memref<4x8x128xf32, #tpu.memory_space<vmem>>
        tpu.enqueue_dma source(%dma_start3A_331 : memref<4x8x128xf32, #tpu.memory_space<vmem>>) target(%dma_start3A_326 : memref<4x8x128xf32, #tpu.memory_space<hbm>>) target_semaphore(%dma_start3A_321 : memref<!tpu.dma_semaphore, #tpu.memory_space<semaphore_mem>>)
      }
      %scan3A_198 = arith.constant 8 : i32
      %dma_wait3A_199 = arith.constant 0 : i32
      %dma_wait3A_200 = arith.constant 0 : i32
      %dma_wait3A_201 = arith.constant 0 : i32
      %dma_wait3A_202 = arith.constant 0 : i32
      %dma_wait3A_203 = arith.constant 0 : i32
      %dma_wait3A_204 = arith.constant 0 : i32
      %dma_wait3A_205 = arith.constant 0 : i32
      %dma_wait3A_206 = tpu.memref_slice %arg7[%dma_wait3A_199, %dma_wait3A_203, %dma_wait3A_204, %dma_wait3A_205] : memref<2x4x8x128xf32, #tpu.memory_space<vmem>> -> memref<1x4x8x128xf32, #tpu.memory_space<vmem>>
      %dma_wait3A_207 = tpu.memref_squeeze %dma_wait3A_206 : memref<1x4x8x128xf32, #tpu.memory_space<vmem>> -> memref<4x8x128xf32, #tpu.memory_space<vmem>>
      %dma_wait3A_208 = arith.constant 0 : i32
      %dma_wait3A_209 = arith.constant 0 : i32
      %dma_wait3A_210 = arith.constant 0 : i32
      %dma_wait3A_211 = tpu.memref_slice %arg4[%dma_wait3A_200, %dma_wait3A_208, %dma_wait3A_201, %dma_wait3A_209, %dma_wait3A_210] : memref<200x4x128x8x128xf32, #tpu.memory_space<hbm>> -> memref<1x4x1x8x128xf32, #tpu.memory_space<hbm>>
      %dma_wait3A_212 = tpu.memref_squeeze %dma_wait3A_211 : memref<1x4x1x8x128xf32, #tpu.memory_space<hbm>> -> memref<4x8x128xf32, #tpu.memory_space<hbm>>
      %dma_wait3A_213 = tpu.memref_slice %arg10[%dma_wait3A_202] : memref<2x!tpu.dma_semaphore, #tpu.memory_space<semaphore_mem>> -> memref<1x!tpu.dma_semaphore, #tpu.memory_space<semaphore_mem>>
      %dma_wait3A_214 = tpu.memref_squeeze %dma_wait3A_213 : memref<1x!tpu.dma_semaphore, #tpu.memory_space<semaphore_mem>> -> memref<!tpu.dma_semaphore, #tpu.memory_space<semaphore_mem>>
      %dma_wait3A_215 = arith.constant 0 : i32
      %dma_wait3A_216 = arith.constant 0 : i32
      %dma_wait3A_217 = arith.constant 0 : i32
      %dma_wait3A_218 = tpu.memref_slice %arg4[%dma_wait3A_200, %dma_wait3A_215, %dma_wait3A_201, %dma_wait3A_216, %dma_wait3A_217] : memref<200x4x128x8x128xf32, #tpu.memory_space<hbm>> -> memref<1x4x1x8x128xf32, #tpu.memory_space<hbm>>
      %dma_wait3A_219 = tpu.memref_squeeze %dma_wait3A_218 : memref<1x4x1x8x128xf32, #tpu.memory_space<hbm>> -> memref<4x8x128xf32, #tpu.memory_space<hbm>>
      %dma_wait3A_220 = arith.constant 0 : i32
      %dma_wait3A_221 = arith.constant 0 : i32
      %dma_wait3A_222 = arith.constant 0 : i32
      %dma_wait3A_223 = tpu.memref_slice %arg7[%dma_wait3A_199, %dma_wait3A_220, %dma_wait3A_221, %dma_wait3A_222] : memref<2x4x8x128xf32, #tpu.memory_space<vmem>> -> memref<1x4x8x128xf32, #tpu.memory_space<vmem>>
      %dma_wait3A_224 = tpu.memref_squeeze %dma_wait3A_223 : memref<1x4x8x128xf32, #tpu.memory_space<vmem>> -> memref<4x8x128xf32, #tpu.memory_space<vmem>>
      tpu.wait_dma2 semaphore(%dma_wait3A_214 : memref<!tpu.dma_semaphore, #tpu.memory_space<semaphore_mem>>) src(%dma_wait3A_224 : memref<4x8x128xf32, #tpu.memory_space<vmem>>) dst(%dma_wait3A_219 : memref<4x8x128xf32, #tpu.memory_space<hbm>>)
      %dma_wait3A_225 = arith.constant 1 : i32
      %dma_wait3A_226 = arith.constant 0 : i32
      %dma_wait3A_227 = arith.constant 0 : i32
      %dma_wait3A_228 = arith.constant 1 : i32
      %dma_wait3A_229 = arith.constant 0 : i32
      %dma_wait3A_230 = arith.constant 0 : i32
      %dma_wait3A_231 = arith.constant 0 : i32
      %dma_wait3A_232 = tpu.memref_slice %arg7[%dma_wait3A_225, %dma_wait3A_229, %dma_wait3A_230, %dma_wait3A_231] : memref<2x4x8x128xf32, #tpu.memory_space<vmem>> -> memref<1x4x8x128xf32, #tpu.memory_space<vmem>>
      %dma_wait3A_233 = tpu.memref_squeeze %dma_wait3A_232 : memref<1x4x8x128xf32, #tpu.memory_space<vmem>> -> memref<4x8x128xf32, #tpu.memory_space<vmem>>
      %dma_wait3A_234 = arith.constant 0 : i32
      %dma_wait3A_235 = arith.constant 0 : i32
      %dma_wait3A_236 = arith.constant 0 : i32
      %dma_wait3A_237 = tpu.memref_slice %arg4[%dma_wait3A_226, %dma_wait3A_234, %dma_wait3A_227, %dma_wait3A_235, %dma_wait3A_236] : memref<200x4x128x8x128xf32, #tpu.memory_space<hbm>> -> memref<1x4x1x8x128xf32, #tpu.memory_space<hbm>>
      %dma_wait3A_238 = tpu.memref_squeeze %dma_wait3A_237 : memref<1x4x1x8x128xf32, #tpu.memory_space<hbm>> -> memref<4x8x128xf32, #tpu.memory_space<hbm>>
      %dma_wait3A_239 = tpu.memref_slice %arg10[%dma_wait3A_228] : memref<2x!tpu.dma_semaphore, #tpu.memory_space<semaphore_mem>> -> memref<1x!tpu.dma_semaphore, #tpu.memory_space<semaphore_mem>>
      %dma_wait3A_240 = tpu.memref_squeeze %dma_wait3A_239 : memref<1x!tpu.dma_semaphore, #tpu.memory_space<semaphore_mem>> -> memref<!tpu.dma_semaphore, #tpu.memory_space<semaphore_mem>>
      %dma_wait3A_241 = arith.constant 0 : i32
      %dma_wait3A_242 = arith.constant 0 : i32
      %dma_wait3A_243 = arith.constant 0 : i32
      %dma_wait3A_244 = tpu.memref_slice %arg4[%dma_wait3A_226, %dma_wait3A_241, %dma_wait3A_227, %dma_wait3A_242, %dma_wait3A_243] : memref<200x4x128x8x128xf32, #tpu.memory_space<hbm>> -> memref<1x4x1x8x128xf32, #tpu.memory_space<hbm>>
      %dma_wait3A_245 = tpu.memref_squeeze %dma_wait3A_244 : memref<1x4x1x8x128xf32, #tpu.memory_space<hbm>> -> memref<4x8x128xf32, #tpu.memory_space<hbm>>
      %dma_wait3A_246 = arith.constant 0 : i32
      %dma_wait3A_247 = arith.constant 0 : i32
      %dma_wait3A_248 = arith.constant 0 : i32
      %dma_wait3A_249 = tpu.memref_slice %arg7[%dma_wait3A_225, %dma_wait3A_246, %dma_wait3A_247, %dma_wait3A_248] : memref<2x4x8x128xf32, #tpu.memory_space<vmem>> -> memref<1x4x8x128xf32, #tpu.memory_space<vmem>>
      %dma_wait3A_250 = tpu.memref_squeeze %dma_wait3A_249 : memref<1x4x8x128xf32, #tpu.memory_space<vmem>> -> memref<4x8x128xf32, #tpu.memory_space<vmem>>
      tpu.wait_dma2 semaphore(%dma_wait3A_240 : memref<!tpu.dma_semaphore, #tpu.memory_space<semaphore_mem>>) src(%dma_wait3A_250 : memref<4x8x128xf32, #tpu.memory_space<vmem>>) dst(%dma_wait3A_245 : memref<4x8x128xf32, #tpu.memory_space<hbm>>)
    }
    %scan3A_64 = arith.constant 50 : i32
    return
  }
}

</mosaic_0001>

<sc_bundles>
// kernel: kernel.3.cloned.1.call-start
scs
__scs_entry_jumppad:
0x0: {  	(pc) =	sbr.rel $0x88, $3  }
0x1: {  	(tag) =	ssettag $0x0;
	lr =	simm.s32 $0x1  }
0x2: {  	[smem:$0x3F9F] =	sst lr;
	_ =	strace $0xD0000000  }
0x3: {  	_ = 	snop  }
0x4: {  	_ = 	snop  }
0x5: {  	_ = 	snop  }
0x6: {  	_ = 	snop  }
0x7: {  	_ = 	snop  }
__scs_overlays_trampoline_lowered:
0x8: {  	[smem:$0x3FAE] =	sst s0  }
0x9: {  	[smem:$0x3FAF] =	sst s1  }
0xa: {  	[smem:$0x3FB0] =	sst s2  }
0xb: {  	[smem:$0x3FB1] =	sst s3  }
0xc: {  	[smem:$0x3FB2] =	sst s4  }
0xd: {  	[smem:$0x3FB3] =	sst s5  }
0xe: {  	[smem:$0x3FB4] =	sst s6  }
0xf: {  	[smem:$0x3FB5] =	sst s7  }
0x10: {  	[smem:$0x3FB6] =	sst s8  }
0x11: {  	[smem:$0x3FB7] =	sst s9;
	s0 =	simm.s32 @!p0 $0x0  }
0x12: {  	s1 =	sld [smem:$0x3F9D];
	s0 =	simm.s32 @p0 $0x1  }
0x13: {  	[smem:$0x3FB8] =	sst s0;
	s0 =	simm.s32 @!p1 $0x0  }
0x14: {  	s2 =	sld [smem:$0x3F9C];
	s0 =	simm.s32 @p1 $0x1  }
0x15: {  	[smem:$0x3FB9] =	sst s0;
	s0 =	simm.s32 @!p2 $0x0  }
0x16: {  	s3 =	sld [smem:$0x3FDB];
	s0 =	simm.s32 @p2 $0x1  }
0x17: {  	s4 =	simm.s32 $0x1BF5;
	[smem:$0x3FBB] =	sst s0  }
0x18: {  	s0 =	sld [smem:$0x3F9E];
	_ =	swait.ge [sflag:s4], $0x0  }
0x19: {  	s7 =	sld [smem:$0x3F9F]  }
0x1a: {  	s8 =	sadd.s32 $0xFFFFE003, lr  }
0x1b: {  	s9 =	sadd.s32 $0xFFFFFEF7, lr;
	s5 =	simm.s32 $0xFFFFFFFF;
	p2 =	slt.u32 s8, $0xFFFFF086  }
0x1c: {  	p1 =	slt.u32 s9, $0xF7A;
	s5 =	simm.s32 @!p2 $0x0  }
0x1d: {  	s5 =	simm.s32 @p1 $0x1;
	p0 =	seq.s32 s7, s2  }
0x1e: {  	s7 =	smul.u32 @!p0 $0xF7A, s2;
	p2 =	seq.s32 @!p0 s5, $0x0  }
0x1f: {  	s9 =	smul.u32 $0xF7A, s1;
	s8 =	simm.s32 @!p0 $0x1BF5;
	p2 =	por !p2, p0  }
0x20: {  	[sflag:s8] =	ssyncset.s32 @!p0 $0xFFFFF086;
	s6 =	sadd.s32 @!p0 s3, s7;
	s7 =	simm.s32 @!p0 $0x108  }
0x21: {  	s3 =	sadd.s32 s3, s9;
	s6 =	sadd.s32 @!p0 $0x88, s6;
	s7 =	simm.s32 @p2 $0x1082  }
0x22: {  	[simem:s7], [sflag:s8] =	dma.local @!p0 [hbm:s6], $0xF7A  }
0x23: {  	s9 =	sor.u32 $0xD0000000, s2;
	s6 =	simm.s32 $0x108;
	_ =	swait.ge @!p0 [sflag:s8], $0x0  }
0x24: {  	s3 =	sadd.s32 $0x88, s3;
	s6 =	simm.s32 @!p1 $0x1082;
	[sflag:s4] =	ssyncset.s32 $0xFFFFF086  }
0x25: {  	[simem:s6], [sflag:s4] =	dma.local [hbm:s3], $0xF7A  }
0x26: {  	[smem:$0x3F9F] =	sst s1;
	(tag) =	ssettag s2;
	_ =	strace s9  }
0x27: {  	s1 =	sld [smem:$0x3FAF]  }
0x28: {  	s2 =	sld [smem:$0x3FB0]  }
0x29: {  	s4 =	sld [smem:$0x3FB2]  }
0x2a: {  	p0 =	seq.s32 s5, $0x0;
	s5 =	sld [smem:$0x3FB3]  }
0x2b: {  	s6 =	sld [smem:$0x3FB4]  }
0x2c: {  	s7 =	sld [smem:$0x3FB5]  }
0x2d: {  	s3 =	simm.s32 $0x108;
	s8 =	sld [smem:$0x3FB6]  }
0x2e: {  	s3 =	simm.s32 @!p0 $0x1082;
	s9 =	sld [smem:$0x3FB7]  }
0x2f: {  	lr =	sadd.s32 s0, s3;
	s0 =	sld [smem:$0x3FAE]  }
0x30: {  	s3 =	sld [smem:$0x3FB1]  }
0x31: {  	[smem:$0x3FBA] =	sst s10  }
0x32: {  	s10 =	sld [smem:$0x3FB8];
	_ =	sdelay $0x3  }
0x33: {  	p0 =	seq.s32 s10, $0x1;
	s10 =	sld [smem:$0x3FBA];
	_ =	sdelay $0x3  }
0x34: {  	[smem:$0x3FBA] =	sst s10  }
0x35: {  	s10 =	sld [smem:$0x3FB9];
	_ =	sdelay $0x3  }
0x36: {  	p1 =	seq.s32 s10, $0x1;
	s10 =	sld [smem:$0x3FBA];
	_ =	sdelay $0x3  }
0x37: {  	[smem:$0x3FBA] =	sst s10  }
0x38: {  	s10 =	sld [smem:$0x3FBB]  }
0x39: {  	_ = 	snop;
	(pc) =	sbr.ind lr, $3  }
0x3a: {  	_ = 	snop  }
0x3b: {  	_ = 	snop  }
0x3c: {  	p2 =	seq.s32 s10, $0x1;
	s10 =	sld [smem:$0x3FBA]  }
0x3d: {  	_ =	shalt  }
0x3e: {  	_ =	shalt  }
0x3f: {  	_ =	shalt  }
0x40: {  	_ =	shalt  }
0x41: {  	_ =	shalt  }
0x42: {  	_ =	shalt  }
0x43: {  	_ =	shalt  }
0x44: {  	_ =	shalt  }
0x45: {  	_ =	shalt  }
0x46: {  	_ =	shalt  }
0x47: {  	_ =	shalt  }
0x48: {  	_ =	shalt  }
0x49: {  	_ =	shalt  }
0x4a: {  	_ =	shalt  }
0x4b: {  	_ =	shalt  }
0x4c: {  	_ =	shalt  }
0x4d: {  	_ =	shalt  }
0x4e: {  	_ =	shalt  }
0x4f: {  	_ =	shalt  }
0x50: {  	_ =	shalt  }
0x51: {  	_ =	shalt  }
0x52: {  	_ =	shalt  }
0x53: {  	_ =	shalt  }
0x54: {  	_ =	shalt  }
0x55: {  	_ =	shalt  }
0x56: {  	_ =	shalt  }
0x57: {  	_ =	shalt  }
0x58: {  	_ =	shalt  }
0x59: {  	_ =	shalt  }
0x5a: {  	_ =	shalt  }
0x5b: {  	_ =	shalt  }
0x5c: {  	_ =	shalt  }
0x5d: {  	_ =	shalt  }
0x5e: {  	_ =	shalt  }
0x5f: {  	_ =	shalt  }
0x60: {  	_ =	shalt  }
0x61: {  	_ =	shalt  }
0x62: {  	_ =	shalt  }
0x63: {  	_ =	shalt  }
0x64: {  	_ =	shalt  }
0x65: {  	_ =	shalt  }
0x66: {  	_ =	shalt  }
0x67: {  	_ =	shalt  }
0x68: {  	_ =	shalt  }
0x69: {  	_ =	shalt  }
0x6a: {  	_ =	shalt  }
0x6b: {  	_ =	shalt  }
0x6c: {  	_ =	shalt  }
0x6d: {  	_ =	shalt  }
0x6e: {  	_ =	shalt  }
0x6f: {  	_ =	shalt  }
0x70: {  	_ =	shalt  }
0x71: {  	_ =	shalt  }
0x72: {  	_ =	shalt  }
0x73: {  	_ =	shalt  }
0x74: {  	_ =	shalt  }
0x75: {  	_ =	shalt  }
0x76: {  	_ =	shalt  }
0x77: {  	_ =	shalt  }
0x78: {  	_ =	shalt  }
0x79: {  	_ =	shalt  }
0x7a: {  	_ =	shalt  }
0x7b: {  	_ =	shalt  }
0x7c: {  	_ =	shalt  }
0x7d: {  	_ =	shalt  }
0x7e: {  	_ =	shalt  }
0x7f: {  	_ =	shalt  }
0x80: {  	_ =	shalt  }
0x81: {  	_ =	shalt  }
0x82: {  	_ =	shalt  }
0x83: {  	_ =	shalt  }
0x84: {  	_ =	shalt  }
0x85: {  	_ =	shalt  }
0x86: {  	_ =	shalt  }
0x87: {  	_ =	shalt  }
.Lfunc_end0:
.L_simem_size_0:
called_computation_lowered:
.L_overlay_start_0:
0x88: {  	s2 =	sld [smem:$0x3FD9]  }
0x89: {  	s3 =	sld [smem:$0x3FFE];
	_ =	sdelay $0x1  }
0x8a: {  	s1 =	srdreg.scid  }
0x8b: {  	s0 =	sand.u32 $0x1, s1  }
0x8c: {  	s17 =	sshll.u32 s0, $0xA;
	s2 =	sadd.s32 s3, s2  }
0x8d: {  	s2 =	sadd.s32 s2, s17  }
0x8e: {  	[smem:$0x3FC6] =	sst s2  }
0x8f: {  	_ = 	snop  }
0x90: {  	s2 =	sld [smem:$0x3FC9]  }
0x91: {  	s18 =	sld [smem:$0x3FD0];
	(tm) =	ssettm $0x1  }
0x92: {  	s4 =	sld [smem:$0x3FFB];
	_ =	sdelay $0x3  }
0x93: {  	_ =	strace s4  }
0x94: {  	s4 =	sld [smem:$0x3FFC];
	_ =	sdelay $0x3  }
0x95: {  	_ =	strace s4  }
0x96: {  	s4 =	sld [smem:$0x3FFD];
	_ =	sdelay $0x3  }
0x97: {  	_ =	strace s4  }
0x98: {  	_ =	strace $0x8FFFFFFF  }
0x99: {  	s19 =	sld [smem:$0x3FDB];
	_ =	sdelay $0x1  }
0x9a: {  	s5 =	simm.s32 $_scs_section_size  }
0x9b: {  	s6 =	simm.s32 $_size__tile_overlayer_lowered;
	s7 =	simm.s32 $_tile_overlayer_lowered  }
0x9c: {  	s22 =	simm.s32 $0x1BFF;
	s21 =	sshll.u32 s7, $0x1;
	s4 =	sadd.s32 s5, s19  }
0x9d: {  	s8 =	simm.s32 $0x0;
	s20 =	sshll.u32 s6, $0x1;
	s6 =	sadd.s32 s21, s4  }
0x9e: {  	[timem:s8], [sflag:s22] =	dma.local [hbm:s6], s20  }
0x9f: {  	_ =	swait.ge [sflag:s22], s20  }
0xa0: {  	s5 =	ssub.s32 $0x0, s20;
	[sflag:s22] =	ssyncset.done $0x0  }
0xa1: {  	[sflag:s22] =	ssyncadd.s32 s5;
	_ =	sdelay $0x1  }
0xa2: {  	s23 =	simm.s32 $0x1B8B  }
0xa3: {  	_ =	swait.ge [sflag:s23], $0x1  }
0xa4: {  	[sflag:s23] =	ssyncset.done $0x0  }
0xa5: {  	s25 =	simm.s32 $0x1B8E;
	s24 =	sld [smem:$0x3FFE];
	[sflag:s23] =	ssyncadd.s32 $0xFFFFFFFF  }
0xa6: {  	s26 =	simm.s32 $execute0_lowered;
	[smem:$0x3FD2] =	sst s25  }
0xa7: {  	s6 =	sshll.u32 s26, $0x1;
	_ =	strace $0x80000046;
	[dreg:$0x1] =	wrdreg $0xFFFFFFFF  }
0xa8: {  	s28 =	simm.s32 $_size_execute0_lowered;
	s4 =	sadd.s32 s4, s6;
	[dreg:$0x0] =	wrdreg $0x0  }
0xa9: {  	s6 =	sshll.u32 s28, $0x1;
	[dreg:$0x2] =	wrdreg s4  }
0xaa: {  	[dreg:$0x3] =	wrdreg s6  }
0xab: {  	[dreg:$0x4] =	wrdreg $0xC0  }
0xac: {  	_ =	task [dreg:s8], $0x5FFFF  }
0xad: {  	[dreg:$0x1] =	wrdreg $0xFFFFFFFF  }
0xae: {  	[dreg:$0x0] =	wrdreg $0x60  }
0xaf: {  	[dreg:$0x2] =	wrdreg s24  }
0xb0: {  	[dreg:$0x3] =	wrdreg s2  }
0xb1: {  	[dreg:$0x4] =	wrdreg s18  }
0xb2: {  	[dreg:$0x5] =	wrdreg $0x9  }
0xb3: {  	_ =	task.clear_ibuf [dreg:s8], $0x6FFFF;
	_ =	strace $0x90000046  }
0xb4: {  	s29 =	simm.s32 $0x9;
	_ =	strace $0x80000048  }
0xb5: {  	_ =	swait.ge [sflag:s29], $0x1  }
0xb6: {  	[sflag:s29] =	ssyncadd.s32 $0xFFFFFFFF  }
0xb7: {  	_ =	strace $0x90000048  }
0xb8: {  	_ =	sfence  }
0xb9: {  	s30 =	sld [smem:$0x0];
	_ =	sdelay $0x2  }
0xba: {  	s31 =	sshll.u32 s1, $0xD;
	s1 =	sshrl.u32 s1, $0x2  }
0xbb: {  	s3 =	sand.u32 $0x4000, s31;
	s1 =	sadd.s32 s1, s30  }
0xbc: {  	s0 =	sor.u32 s3, s0;
	s1 =	sshll.u32 s1, $0x11  }
0xbd: {  	s0 =	sor.u32 s1, s0  }
0xbe: {  	s0 =	sadd.s32 $0x8F2B, s0  }
0xbf: {  	[sflag:s0] =	ssyncadd.remote.s32 $0x1  }
0xc0: {  	_ =	sfence.sel $0xFFFF  }
0xc1: {  	[dreg:$0x0] =	wrdreg $0xFFFFFFFF;
	(pc) =	sbr.abs _section_cstart, $3  }
0xc2: {  	[dreg:$0x1] =	wrdreg $0xFFFFFFFF  }
0xc3: {  	_ =	task.clear_ibuf [dreg:s8], $0x2FFFF;
	_ =	strace $0x9FFFFFFF  }
0xc4: {  	(tm) =	ssettm $0x7FFFFFFF  }
0xc5: {  	_ =	shalt  }
tec
execute0_lowered:
.L_overlay_start_1:
0x0: {  	(tag) =	ssettag $0x1  }
0x1: {  	s6 =	rddreg [dreg:$0x0]  }
0x2: {  	s2 =	rddreg [dreg:$0x1];
	s1 =	srdreg.scid;
	v0 =	vlaneseq.u32  }
0x3: {  	s0 =	stileid.u32;
	s3 =	rddreg [dreg:$0x2];
	s4 =	simm.s32 $0x0;
	v1 =	vmul.u32 $0x20, v0  }
0x4: {  	s11 =	simm.s32 $0x400;
	s12 =	simm.s32 $0x1;
	[smem:$0x7FF] =	sst s4  }
0x5: {  	s5 =	sand.u32 $0x1, s1;
	s1 =	rddreg [dreg:$0x3];
	_ =	strace $0x80000047;
	v2 =	vor.u32 $0xE00, v1;
	[tilespmem:$0x1FFE0] =	vst v1  }
0x6: {  	s13 =	simm.s32 $0x800;
	s14 =	simm.s32 $0x3;
	s15 =	simm.s32 $0x2;
	[tilespmem:$0x1FF80] =	vst v2;
	v2 =	vor.u32 $0xC00, v1  }
0x7: {  	s16 =	simm.s32 $0x8800;
	s17 =	simm.s32 $0x20000;
	s7 =	sshll.u32 s0, $0x1;
	[tilespmem:$0x1FF90] =	vst v2;
	v2 =	vor.u32 $0xA00, v1  }
0x8: {  	s18 =	simm.s32 $0x5;
	s19 =	simm.s32 $0x6;
	s7 =	sor.u32 s5, s7;
	[tilespmem:$0x1FFA0] =	vst v2;
	v2 =	vor.u32 $0x800, v1  }
0x9: {  	s20 =	simm.s32 $0x4;
	s9 =	ssub.s32 $0x2, s5;
	s8 =	smul.u32 $0x3200, s7;
	[tilespmem:$0x1FFB0] =	vst v2;
	v2 =	vor.u32 $0x600, v1  }
0xa: {  	s21 =	simm.s32 $0x0;
	v9 =	vor.u32 $0x10, v0;
	v10 =	vor.u32 $0x20, v0;
	s5 =	smul.u32 $0x64, s7;
	s10 =	sshrl.u32 s9, $0x1;
	[tilespmem:$0x1FFC0] =	vst v2;
	v2 =	vor.u32 $0x400, v1  }
0xb: {  	s6 =	sadd.s32 $0xF42800, s6;
	v11 =	vor.u32 $0x30, v0;
	v12 =	vor.u32 $0x40, v0;
	s10 =	ssub.s32 s9, s10;
	s7 =	sadd.s32 s2, s8;
	v1 =	vor.u32 $0x200, v1;
	[tilespmem:$0x1FFD0] =	vst v2  }
0xc: {  	v13 =	vor.u32 $0x50, v0;
	v14 =	vor.u32 $0x60, v0;
	v15 =	vor.u32 $0x70, v0;
	s9 =	sadd.s32 $0x64, s5;
	s10 =	smax.u32 s10, $0x1;
	s8 =	sadd.s32 $0x80, s7;
	[tilespmem:$0x1FFF0] =	vst v1  }
.LBB2_1:
0xd: {  	[tilespmem:s4], [sflag:$0x1] =	stream.linear.gather [hbm4b:s7+s4], $0x400, $0x38;
	[tilespmem:$0x12800] =	vst v63  }
0xe: {  	_ = 	snop  }
0xf: {  	[tilespmem:s11], [sflag:$0x2] =	stream.linear.gather [hbm4b:s8+s4], $0x400, $0x38;
	[tilespmem:$0x12800] =	vst v63  }
0x10: {  	_ =	swait.ge [sflag:s12], $0x400  }
0x11: {  	[sflag:s12] =	ssyncset.done $0x0  }
0x12: {  	s22 =	simm.s32 $0x0;
	[sflag:s12] =	ssyncadd.s32 $0xFFFFFC00  }
0x13: {  	[tilespmem:s13], [sflag:$0x3] =	stream.indirect.gather [hbm4b:s6+s11], $0x20, s4, s11, $0xb8;
	[tilespmem:$0x12800] =	vst v63  }
.LBB2_2:
0x14: {  	_ =	swait.ge [sflag:s14], $0x8000;
	s23 =	sshll.u32 s22, $0x1  }
0x15: {  	[sflag:s14] =	ssyncset.done $0x0;
	s23 =	sadd.s32 s5, s23  }
0x16: {  	[sflag:s14] =	ssyncadd.s32 $0xFFFF8000;
	s24 =	sadd.s32 $0x2, s23  }
0x17: {  	_ =	swait.ge [sflag:s15], $0x400;
	p0 =	sge.u32 s24, s9  }
0x18: {  	[sflag:s15] =	ssyncset.done $0x0;
	s24 =	sshll.u32 @!p0 s24, $0x7  }
0x19: {  	[sflag:s15] =	ssyncadd.s32 $0xFFFFFC00;
	s24 =	sand.u32 @!p0 $0x1FFFFF00, s24  }
0x1a: {  	[tilespmem:s16], [sflag:$0x4] =	stream.indirect.gather [hbm4b:s6+s11], $0x20, s11, s11, $0xb8;
	[tilespmem:$0x12800] =	vst v63  }
0x1b: {  	s30 =	sshll.u32 s23, $0xC;
	s25 =	simm.s32 @!p0 $0x0;
	s24 =	sadd.s32 @!p0 s2, s24  }
0x1c: {  	[tilespmem:s25], [sflag:$0x1] =	stream.linear.gather @!p0 [hbm4b:s24+s25], $0x400, $0x38;
	[tilespmem:$0x12800] =	vst v63  }
0x1d: {  	s31 =	sshll.u32 s23, $0x7;
	s24 =	sand.u32 $0xFF80000, s30  }
0x1e: {  	s25 =	sand.u32 $0x3F00, s31;
	s24 =	sadd.s32 s3, s24  }
0x1f: {  	s26 =	simm.s32 $0x0;
	s24 =	sadd.s32 s25, s24;
	s25 =	simm.s32 $0x0  }
.LBB2_3:
0x20: {  	v2 =	vld [tilespmem:$0x1FFE0];
	_ =	sdelay $0x1  }
0x21: {  	s28 =	sshll.u32 s26, $0x7  }
0x22: {  	v1 =	vmov s28  }
0x23: {  	v24 =	vshll.u32 v1, $0x5;
	v1 =	vadd.s32 s25, v0  }
0x24: {  	v47 =	vand.u32 $0xF, v1;
	v31 =	vor.u32 v2, v24  }
0x25: {  	s29 =	simm.s32 $0x1;
	p1 =	slt.u32 s26, $0x2;
	s28 =	sand.u32 $0x1, s26;
	v16 =	vor.u32 v31, v47  }
0x26: {  	v17 =	vadd.s32 s29, v0;
	s29 =	sadd.s32 @!p1 $0x5, s28  }
0x27: {  	_ =	swait.ge @!p1 [sflag:s29], $0x1000  }
0x28: {  	v19 =	vshll.u32 v1, $0x7;
	[sflag:s29] =	ssyncset.done @!p1 $0x0  }
0x29: {  	v46 =	vand.u32 $0xF, v17;
	v1 =	vor.u32 $0x10, v1;
	v45 =	vand.u32 $0x780, v19;
	[sflag:s29] =	ssyncadd.s32 @!p1 $0xFFFFF000  }
0x2a: {  	v40 =	vand.u32 $0x1F, v1;
	v20 =	vor.u32 v0, v45;
	v18 =	vor.u32 v31, v46;
	v16 =	vld.idx.msk [tilespmem:v16+s13+$0x0], $0xffff  }
0x2b: {  	v2 =	vld [tilespmem:$0x1FFF0];
	v22 =	vor.u32 v31, v40  }
0x2c: {  	v21 =	vshll.u32 v17, $0x7;
	v17 =	vor.u32 $0x10, v17  }
0x2d: {  	v44 =	vand.u32 $0x780, v21;
	v41 =	vand.u32 $0x1F, v17;
	v1 =	vshll.u32 v1, $0x7;
	s29 =	sshll.u32 s28, $0xC  }
0x2e: {  	v23 =	vor.u32 v0, v44;
	v19 =	vand.u32 $0x380, v19;
	v1 =	vand.u32 $0xC00, v1;
	s29 =	sor.u32 $0x10800, s29  }
0x2f: {  	v25 =	vor.u32 v31, v41;
	v43 =	vor.u32 v19, v1;
	v18 =	vld.idx.msk [tilespmem:v18+s13+$0x0], $0xffff;
	[tilespmem:v20+s29+$0x0] =	vst.idx.msk $0xffff, v16  }
0x30: {  	v1 =	vshll.u32 v17, $0x7;
	v35 =	vor.u32 v2, v24;
	v16 =	vor.u32 v0, v43;
	v17 =	vld.idx.msk [tilespmem:v22+s13+$0x0], $0xffff  }
0x31: {  	v20 =	vor.u32 v35, v47;
	_ =	sdelay $0x1  }
0x32: {  	v19 =	vand.u32 $0x380, v21;
	v1 =	vand.u32 $0xC00, v1  }
0x33: {  	v42 =	vor.u32 v19, v1;
	[tilespmem:v23+s29+$0x0] =	vst.idx.msk $0xffff, v18  }
0x34: {  	v18 =	vor.u32 v0, v42;
	v1 =	vld.idx.msk [tilespmem:v25+s13+$0x0], $0xffff;
	[tilespmem:v16+s29+$0x0] =	vst.idx.msk $0xffff, v17  }
0x35: {  	v19 =	vor.u32 v35, v46;
	v17 =	vor.u32 v9, v45;
	v16 =	vld.idx.msk [tilespmem:v20+s13+$0x0], $0xffff;
	_ =	sdelay $0x3  }
0x36: {  	[tilespmem:v18+s29+$0x0] =	vst.idx.msk $0xffff, v1  }
0x37: {  	v18 =	vld.idx.msk [tilespmem:v19+s13+$0x0], $0xffff;
	[tilespmem:v17+s29+$0x0] =	vst.idx.msk $0xffff, v16  }
0x38: {  	v1 =	vor.u32 v35, v40;
	v19 =	vor.u32 v9, v44;
	v2 =	vld [tilespmem:$0x1FFD0]  }
0x39: {  	v20 =	vor.u32 v35, v41;
	_ =	sdelay $0x3  }
0x3a: {  	v16 =	vor.u32 v9, v43;
	v1 =	vld.idx.msk [tilespmem:v1+s13+$0x0], $0xffff;
	[tilespmem:v19+s29+$0x0] =	vst.idx.msk $0xffff, v18;
	v37 =	vor.u32 v2, v24  }
0x3b: {  	v19 =	vor.u32 v9, v42;
	v18 =	vld.idx.msk [tilespmem:v20+s13+$0x0], $0xffff;
	v17 =	vor.u32 v37, v47;
	_ =	sdelay $0x2  }
0x3c: {  	v20 =	vor.u32 v37, v46  }
0x3d: {  	[tilespmem:v16+s29+$0x0] =	vst.idx.msk $0xffff, v1  }
0x3e: {  	v16 =	vor.u32 v10, v45;
	[tilespmem:v19+s29+$0x0] =	vst.idx.msk $0xffff, v18;
	v1 =	vld.idx.msk [tilespmem:v17+s13+$0x0], $0xffff  }
0x3f: {  	v2 =	vld [tilespmem:$0x1FFC0];
	v17 =	vor.u32 v37, v40  }
0x40: {  	s30 =	simm.s32 $0x2  }
0x41: {  	v22 =	vor.u32 v10, v44;
	v18 =	vadd.s32 s30, v0;
	s30 =	simm.s32 $0x3;
	v20 =	vld.idx.msk [tilespmem:v20+s13+$0x0], $0xffff  }
0x42: {  	v23 =	vor.u32 v37, v41;
	v21 =	vand.u32 $0xF, v18;
	v25 =	vadd.s32 s30, v0  }
0x43: {  	v26 =	vor.u32 v31, v21;
	v19 =	vand.u32 $0xF, v25;
	[tilespmem:v16+s29+$0x0] =	vst.idx.msk $0xffff, v1  }
0x44: {  	v29 =	vor.u32 v10, v43;
	v34 =	vor.u32 v2, v24;
	v1 =	vor.u32 v31, v19;
	v17 =	vld.idx.msk [tilespmem:v17+s13+$0x0], $0xffff  }
0x45: {  	v30 =	vor.u32 v34, v47  }
0x46: {  	v28 =	vshll.u32 v18, $0x7;
	[tilespmem:v22+s29+$0x0] =	vst.idx.msk $0xffff, v20  }
0x47: {  	v33 =	vor.u32 v10, v42;
	v38 =	vshll.u32 v25, $0x7;
	v20 =	vand.u32 $0x780, v28;
	v32 =	vld.idx.msk [tilespmem:v23+s13+$0x0], $0xffff  }
0x48: {  	v27 =	vor.u32 $0x10, v18;
	v18 =	vand.u32 $0x780, v38;
	v26 =	vld.idx.msk [tilespmem:v26+s13+$0x0], $0xffff;
	v36 =	vor.u32 v0, v20  }
0x49: {  	v48 =	vor.u32 v0, v18;
	v1 =	vld.idx.msk [tilespmem:v1+s13+$0x0], $0xffff;
	[tilespmem:v29+s29+$0x0] =	vst.idx.msk $0xffff, v17  }
0x4a: {  	v29 =	vor.u32 v11, v45;
	v30 =	vld.idx.msk [tilespmem:v30+s13+$0x0], $0xffff;
	_ =	sdelay $0x1  }
0x4b: {  	v39 =	vor.u32 v34, v46;
	v16 =	vand.u32 $0x1F, v27;
	[tilespmem:v33+s29+$0x0] =	vst.idx.msk $0xffff, v32  }
0x4c: {  	v25 =	vor.u32 $0x10, v25;
	v22 =	vor.u32 v31, v16;
	[tilespmem:v36+s29+$0x0] =	vst.idx.msk $0xffff, v26  }
0x4d: {  	v27 =	vshll.u32 v27, $0x7;
	v23 =	vand.u32 $0x1F, v25;
	[tilespmem:v48+s29+$0x0] =	vst.idx.msk $0xffff, v1  }
0x4e: {  	v17 =	vand.u32 $0xC00, v27;
	v27 =	vor.u32 v31, v23;
	[tilespmem:v29+s29+$0x0] =	vst.idx.msk $0xffff, v30  }
0x4f: {  	v50 =	vor.u32 v34, v40;
	v28 =	vand.u32 $0x380, v28;
	v2 =	vld [tilespmem:$0x1FFB0]  }
0x50: {  	v51 =	vor.u32 v11, v44;
	v25 =	vshll.u32 v25, $0x7;
	v17 =	vor.u32 v28, v17;
	v26 =	vld.idx.msk [tilespmem:v39+s13+$0x0], $0xffff  }
0x51: {  	v52 =	vand.u32 $0x380, v38;
	v25 =	vand.u32 $0xC00, v25;
	v53 =	vld.idx.msk [tilespmem:v22+s13+$0x0], $0xffff;
	v28 =	vor.u32 v0, v17  }
0x52: {  	v22 =	vor.u32 v52, v25;
	v25 =	vor.u32 v35, v21  }
0x53: {  	v36 =	vor.u32 v0, v22;
	v1 =	vor.u32 v34, v41;
	v27 =	vld.idx.msk [tilespmem:v27+s13+$0x0], $0xffff  }
0x54: {  	v54 =	vor.u32 v11, v43;
	v29 =	vor.u32 v35, v19;
	v30 =	vld.idx.msk [tilespmem:v50+s13+$0x0], $0xffff;
	v38 =	vor.u32 v2, v24  }
0x55: {  	[tilespmem:v51+s29+$0x0] =	vst.idx.msk $0xffff, v26;
	v26 =	vor.u32 v38, v47  }
0x56: {  	[tilespmem:v28+s29+$0x0] =	vst.idx.msk $0xffff, v53  }
0x57: {  	v55 =	vor.u32 v9, v20;
	v25 =	vld.idx.msk [tilespmem:v25+s13+$0x0], $0xffff  }
0x58: {  	v28 =	vor.u32 v11, v42;
	v1 =	vld.idx.msk [tilespmem:v1+s13+$0x0], $0xffff;
	[tilespmem:v36+s29+$0x0] =	vst.idx.msk $0xffff, v27  }
0x59: {  	v57 =	vor.u32 v9, v18;
	v29 =	vld.idx.msk [tilespmem:v29+s13+$0x0], $0xffff;
	[tilespmem:v54+s29+$0x0] =	vst.idx.msk $0xffff, v30  }
0x5a: {  	v58 =	vor.u32 v12, v45;
	v26 =	vld.idx.msk [tilespmem:v26+s13+$0x0], $0xffff;
	_ =	sdelay $0x1  }
0x5b: {  	[tilespmem:v55+s29+$0x0] =	vst.idx.msk $0xffff, v25  }
0x5c: {  	[tilespmem:v28+s29+$0x0] =	vst.idx.msk $0xffff, v1  }
0x5d: {  	v27 =	vor.u32 v38, v46;
	[tilespmem:v57+s29+$0x0] =	vst.idx.msk $0xffff, v29  }
0x5e: {  	v56 =	vor.u32 v35, v16;
	[tilespmem:v58+s29+$0x0] =	vst.idx.msk $0xffff, v26  }
0x5f: {  	v2 =	vld [tilespmem:$0x1FFA0]  }
0x60: {  	v30 =	vor.u32 v35, v23;
	_ =	sdelay $0x1  }
0x61: {  	v1 =	vor.u32 v38, v40;
	v28 =	vor.u32 v12, v44;
	v27 =	vld.idx.msk [tilespmem:v27+s13+$0x0], $0xffff  }
0x62: {  	v33 =	vld.idx.msk [tilespmem:v56+s13+$0x0], $0xffff;
	v29 =	vor.u32 v38, v41  }
0x63: {  	v59 =	vor.u32 v9, v17;
	v36 =	vor.u32 v2, v24;
	v2 =	vld [tilespmem:$0x1FF90]  }
0x64: {  	v60 =	vor.u32 v37, v21;
	v49 =	vor.u32 v9, v22;
	v30 =	vld.idx.msk [tilespmem:v30+s13+$0x0], $0xffff  }
0x65: {  	v26 =	vor.u32 v37, v19  }
0x66: {  	v61 =	vor.u32 v12, v43;
	v1 =	vld.idx.msk [tilespmem:v1+s13+$0x0], $0xffff;
	[tilespmem:v28+s29+$0x0] =	vst.idx.msk $0xffff, v27  }
0x67: {  	v62 =	vor.u32 v12, v42;
	s30 =	simm.s32 $0x4;
	v28 =	vor.u32 v36, v47;
	v29 =	vld.idx.msk [tilespmem:v29+s13+$0x0], $0xffff  }
0x68: {  	v4 =	vadd.s32 s30, v0;
	v63 =	vor.u32 v10, v20;
	v25 =	vor.u32 v2, v24;
	v2 =	vld [tilespmem:$0x1FF80];
	[tilespmem:v59+s29+$0x0] =	vst.idx.msk $0xffff, v33  }
0x69: {  	v5 =	vshll.u32 v4, $0x7;
	v52 =	vor.u32 $0x10, v4;
	[tilespmem:v49+s29+$0x0] =	vst.idx.msk $0xffff, v30;
	v30 =	vor.u32 v36, v46;
	v39 =	vld.idx.msk [tilespmem:v60+s13+$0x0], $0xffff  }
0x6a: {  	v7 =	vor.u32 v10, v17;
	v50 =	vor.u32 v37, v16;
	v51 =	vor.u32 v10, v18;
	v26 =	vld.idx.msk [tilespmem:v26+s13+$0x0], $0xffff  }
0x6b: {  	v32 =	vand.u32 $0x1F, v52;
	v27 =	vand.u32 $0xF, v4;
	[tilespmem:v61+s29+$0x0] =	vst.idx.msk $0xffff, v1;
	v1 =	vor.u32 v37, v23  }
0x6c: {  	s30 =	simm.s32 $0x5;
	v55 =	vor.u32 v13, v45;
	v56 =	vor.u32 v34, v21;
	v54 =	vor.u32 v31, v27;
	v28 =	vld.idx.msk [tilespmem:v28+s13+$0x0], $0xffff  }
0x6d: {  	v57 =	vadd.s32 s30, v0;
	v58 =	vor.u32 v10, v22;
	v33 =	vor.u32 v36, v40;
	[tilespmem:v62+s29+$0x0] =	vst.idx.msk $0xffff, v29  }
0x6e: {  	v4 =	vor.u32 v36, v41;
	v30 =	vld.idx.msk [tilespmem:v30+s13+$0x0], $0xffff;
	[tilespmem:v63+s29+$0x0] =	vst.idx.msk $0xffff, v39;
	v39 =	vor.u32 v13, v44  }
0x6f: {  	v59 =	vand.u32 $0x380, v5;
	v61 =	vshll.u32 v57, $0x7;
	v29 =	vand.u32 $0xF, v57;
	[tilespmem:v51+s29+$0x0] =	vst.idx.msk $0xffff, v26;
	v6 =	vld.idx.msk [tilespmem:v50+s13+$0x0], $0xffff  }
0x70: {  	v53 =	vor.u32 v25, v47;
	v48 =	vor.u32 v31, v29;
	v26 =	vand.u32 $0x780, v5;
	v1 =	vld.idx.msk [tilespmem:v1+s13+$0x0], $0xffff  }
0x71: {  	v54 =	vld.idx.msk [tilespmem:v54+s13+$0x0], $0xffff;
	v60 =	vor.u32 v31, v32;
	[tilespmem:v55+s29+$0x0] =	vst.idx.msk $0xffff, v28;
	v5 =	vor.u32 v0, v26  }
0x72: {  	v57 =	vor.u32 $0x10, v57;
	v63 =	vor.u32 v13, v43;
	v28 =	vshll.u32 v52, $0x7;
	v62 =	vld.idx.msk [tilespmem:v33+s13+$0x0], $0xffff  }
0x73: {  	v55 =	vor.u32 v25, v46;
	v33 =	vand.u32 $0x1F, v57;
	[tilespmem:v39+s29+$0x0] =	vst.idx.msk $0xffff, v30;
	v30 =	vor.u32 v34, v19  }
0x74: {  	v28 =	vand.u32 $0xC00, v28;
	v50 =	vor.u32 v31, v33;
	v39 =	vand.u32 $0x780, v61;
	[tilespmem:v7+s29+$0x0] =	vst.idx.msk $0xffff, v6  }
0x75: {  	v48 =	vld.idx.msk [tilespmem:v48+s13+$0x0], $0xffff;
	v28 =	vor.u32 v59, v28;
	v6 =	vor.u32 v0, v39;
	[tilespmem:v58+s29+$0x0] =	vst.idx.msk $0xffff, v1  }
0x76: {  	v61 =	vand.u32 $0x380, v61;
	v51 =	vld.idx.msk [tilespmem:v4+s13+$0x0], $0xffff;
	v7 =	vor.u32 v13, v42;
	[tilespmem:v5+s29+$0x0] =	vst.idx.msk $0xffff, v54  }
0x77: {  	v1 =	vor.u32 v11, v20;
	[tilespmem:v63+s29+$0x0] =	vst.idx.msk $0xffff, v62;
	v58 =	vor.u32 v34, v16;
	v54 =	vld.idx.msk [tilespmem:v56+s13+$0x0], $0xffff  }
0x78: {  	v4 =	vor.u32 v34, v23;
	v59 =	vld.idx.msk [tilespmem:v30+s13+$0x0], $0xffff;
	v30 =	vshll.u32 v57, $0x7;
	v57 =	vor.u32 v11, v18  }
0x79: {  	v5 =	vor.u32 v35, v27;
	v56 =	vor.u32 v0, v28;
	v60 =	vld.idx.msk [tilespmem:v60+s13+$0x0], $0xffff;
	v30 =	vand.u32 $0xC00, v30  }
0x7a: {  	v53 =	vld.idx.msk [tilespmem:v53+s13+$0x0], $0xffff;
	[tilespmem:v6+s29+$0x0] =	vst.idx.msk $0xffff, v48;
	v6 =	vor.u32 v14, v45;
	v30 =	vor.u32 v61, v30  }
0x7b: {  	[tilespmem:v7+s29+$0x0] =	vst.idx.msk $0xffff, v51;
	v7 =	vor.u32 v25, v40;
	v50 =	vld.idx.msk [tilespmem:v50+s13+$0x0], $0xffff;
	v51 =	vor.u32 v0, v30  }
0x7c: {  	[tilespmem:v1+s29+$0x0] =	vst.idx.msk $0xffff, v54;
	v1 =	vld.idx.msk [tilespmem:v55+s13+$0x0], $0xffff;
	v54 =	vor.u32 v35, v29;
	v55 =	vor.u32 v14, v44  }
0x7d: {  	v58 =	vld.idx.msk [tilespmem:v58+s13+$0x0], $0xffff;
	[tilespmem:v57+s29+$0x0] =	vst.idx.msk $0xffff, v59;
	v57 =	vor.u32 v11, v17;
	v59 =	vor.u32 v25, v41  }
0x7e: {  	[tilespmem:v56+s29+$0x0] =	vst.idx.msk $0xffff, v60;
	v56 =	vor.u32 v38, v21;
	v48 =	vld.idx.msk [tilespmem:v4+s13+$0x0], $0xffff;
	v4 =	vor.u32 v11, v22  }
0x7f: {  	v24 =	vor.u32 v2, v24;
	v49 =	vld.idx.msk [tilespmem:v5+s13+$0x0], $0xffff;
	v5 =	vor.u32 v9, v26;
	[tilespmem:v6+s29+$0x0] =	vst.idx.msk $0xffff, v53  }
0x80: {  	v6 =	vor.u32 v38, v19;
	[tilespmem:v51+s29+$0x0] =	vst.idx.msk $0xffff, v50;
	v50 =	vld.idx.msk [tilespmem:v7+s13+$0x0], $0xffff;
	v7 =	vor.u32 v14, v43  }
0x81: {  	v62 =	vor.u32 v9, v39;
	[tilespmem:v55+s29+$0x0] =	vst.idx.msk $0xffff, v1;
	v51 =	vor.u32 v35, v32;
	v1 =	vld.idx.msk [tilespmem:v54+s13+$0x0], $0xffff  }
0x82: {  	v47 =	vor.u32 v24, v47;
	[tilespmem:v57+s29+$0x0] =	vst.idx.msk $0xffff, v58;
	v55 =	vld.idx.msk [tilespmem:v59+s13+$0x0], $0xffff;
	v58 =	vor.u32 v14, v42  }
0x83: {  	v63 =	vor.u32 v35, v33;
	[tilespmem:v4+s29+$0x0] =	vst.idx.msk $0xffff, v48;
	v48 =	vld.idx.msk [tilespmem:v56+s13+$0x0], $0xffff;
	v4 =	vor.u32 v12, v20  }
0x84: {  	v46 =	vor.u32 v24, v46;
	[tilespmem:v5+s29+$0x0] =	vst.idx.msk $0xffff, v49  }
0x85: {  	v5 =	vor.u32 v38, v16;
	v6 =	vld.idx.msk [tilespmem:v6+s13+$0x0], $0xffff;
	[tilespmem:v7+s29+$0x0] =	vst.idx.msk $0xffff, v50;
	v7 =	vor.u32 v12, v18  }
0x86: {  	v52 =	vor.u32 v9, v28;
	v51 =	vld.idx.msk [tilespmem:v51+s13+$0x0], $0xffff;
	[tilespmem:v62+s29+$0x0] =	vst.idx.msk $0xffff, v1;
	v1 =	vor.u32 v38, v23  }
0x87: {  	v60 =	vor.u32 v15, v45;
	v54 =	vor.u32 v37, v27;
	v47 =	vld.idx.msk [tilespmem:v47+s13+$0x0], $0xffff;
	[tilespmem:v58+s29+$0x0] =	vst.idx.msk $0xffff, v55  }
0x88: {  	v62 =	vor.u32 v9, v30;
	v57 =	vld.idx.msk [tilespmem:v63+s13+$0x0], $0xffff;
	[tilespmem:v4+s29+$0x0] =	vst.idx.msk $0xffff, v48;
	v48 =	vor.u32 v24, v40  }
0x89: {  	v3 =	vor.u32 v12, v17;
	s30 =	simm.s32 $0x6;
	v44 =	vor.u32 v15, v44;
	v56 =	vor.u32 v37, v29;
	v46 =	vld.idx.msk [tilespmem:v46+s13+$0x0], $0xffff  }
0x8a: {  	v45 =	vadd.s32 s30, v0;
	v4 =	vor.u32 v24, v41;
	v2 =	vld.idx.msk [tilespmem:v5+s13+$0x0], $0xffff;
	[tilespmem:v7+s29+$0x0] =	vst.idx.msk $0xffff, v6  }
0x8b: {  	v61 =	vor.u32 v10, v26;
	v5 =	vor.u32 v36, v21;
	[tilespmem:v52+s29+$0x0] =	vst.idx.msk $0xffff, v51;
	v53 =	vld.idx.msk [tilespmem:v1+s13+$0x0], $0xffff  }
0x8c: {  	v49 =	vor.u32 v36, v19;
	v55 =	vor.u32 v12, v22;
	v59 =	vld.idx.msk [tilespmem:v54+s13+$0x0], $0xffff;
	[tilespmem:v60+s29+$0x0] =	vst.idx.msk $0xffff, v47  }
0x8d: {  	v58 =	vor.u32 $0x10, v45;
	v63 =	vor.u32 v10, v39;
	v40 =	vand.u32 $0xF, v45;
	[tilespmem:v62+s29+$0x0] =	vst.idx.msk $0xffff, v57;
	v50 =	vld.idx.msk [tilespmem:v48+s13+$0x0], $0xffff  }
0x8e: {  	v41 =	vor.u32 v25, v21;
	v52 =	vor.u32 v15, v43;
	v60 =	vld.idx.msk [tilespmem:v56+s13+$0x0], $0xffff;
	[tilespmem:v44+s29+$0x0] =	vst.idx.msk $0xffff, v46  }
0x8f: {  	v1 =	vor.u32 v37, v33;
	v62 =	vor.u32 v37, v32;
	[tilespmem:v3+s29+$0x0] =	vst.idx.msk $0xffff, v2;
	v51 =	vld.idx.msk [tilespmem:v4+s13+$0x0], $0xffff  }
0x90: {  	s31 =	simm.s32 $0x7;
	s30 =	simm.s32 $0x8;
	v54 =	vor.u32 v15, v42;
	v57 =	vor.u32 v34, v27;
	v56 =	vor.u32 v35, v40;
	v48 =	vld.idx.msk [tilespmem:v5+s13+$0x0], $0xffff  }
.LBB2_4:
0x91: {  	v2 =	vor.u32 v31, v40;
	v3 =	vadd.s32 s31, v0;
	v4 =	vor.u32 v13, v20  }
0x92: {  	p1 =	slt.u32 s30, $0xE;
	[tilespmem:v55+s29+$0x0] =	vst.idx.msk $0xffff, v53;
	v44 =	vmovc v16;
	v16 =	vmovc v32;
	v43 =	vmov v18;
	v18 =	vmov v39;
	v42 =	vmov v23  }
0x93: {  	v5 =	vshll.u32 v45, $0x7;
	v47 =	vand.u32 $0xF, v3;
	[tilespmem:v61+s29+$0x0] =	vst.idx.msk $0xffff, v59;
	v23 =	vor.u32 v36, v44;
	v46 =	vld.idx.msk [tilespmem:v49+s13+$0x0], $0xffff  }
0x94: {  	v53 =	vor.u32 v13, v43;
	v39 =	vor.u32 v31, v47;
	v49 =	vld.idx.msk [tilespmem:v62+s13+$0x0], $0xffff;
	[tilespmem:v52+s29+$0x0] =	vst.idx.msk $0xffff, v50  }
0x95: {  	v55 =	vor.u32 v36, v42;
	v50 =	vand.u32 $0x380, v5;
	v52 =	vor.u32 v10, v28;
	[tilespmem:v63+s29+$0x0] =	vst.idx.msk $0xffff, v60  }
0x96: {  	v32 =	vand.u32 $0x1F, v58;
	v45 =	vand.u32 $0x780, v5;
	v5 =	vor.u32 v11, v26;
	v1 =	vld.idx.msk [tilespmem:v1+s13+$0x0], $0xffff;
	[tilespmem:v54+s29+$0x0] =	vst.idx.msk $0xffff, v51  }
0x97: {  	v51 =	vor.u32 v31, v32;
	v54 =	vor.u32 v10, v30;
	v2 =	vld.idx.msk [tilespmem:v2+s13+$0x0], $0xffff;
	[tilespmem:v4+s29+$0x0] =	vst.idx.msk $0xffff, v48  }
0x98: {  	v59 =	vor.u32 v34, v29;
	v4 =	vor.u32 v0, v45;
	v48 =	vshll.u32 v3, $0x7;
	v60 =	vld.idx.msk [tilespmem:v23+s13+$0x0], $0xffff;
	v23 =	vmovc v33  }
0x99: {  	v62 =	vor.u32 v13, v17;
	v3 =	vor.u32 $0x10, v3;
	v61 =	vld.idx.msk [tilespmem:v39+s13+$0x0], $0xffff;
	v39 =	vand.u32 $0x780, v48;
	[tilespmem:v53+s29+$0x0] =	vst.idx.msk $0xffff, v46  }
0x9a: {  	v6 =	vshll.u32 v58, $0x7;
	v33 =	vand.u32 $0x1F, v3;
	v53 =	vor.u32 v0, v39;
	[tilespmem:v52+s29+$0x0] =	vst.idx.msk $0xffff, v49;
	v49 =	vld.idx.msk [tilespmem:v55+s13+$0x0], $0xffff  }
0x9b: {  	v58 =	vor.u32 v13, v22;
	v46 =	vmovc v17;
	v52 =	vand.u32 $0xC00, v6;
	v55 =	vor.u32 v31, v33;
	v57 =	vld.idx.msk [tilespmem:v57+s13+$0x0], $0xffff  }
0x9c: {  	v17 =	vmov v28;
	v28 =	vor.u32 v50, v52;
	[tilespmem:v54+s29+$0x0] =	vst.idx.msk $0xffff, v1;
	v1 =	vor.u32 v25, v19  }
0x9d: {  	[tilespmem:v4+s29+$0x0] =	vst.idx.msk $0xffff, v2;
	v2 =	vor.u32 v0, v28;
	v4 =	vor.u32 v34, v16;
	v50 =	vld.idx.msk [tilespmem:v59+s13+$0x0], $0xffff  }
0x9e: {  	v3 =	vshll.u32 v3, $0x7;
	v52 =	vor.u32 v11, v18;
	v54 =	vmov v22;
	v51 =	vld.idx.msk [tilespmem:v51+s13+$0x0], $0xffff;
	[tilespmem:v62+s29+$0x0] =	vst.idx.msk $0xffff, v60  }
0x9f: {  	v3 =	vand.u32 $0xC00, v3;
	v22 =	vand.u32 $0x380, v48;
	v48 =	vor.u32 v34, v23;
	[tilespmem:v53+s29+$0x0] =	vst.idx.msk $0xffff, v61;
	v41 =	vld.idx.msk [tilespmem:v41+s13+$0x0], $0xffff  }
0xa0: {  	v3 =	vor.u32 v22, v3;
	v53 =	vld.idx.msk [tilespmem:v55+s13+$0x0], $0xffff;
	v55 =	vor.u32 v14, v20;
	[tilespmem:v58+s29+$0x0] =	vst.idx.msk $0xffff, v49  }
0xa1: {  	v49 =	vor.u32 v0, v3;
	[tilespmem:v5+s29+$0x0] =	vst.idx.msk $0xffff, v57;
	v5 =	vor.u32 v25, v44;
	v1 =	vld.idx.msk [tilespmem:v1+s13+$0x0], $0xffff  }
0xa2: {  	v22 =	vmovc v30;
	v30 =	vmov v3;
	v58 =	vor.u32 v14, v43;
	v57 =	vor.u32 v35, v47;
	v4 =	vld.idx.msk [tilespmem:v4+s13+$0x0], $0xffff  }
0xa3: {  	v3 =	vor.u32 v11, v17;
	[tilespmem:v52+s29+$0x0] =	vst.idx.msk $0xffff, v50;
	v50 =	vor.u32 v25, v42  }
0xa4: {  	[tilespmem:v2+s29+$0x0] =	vst.idx.msk $0xffff, v51;
	v2 =	vor.u32 v38, v27;
	v48 =	vld.idx.msk [tilespmem:v48+s13+$0x0], $0xffff  }
0xa5: {  	v52 =	vor.u32 v11, v22;
	v51 =	vld.idx.msk [tilespmem:v56+s13+$0x0], $0xffff;
	[tilespmem:v55+s29+$0x0] =	vst.idx.msk $0xffff, v41  }
0xa6: {  	v41 =	vor.u32 v9, v45;
	[tilespmem:v49+s29+$0x0] =	vst.idx.msk $0xffff, v53;
	v49 =	vor.u32 v38, v29;
	v5 =	vld.idx.msk [tilespmem:v5+s13+$0x0], $0xffff  }
0xa7: {  	v56 =	vor.u32 v14, v46;
	v53 =	vor.u32 v35, v32;
	v55 =	vld.idx.msk [tilespmem:v57+s13+$0x0], $0xffff;
	[tilespmem:v58+s29+$0x0] =	vst.idx.msk $0xffff, v1  }
0xa8: {  	v1 =	vor.u32 v9, v39;
	[tilespmem:v3+s29+$0x0] =	vst.idx.msk $0xffff, v4;
	v3 =	vor.u32 v24, v21;
	v4 =	vld.idx.msk [tilespmem:v50+s13+$0x0], $0xffff  }
0xa9: {  	v57 =	vor.u32 v14, v54;
	v50 =	vor.u32 v35, v33;
	v21 =	vmovc v27;
	v27 =	vmov v40;
	v2 =	vld.idx.msk [tilespmem:v2+s13+$0x0], $0xffff  }
0xaa: {  	v40 =	vor.u32 v12, v26;
	[tilespmem:v52+s29+$0x0] =	vst.idx.msk $0xffff, v48;
	v48 =	vor.u32 v24, v19;
	v19 =	vmov v29  }
0xab: {  	v29 =	vmov v47;
	[tilespmem:v41+s29+$0x0] =	vst.idx.msk $0xffff, v51;
	v41 =	vor.u32 v38, v16;
	v49 =	vld.idx.msk [tilespmem:v49+s13+$0x0], $0xffff  }
0xac: {  	v51 =	vor.u32 v12, v18;
	v47 =	vld.idx.msk [tilespmem:v53+s13+$0x0], $0xffff;
	[tilespmem:v56+s29+$0x0] =	vst.idx.msk $0xffff, v5  }
0xad: {  	v5 =	vor.u32 v9, v28;
	[tilespmem:v1+s29+$0x0] =	vst.idx.msk $0xffff, v55;
	v1 =	vor.u32 v38, v23;
	v3 =	vld.idx.msk [tilespmem:v3+s13+$0x0], $0xffff  }
0xae: {  	v52 =	vor.u32 v37, v27;
	v56 =	vor.u32 v15, v20;
	v50 =	vld.idx.msk [tilespmem:v50+s13+$0x0], $0xffff;
	[tilespmem:v57+s29+$0x0] =	vst.idx.msk $0xffff, v4  }
0xaf: {  	v4 =	vor.u32 v9, v30;
	[tilespmem:v40+s29+$0x0] =	vst.idx.msk $0xffff, v2;
	v2 =	vor.u32 v24, v44;
	v44 =	vld.idx.msk [tilespmem:v48+s13+$0x0], $0xffff  }
0xb0: {  	v43 =	vor.u32 v15, v43;
	v20 =	vmovc v26;
	v26 =	vmov v45;
	v48 =	vor.u32 v37, v29;
	v6 =	vld.idx.msk [tilespmem:v41+s13+$0x0], $0xffff  }
0xb1: {  	v7 =	vor.u32 v12, v17;
	v42 =	vor.u32 v24, v42;
	v45 =	vadd.s32 s30, v0;
	[tilespmem:v51+s29+$0x0] =	vst.idx.msk $0xffff, v49  }
0xb2: {  	v58 =	vor.u32 $0x10, v45;
	v40 =	vand.u32 $0xF, v45;
	[tilespmem:v5+s29+$0x0] =	vst.idx.msk $0xffff, v47;
	v5 =	vor.u32 v36, v21;
	v53 =	vld.idx.msk [tilespmem:v1+s13+$0x0], $0xffff  }
.Ltmp0:
0xb3: {  	v55 =	vor.u32 v12, v22;
	v41 =	vor.u32 v25, v21;
	v59 =	vld.idx.msk [tilespmem:v52+s13+$0x0], $0xffff;
	[tilespmem:v56+s29+$0x0] =	vst.idx.msk $0xffff, v3;
	(pc) =	sbr.rel @p1 .LBB2_4-.Ltmp0, $4  }
0xb4: {  	v61 =	vor.u32 v10, v26;
	v49 =	vor.u32 v36, v19;
	[tilespmem:v4+s29+$0x0] =	vst.idx.msk $0xffff, v50;
	v50 =	vld.idx.msk [tilespmem:v2+s13+$0x0], $0xffff  }
0xb5: {  	v62 =	vor.u32 v37, v32;
	v52 =	vor.u32 v15, v46;
	v60 =	vld.idx.msk [tilespmem:v48+s13+$0x0], $0xffff;
	[tilespmem:v43+s29+$0x0] =	vst.idx.msk $0xffff, v44  }
0xb6: {  	v63 =	vor.u32 v10, v39;
	v57 =	vor.u32 v34, v27;
	[tilespmem:v7+s29+$0x0] =	vst.idx.msk $0xffff, v6;
	v51 =	vld.idx.msk [tilespmem:v42+s13+$0x0], $0xffff  }
0xb7: {  	s31 =	sadd.s32 $0x1, s30;
	v54 =	vor.u32 v15, v54;
	s30 =	sadd.s32 $0x2, s30;
	v1 =	vor.u32 v37, v33;
	v56 =	vor.u32 v35, v40;
	v48 =	vld.idx.msk [tilespmem:v5+s13+$0x0], $0xffff  }
0xb8: {  	v2 =	vadd.s32 s31, v0  }
0xb9: {  	v3 =	vor.u32 v31, v40;
	v47 =	vand.u32 $0xF, v2  }
0xba: {  	v4 =	vor.u32 v31, v47;
	_ =	sdelay $0x1  }
0xbb: {  	v5 =	vshll.u32 v45, $0x7  }
0xbc: {  	v42 =	vand.u32 $0x1F, v58;
	v44 =	vand.u32 $0x780, v5;
	v6 =	vshll.u32 v2, $0x7  }
0xbd: {  	v2 =	vor.u32 $0x10, v2;
	v7 =	vor.u32 v0, v44;
	v45 =	vand.u32 $0x780, v6;
	v3 =	vld.idx.msk [tilespmem:v3+s13+$0x0], $0xffff  }
0xbe: {  	v43 =	vor.u32 v31, v42;
	v46 =	vand.u32 $0x1F, v2;
	v8 =	vor.u32 v0, v45;
	v4 =	vld.idx.msk [tilespmem:v4+s13+$0x0], $0xffff  }
0xbf: {  	v31 =	vor.u32 v31, v46  }
0xc0: {  	v58 =	vshll.u32 v58, $0x7  }
0xc1: {  	v5 =	vand.u32 $0x380, v5;
	v58 =	vand.u32 $0xC00, v58;
	v2 =	vshll.u32 v2, $0x7  }
0xc2: {  	v2 =	vand.u32 $0xC00, v2;
	[tilespmem:v7+s29+$0x0] =	vst.idx.msk $0xffff, v3;
	v3 =	vor.u32 v5, v58;
	v5 =	vand.u32 $0x380, v6  }
0xc3: {  	v58 =	vld.idx.msk [tilespmem:v43+s13+$0x0], $0xffff;
	v43 =	vor.u32 v5, v2;
	[tilespmem:v8+s29+$0x0] =	vst.idx.msk $0xffff, v4;
	v4 =	vor.u32 v0, v3  }
0xc4: {  	v5 =	vor.u32 v0, v43;
	v2 =	vld.idx.msk [tilespmem:v31+s13+$0x0], $0xffff  }
0xc5: {  	v31 =	vor.u32 v35, v47;
	_ =	sdelay $0x2  }
0xc6: {  	[tilespmem:v4+s29+$0x0] =	vst.idx.msk $0xffff, v58  }
0xc7: {  	v58 =	vor.u32 v9, v44;
	v4 =	vld.idx.msk [tilespmem:v56+s13+$0x0], $0xffff;
	[tilespmem:v5+s29+$0x0] =	vst.idx.msk $0xffff, v2  }
0xc8: {  	v2 =	vor.u32 v35, v42;
	v5 =	vld.idx.msk [tilespmem:v31+s13+$0x0], $0xffff;
	v31 =	vor.u32 v9, v45  }
0xc9: {  	v8 =	vor.u32 v35, v46;
	_ =	sdelay $0x2  }
0xca: {  	[tilespmem:v58+s29+$0x0] =	vst.idx.msk $0xffff, v4  }
0xcb: {  	v56 =	vor.u32 v9, v3;
	v2 =	vld.idx.msk [tilespmem:v2+s13+$0x0], $0xffff;
	[tilespmem:v31+s29+$0x0] =	vst.idx.msk $0xffff, v5  }
0xcc: {  	v35 =	vor.u32 v9, v43;
	v58 =	vor.u32 v37, v40;
	v31 =	vld.idx.msk [tilespmem:v8+s13+$0x0], $0xffff  }
0xcd: {  	v8 =	vor.u32 v37, v47;
	_ =	sdelay $0x2  }
0xce: {  	[tilespmem:v56+s29+$0x0] =	vst.idx.msk $0xffff, v2  }
0xcf: {  	v4 =	vor.u32 v10, v44;
	v2 =	vld.idx.msk [tilespmem:v58+s13+$0x0], $0xffff;
	[tilespmem:v35+s29+$0x0] =	vst.idx.msk $0xffff, v31  }
0xd0: {  	v56 =	vor.u32 v37, v42;
	v58 =	vor.u32 v10, v45;
	v6 =	vld.idx.msk [tilespmem:v8+s13+$0x0], $0xffff  }
0xd1: {  	[tilespmem:v61+s29+$0x0] =	vst.idx.msk $0xffff, v59;
	v8 =	vor.u32 v37, v46  }
0xd2: {  	[tilespmem:v63+s29+$0x0] =	vst.idx.msk $0xffff, v60;
	v31 =	vld.idx.msk [tilespmem:v62+s13+$0x0], $0xffff;
	v35 =	vor.u32 v10, v28  }
0xd3: {  	v60 =	vor.u32 v10, v30;
	v1 =	vld.idx.msk [tilespmem:v1+s13+$0x0], $0xffff  }
0xd4: {  	[tilespmem:v4+s29+$0x0] =	vst.idx.msk $0xffff, v2;
	v2 =	vor.u32 v34, v29  }
0xd5: {  	v61 =	vor.u32 v10, v3;
	v4 =	vld.idx.msk [tilespmem:v56+s13+$0x0], $0xffff;
	[tilespmem:v58+s29+$0x0] =	vst.idx.msk $0xffff, v6  }
0xd6: {  	v62 =	vor.u32 v34, v40;
	v7 =	vld.idx.msk [tilespmem:v8+s13+$0x0], $0xffff;
	v8 =	vor.u32 v10, v43  }
0xd7: {  	v63 =	vor.u32 v34, v47;
	[tilespmem:v35+s29+$0x0] =	vst.idx.msk $0xffff, v31  }
0xd8: {  	[tilespmem:v60+s29+$0x0] =	vst.idx.msk $0xffff, v1;
	v31 =	vor.u32 v11, v26;
	v35 =	vld.idx.msk [tilespmem:v57+s13+$0x0], $0xffff  }
0xd9: {  	v1 =	vor.u32 v34, v32;
	v37 =	vor.u32 v11, v39;
	v2 =	vld.idx.msk [tilespmem:v2+s13+$0x0], $0xffff  }
0xda: {  	v60 =	vor.u32 v34, v33;
	[tilespmem:v61+s29+$0x0] =	vst.idx.msk $0xffff, v4  }
0xdb: {  	v61 =	vor.u32 v11, v44;
	v6 =	vld.idx.msk [tilespmem:v62+s13+$0x0], $0xffff;
	[tilespmem:v8+s29+$0x0] =	vst.idx.msk $0xffff, v7  }
0xdc: {  	v62 =	vor.u32 v34, v42;
	v8 =	vld.idx.msk [tilespmem:v63+s13+$0x0], $0xffff;
	v63 =	vor.u32 v11, v45  }
0xdd: {  	v59 =	vor.u32 v34, v46;
	[tilespmem:v31+s29+$0x0] =	vst.idx.msk $0xffff, v35  }
0xde: {  	v31 =	vor.u32 v11, v28;
	v1 =	vld.idx.msk [tilespmem:v1+s13+$0x0], $0xffff;
	[tilespmem:v37+s29+$0x0] =	vst.idx.msk $0xffff, v2  }
0xdf: {  	v35 =	vor.u32 v11, v30;
	v2 =	vor.u32 v38, v27;
	v4 =	vld.idx.msk [tilespmem:v60+s13+$0x0], $0xffff  }
0xe0: {  	v60 =	vor.u32 v38, v29;
	[tilespmem:v61+s29+$0x0] =	vst.idx.msk $0xffff, v6  }
0xe1: {  	v61 =	vor.u32 v11, v3;
	v6 =	vld.idx.msk [tilespmem:v62+s13+$0x0], $0xffff;
	[tilespmem:v63+s29+$0x0] =	vst.idx.msk $0xffff, v8  }
0xe2: {  	v8 =	vor.u32 v38, v40;
	v62 =	vor.u32 v11, v43;
	v34 =	vld.idx.msk [tilespmem:v59+s13+$0x0], $0xffff  }
0xe3: {  	[tilespmem:v31+s29+$0x0] =	vst.idx.msk $0xffff, v1;
	v63 =	vor.u32 v38, v47  }
0xe4: {  	v1 =	vld.idx.msk [tilespmem:v2+s13+$0x0], $0xffff;
	v2 =	vor.u32 v12, v26;
	[tilespmem:v35+s29+$0x0] =	vst.idx.msk $0xffff, v4  }
0xe5: {  	v58 =	vor.u32 v38, v32;
	v59 =	vor.u32 v12, v39;
	v5 =	vld.idx.msk [tilespmem:v60+s13+$0x0], $0xffff  }
0xe6: {  	v60 =	vor.u32 v38, v33;
	[tilespmem:v61+s29+$0x0] =	vst.idx.msk $0xffff, v6  }
0xe7: {  	v7 =	vld.idx.msk [tilespmem:v8+s13+$0x0], $0xffff;
	v8 =	vor.u32 v12, v44;
	[tilespmem:v62+s29+$0x0] =	vst.idx.msk $0xffff, v34  }
0xe8: {  	[tilespmem:v55+s29+$0x0] =	vst.idx.msk $0xffff, v53;
	v61 =	vor.u32 v38, v42;
	v62 =	vld.idx.msk [tilespmem:v63+s13+$0x0], $0xffff;
	v63 =	vor.u32 v12, v45  }
0xe9: {  	v55 =	vor.u32 v38, v46;
	[tilespmem:v2+s29+$0x0] =	vst.idx.msk $0xffff, v1  }
0xea: {  	v2 =	vor.u32 v12, v28;
	v1 =	vld.idx.msk [tilespmem:v58+s13+$0x0], $0xffff;
	[tilespmem:v59+s29+$0x0] =	vst.idx.msk $0xffff, v5  }
0xeb: {  	v56 =	vor.u32 v12, v30;
	v4 =	vor.u32 v36, v27;
	v5 =	vld.idx.msk [tilespmem:v60+s13+$0x0], $0xffff  }
0xec: {  	v57 =	vor.u32 v36, v29;
	v60 =	vor.u32 v13, v20;
	[tilespmem:v8+s29+$0x0] =	vst.idx.msk $0xffff, v7  }
0xed: {  	v31 =	vor.u32 v12, v3;
	v8 =	vld.idx.msk [tilespmem:v61+s13+$0x0], $0xffff;
	[tilespmem:v63+s29+$0x0] =	vst.idx.msk $0xffff, v62;
	v62 =	vor.u32 v36, v16  }
0xee: {  	[tilespmem:v52+s29+$0x0] =	vst.idx.msk $0xffff, v50;
	v58 =	vor.u32 v36, v40;
	v59 =	vor.u32 v12, v43;
	v35 =	vld.idx.msk [tilespmem:v55+s13+$0x0], $0xffff  }
0xef: {  	v49 =	vld.idx.msk [tilespmem:v49+s13+$0x0], $0xffff;
	v61 =	vor.u32 v36, v47;
	v63 =	vor.u32 v13, v18;
	[tilespmem:v2+s29+$0x0] =	vst.idx.msk $0xffff, v1  }
0xf0: {  	v1 =	vor.u32 v36, v23;
	v2 =	vld.idx.msk [tilespmem:v4+s13+$0x0], $0xffff;
	[tilespmem:v56+s29+$0x0] =	vst.idx.msk $0xffff, v5  }
0xf1: {  	v55 =	vor.u32 v13, v26;
	[tilespmem:v60+s29+$0x0] =	vst.idx.msk $0xffff, v48;
	v6 =	vld.idx.msk [tilespmem:v57+s13+$0x0], $0xffff  }
0xf2: {  	v56 =	vor.u32 v36, v32;
	v57 =	vor.u32 v13, v39;
	[tilespmem:v31+s29+$0x0] =	vst.idx.msk $0xffff, v8;
	v48 =	vld.idx.msk [tilespmem:v62+s13+$0x0], $0xffff  }
0xf3: {  	v8 =	vor.u32 v36, v33;
	v31 =	vld.idx.msk [tilespmem:v58+s13+$0x0], $0xffff;
	v58 =	vor.u32 v13, v44;
	[tilespmem:v59+s29+$0x0] =	vst.idx.msk $0xffff, v35  }
0xf4: {  	v60 =	vor.u32 v13, v45;
	[tilespmem:v63+s29+$0x0] =	vst.idx.msk $0xffff, v49;
	v59 =	vor.u32 v36, v42;
	v37 =	vld.idx.msk [tilespmem:v61+s13+$0x0], $0xffff  }
0xf5: {  	[tilespmem:v54+s29+$0x0] =	vst.idx.msk $0xffff, v51;
	v62 =	vor.u32 v36, v46;
	v63 =	vor.u32 v13, v22;
	v1 =	vld.idx.msk [tilespmem:v1+s13+$0x0], $0xffff  }
0xf6: {  	v61 =	vor.u32 v13, v17;
	[tilespmem:v55+s29+$0x0] =	vst.idx.msk $0xffff, v2;
	v2 =	vor.u32 v25, v19  }
0xf7: {  	v52 =	vor.u32 v13, v28;
	v4 =	vld.idx.msk [tilespmem:v56+s13+$0x0], $0xffff;
	[tilespmem:v57+s29+$0x0] =	vst.idx.msk $0xffff, v6  }
0xf8: {  	v53 =	vor.u32 v25, v27;
	v7 =	vld.idx.msk [tilespmem:v8+s13+$0x0], $0xffff;
	v8 =	vor.u32 v13, v30;
	[tilespmem:v58+s29+$0x0] =	vst.idx.msk $0xffff, v31  }
0xf9: {  	v54 =	vor.u32 v25, v29;
	v55 =	vor.u32 v13, v3;
	v34 =	vld.idx.msk [tilespmem:v59+s13+$0x0], $0xffff;
	[tilespmem:v60+s29+$0x0] =	vst.idx.msk $0xffff, v37  }
0xfa: {  	v56 =	vor.u32 v25, v40;
	v57 =	vor.u32 v13, v43;
	[tilespmem:v63+s29+$0x0] =	vst.idx.msk $0xffff, v1;
	v36 =	vld.idx.msk [tilespmem:v62+s13+$0x0], $0xffff  }
0xfb: {  	v1 =	vor.u32 v25, v47;
	[tilespmem:v61+s29+$0x0] =	vst.idx.msk $0xffff, v48;
	v2 =	vld.idx.msk [tilespmem:v2+s13+$0x0], $0xffff;
	v60 =	vor.u32 v14, v18  }
0xfc: {  	v58 =	vor.u32 v14, v20;
	v61 =	vor.u32 v25, v23;
	v41 =	vld.idx.msk [tilespmem:v41+s13+$0x0], $0xffff;
	[tilespmem:v52+s29+$0x0] =	vst.idx.msk $0xffff, v4  }
0xfd: {  	v59 =	vor.u32 v25, v16;
	v62 =	vor.u32 v14, v26;
	v5 =	vld.idx.msk [tilespmem:v53+s13+$0x0], $0xffff;
	[tilespmem:v8+s29+$0x0] =	vst.idx.msk $0xffff, v7  }
0xfe: {  	v63 =	vor.u32 v25, v32;
	v52 =	vor.u32 v14, v39;
	v8 =	vld.idx.msk [tilespmem:v54+s13+$0x0], $0xffff;
	[tilespmem:v55+s29+$0x0] =	vst.idx.msk $0xffff, v34  }
0xff: {  	v53 =	vor.u32 v25, v33;
	v54 =	vor.u32 v14, v44;
	v35 =	vld.idx.msk [tilespmem:v56+s13+$0x0], $0xffff;
	[tilespmem:v57+s29+$0x0] =	vst.idx.msk $0xffff, v36  }
0x100: {  	v55 =	vor.u32 v25, v42;
	[tilespmem:v60+s29+$0x0] =	vst.idx.msk $0xffff, v2;
	v56 =	vor.u32 v14, v45;
	v1 =	vld.idx.msk [tilespmem:v1+s13+$0x0], $0xffff  }
0x101: {  	v2 =	vor.u32 v25, v46;
	[tilespmem:v58+s29+$0x0] =	vst.idx.msk $0xffff, v41;
	v4 =	vld.idx.msk [tilespmem:v61+s13+$0x0], $0xffff;
	v58 =	vor.u32 v14, v22  }
0x102: {  	v57 =	vor.u32 v14, v17;
	v41 =	vld.idx.msk [tilespmem:v59+s13+$0x0], $0xffff;
	[tilespmem:v62+s29+$0x0] =	vst.idx.msk $0xffff, v5;
	v59 =	vor.u32 v24, v19  }
0x103: {  	v21 =	vor.u32 v24, v21;
	v60 =	vor.u32 v14, v28;
	v6 =	vld.idx.msk [tilespmem:v63+s13+$0x0], $0xffff;
	[tilespmem:v52+s29+$0x0] =	vst.idx.msk $0xffff, v8  }
0x104: {  	v62 =	vor.u32 v14, v30;
	v8 =	vor.u32 v24, v27;
	v61 =	vld.idx.msk [tilespmem:v53+s13+$0x0], $0xffff;
	[tilespmem:v54+s29+$0x0] =	vst.idx.msk $0xffff, v35  }
0x105: {  	v37 =	vor.u32 v14, v3;
	v63 =	vor.u32 v24, v29;
	v36 =	vld.idx.msk [tilespmem:v55+s13+$0x0], $0xffff;
	[tilespmem:v56+s29+$0x0] =	vst.idx.msk $0xffff, v1  }
0x106: {  	v48 =	vor.u32 v14, v43;
	[tilespmem:v58+s29+$0x0] =	vst.idx.msk $0xffff, v4;
	v1 =	vor.u32 v24, v40;
	v2 =	vld.idx.msk [tilespmem:v2+s13+$0x0], $0xffff  }
0x107: {  	v50 =	vor.u32 v24, v47;
	v51 =	vor.u32 v15, v18;
	[tilespmem:v57+s29+$0x0] =	vst.idx.msk $0xffff, v41;
	v5 =	vld.idx.msk [tilespmem:v59+s13+$0x0], $0xffff  }
0x108: {  	v49 =	vor.u32 v15, v20;
	v52 =	vor.u32 v24, v23;
	v21 =	vld.idx.msk [tilespmem:v21+s13+$0x0], $0xffff;
	[tilespmem:v60+s29+$0x0] =	vst.idx.msk $0xffff, v6  }
0x109: {  	v16 =	vor.u32 v24, v16;
	v7 =	vld.idx.msk [tilespmem:v8+s13+$0x0], $0xffff;
	v8 =	vor.u32 v15, v26;
	[tilespmem:v62+s29+$0x0] =	vst.idx.msk $0xffff, v61  }
0x10a: {  	v53 =	vor.u32 v24, v32;
	v55 =	vor.u32 v15, v39;
	v54 =	vld.idx.msk [tilespmem:v63+s13+$0x0], $0xffff;
	[tilespmem:v37+s29+$0x0] =	vst.idx.msk $0xffff, v36  }
0x10b: {  	v56 =	vor.u32 v24, v33;
	v57 =	vor.u32 v15, v44;
	v1 =	vld.idx.msk [tilespmem:v1+s13+$0x0], $0xffff;
	[tilespmem:v48+s29+$0x0] =	vst.idx.msk $0xffff, v2  }
0x10c: {  	v58 =	vor.u32 v15, v45;
	[tilespmem:v51+s29+$0x0] =	vst.idx.msk $0xffff, v5;
	v2 =	vor.u32 v24, v42;
	v4 =	vld.idx.msk [tilespmem:v50+s13+$0x0], $0xffff  }
0x10d: {  	v59 =	vor.u32 v24, v46;
	v60 =	vor.u32 v15, v22;
	[tilespmem:v49+s29+$0x0] =	vst.idx.msk $0xffff, v21;
	v6 =	vld.idx.msk [tilespmem:v52+s13+$0x0], $0xffff  }
0x10e: {  	v17 =	vor.u32 v15, v17;
	v16 =	vld.idx.msk [tilespmem:v16+s13+$0x0], $0xffff;
	[tilespmem:v8+s29+$0x0] =	vst.idx.msk $0xffff, v7  }
0x10f: {  	v8 =	vor.u32 v15, v28;
	v7 =	vld.idx.msk [tilespmem:v53+s13+$0x0], $0xffff;
	[tilespmem:v55+s29+$0x0] =	vst.idx.msk $0xffff, v54  }
0x110: {  	v62 =	vor.u32 v15, v30;
	v61 =	vld.idx.msk [tilespmem:v56+s13+$0x0], $0xffff;
	[tilespmem:v57+s29+$0x0] =	vst.idx.msk $0xffff, v1  }
0x111: {  	v1 =	vld.idx.msk [tilespmem:v2+s13+$0x0], $0xffff;
	v2 =	vor.u32 v15, v3;
	[tilespmem:v58+s29+$0x0] =	vst.idx.msk $0xffff, v4  }
0x112: {  	s30 =	sshll.u32 s26, $0x10;
	s26 =	sadd.s32 $0x1, s26;
	v63 =	vor.u32 v15, v43;
	[tilespmem:v60+s29+$0x0] =	vst.idx.msk $0xffff, v6;
	v3 =	vld.idx.msk [tilespmem:v59+s13+$0x0], $0xffff  }
0x113: {  	p1 =	sne.s32 s26, $0x8;
	[tilespmem:v17+s29+$0x0] =	vst.idx.msk $0xffff, v16  }
.Ltmp1:
0x114: {  	[tilespmem:v8+s29+$0x0] =	vst.idx.msk $0xffff, v7;
	(pc) =	sbr.rel @p1 .LBB2_3-.Ltmp1, $4  }
0x115: {  	[tilespmem:v62+s29+$0x0] =	vst.idx.msk $0xffff, v61  }
0x116: {  	[tilespmem:v2+s29+$0x0] =	vst.idx.msk $0xffff, v1  }
0x117: {  	s28 =	sadd.s32 $0x5, s28;
	s30 =	sadd.s32 s30, s24;
	[tilespmem:v63+s29+$0x0] =	vst.idx.msk $0xffff, v3  }
0x118: {  	[hbm4b:s30+s11] =	stream.strided.scatter [tilespmem:s29], [sflag:s28], $0x1000, s17, s11, $0x38;
	[tilespmem:$0x12800] =	vst v63  }
0x119: {  	_ =	swait.ge [sflag:s18], $0x1000  }
0x11a: {  	[sflag:s18] =	ssyncset.done $0x0  }
0x11b: {  	[sflag:s18] =	ssyncadd.s32 $0xFFFFF000  }
0x11c: {  	_ =	swait.ge [sflag:s19], $0x1000  }
0x11d: {  	[sflag:s19] =	ssyncset.done $0x0  }
0x11e: {  	[sflag:s19] =	ssyncadd.s32 $0xFFFFF000  }
0x11f: {  	_ =	swait.ge [sflag:s20], $0x8000  }
0x120: {  	[sflag:s20] =	ssyncset.done $0x0  }
0x121: {  	s25 =	simm.s32 @!p0 $0x1;
	[sflag:s20] =	ssyncadd.s32 $0xFFFF8000  }
0x122: {  	_ =	swait.ge @!p0 [sflag:s25], $0x400  }
0x123: {  	s26 =	simm.s32 @!p0 $0x0;
	s28 =	simm.s32 @!p0 $0x800;
	[sflag:s25] =	ssyncset.done @!p0 $0x0  }
0x124: {  	s23 =	sadd.s32 $0x3, s23;
	[sflag:s25] =	ssyncadd.s32 @!p0 $0xFFFFFC00;
	s25 =	simm.s32 @!p0 $0x400  }
0x125: {  	[tilespmem:s28], [sflag:$0x3] =	stream.indirect.gather @!p0 [hbm4b:s6+s25], $0x20, s26, s25, $0xb8;
	[tilespmem:$0x12800] =	vst v63  }
0x126: {  	p0 =	sge.u32 s23, s9  }
0x127: {  	s23 =	sshll.u32 @!p0 s23, $0x7  }
0x128: {  	s23 =	sand.u32 @!p0 $0x1FFFFF80, s23  }
0x129: {  	s25 =	simm.s32 @!p0 $0x0;
	s26 =	simm.s32 @!p0 $0x400;
	s23 =	sadd.s32 @!p0 s2, s23  }
0x12a: {  	[tilespmem:s26], [sflag:$0x2] =	stream.linear.gather @!p0 [hbm4b:s23+s25], $0x400, $0x38;
	[tilespmem:$0x12800] =	vst v63  }
0x12b: {  	s23 =	sadd.s32 $0x80, s24;
	s24 =	simm.s32 $0x0;
	s25 =	simm.s32 $0x0  }
.LBB2_7:
0x12c: {  	v2 =	vld [tilespmem:$0x1FFE0];
	_ =	sdelay $0x1  }
0x12d: {  	s26 =	sshll.u32 s25, $0x7  }
0x12e: {  	v1 =	vmov s26  }
0x12f: {  	v24 =	vshll.u32 v1, $0x5;
	v1 =	vadd.s32 s24, v0  }
0x130: {  	v47 =	vand.u32 $0xF, v1;
	v31 =	vor.u32 v2, v24  }
0x131: {  	s28 =	simm.s32 $0x1;
	p0 =	slt.u32 s25, $0x2;
	s26 =	sand.u32 $0x1, s25;
	v2 =	vor.u32 v31, v47  }
0x132: {  	v3 =	vadd.s32 s28, v0;
	s28 =	sadd.s32 @!p0 $0x5, s26  }
0x133: {  	_ =	swait.ge @!p0 [sflag:s28], $0x1000  }
0x134: {  	v5 =	vshll.u32 v1, $0x7;
	[sflag:s28] =	ssyncset.done @!p0 $0x0  }
0x135: {  	v46 =	vand.u32 $0xF, v3;
	v1 =	vor.u32 $0x10, v1;
	v45 =	vand.u32 $0x780, v5;
	[sflag:s28] =	ssyncadd.s32 @!p0 $0xFFFFF000  }
0x136: {  	v40 =	vand.u32 $0x1F, v1;
	v6 =	vor.u32 v0, v45;
	v4 =	vor.u32 v31, v46;
	v2 =	vld.idx.msk [tilespmem:v2+s16+$0x0], $0xffff  }
0x137: {  	v18 =	vld [tilespmem:$0x1FFF0];
	v8 =	vor.u32 v31, v40  }
0x138: {  	v7 =	vshll.u32 v3, $0x7;
	v3 =	vor.u32 $0x10, v3  }
0x139: {  	v44 =	vand.u32 $0x780, v7;
	v41 =	vand.u32 $0x1F, v3;
	v1 =	vshll.u32 v1, $0x7;
	s28 =	sshll.u32 s26, $0xC  }
0x13a: {  	v16 =	vor.u32 v0, v44;
	v5 =	vand.u32 $0x380, v5;
	v1 =	vand.u32 $0xC00, v1;
	s28 =	sor.u32 $0x10800, s28  }
0x13b: {  	v17 =	vor.u32 v31, v41;
	v43 =	vor.u32 v5, v1;
	v4 =	vld.idx.msk [tilespmem:v4+s16+$0x0], $0xffff;
	[tilespmem:v6+s28+$0x0] =	vst.idx.msk $0xffff, v2  }
0x13c: {  	v1 =	vshll.u32 v3, $0x7;
	v35 =	vor.u32 v18, v24;
	v2 =	vor.u32 v0, v43;
	v3 =	vld.idx.msk [tilespmem:v8+s16+$0x0], $0xffff  }
0x13d: {  	v61 =	vor.u32 v35, v47;
	_ =	sdelay $0x1  }
0x13e: {  	v60 =	vand.u32 $0x380, v7;
	v1 =	vand.u32 $0xC00, v1  }
0x13f: {  	v42 =	vor.u32 v60, v1;
	[tilespmem:v16+s28+$0x0] =	vst.idx.msk $0xffff, v4  }
0x140: {  	v62 =	vor.u32 v0, v42;
	v1 =	vld.idx.msk [tilespmem:v17+s16+$0x0], $0xffff;
	[tilespmem:v2+s28+$0x0] =	vst.idx.msk $0xffff, v3  }
0x141: {  	v63 =	vor.u32 v35, v46;
	v3 =	vor.u32 v9, v45;
	v2 =	vld.idx.msk [tilespmem:v61+s16+$0x0], $0xffff;
	_ =	sdelay $0x3  }
0x142: {  	[tilespmem:v62+s28+$0x0] =	vst.idx.msk $0xffff, v1  }
0x143: {  	v4 =	vld.idx.msk [tilespmem:v63+s16+$0x0], $0xffff;
	[tilespmem:v3+s28+$0x0] =	vst.idx.msk $0xffff, v2  }
0x144: {  	v32 =	vor.u32 v9, v44;
	v1 =	vor.u32 v35, v40;
	v2 =	vld [tilespmem:$0x1FFD0]  }
0x145: {  	v33 =	vor.u32 v35, v41;
	_ =	sdelay $0x3  }
0x146: {  	v1 =	vld.idx.msk [tilespmem:v1+s16+$0x0], $0xffff;
	[tilespmem:v32+s28+$0x0] =	vst.idx.msk $0xffff, v4;
	v37 =	vor.u32 v2, v24;
	v2 =	vor.u32 v9, v43  }
0x147: {  	v34 =	vor.u32 v9, v42;
	v4 =	vld.idx.msk [tilespmem:v33+s16+$0x0], $0xffff;
	v3 =	vor.u32 v37, v47;
	_ =	sdelay $0x2  }
0x148: {  	v36 =	vor.u32 v37, v46  }
0x149: {  	[tilespmem:v2+s28+$0x0] =	vst.idx.msk $0xffff, v1  }
0x14a: {  	[tilespmem:v34+s28+$0x0] =	vst.idx.msk $0xffff, v4;
	v2 =	vor.u32 v10, v45;
	v1 =	vld.idx.msk [tilespmem:v3+s16+$0x0], $0xffff  }
0x14b: {  	v3 =	vor.u32 v37, v40;
	v16 =	vld [tilespmem:$0x1FFC0]  }
0x14c: {  	s29 =	simm.s32 $0x2  }
0x14d: {  	v38 =	vadd.s32 s29, v0;
	s29 =	simm.s32 $0x3;
	v39 =	vor.u32 v10, v44;
	v5 =	vld.idx.msk [tilespmem:v36+s16+$0x0], $0xffff  }
0x14e: {  	v21 =	vand.u32 $0xF, v38;
	v8 =	vadd.s32 s29, v0;
	v48 =	vor.u32 v37, v41  }
0x14f: {  	v17 =	vor.u32 v31, v21;
	v19 =	vand.u32 $0xF, v8;
	[tilespmem:v2+s28+$0x0] =	vst.idx.msk $0xffff, v1  }
0x150: {  	v49 =	vor.u32 v10, v43;
	v34 =	vor.u32 v16, v24;
	v1 =	vor.u32 v31, v19;
	v3 =	vld.idx.msk [tilespmem:v3+s16+$0x0], $0xffff  }
0x151: {  	v25 =	vor.u32 v34, v47  }
0x152: {  	v2 =	vshll.u32 v38, $0x7;
	[tilespmem:v39+s28+$0x0] =	vst.idx.msk $0xffff, v5  }
0x153: {  	v51 =	vor.u32 v10, v42;
	v27 =	vshll.u32 v8, $0x7;
	v20 =	vand.u32 $0x780, v2;
	v6 =	vld.idx.msk [tilespmem:v48+s16+$0x0], $0xffff  }
0x154: {  	v22 =	vor.u32 $0x10, v38;
	v18 =	vand.u32 $0x780, v27;
	v28 =	vld.idx.msk [tilespmem:v17+s16+$0x0], $0xffff;
	v26 =	vor.u32 v0, v20  }
0x155: {  	v17 =	vshll.u32 v22, $0x7;
	v16 =	vand.u32 $0x1F, v22;
	v22 =	vor.u32 v0, v18;
	v1 =	vld.idx.msk [tilespmem:v1+s16+$0x0], $0xffff;
	[tilespmem:v49+s28+$0x0] =	vst.idx.msk $0xffff, v3  }
0x156: {  	v30 =	vor.u32 v11, v45;
	v25 =	vld.idx.msk [tilespmem:v25+s16+$0x0], $0xffff;
	_ =	sdelay $0x1  }
0x157: {  	[tilespmem:v51+s28+$0x0] =	vst.idx.msk $0xffff, v6  }
0x158: {  	v8 =	vor.u32 $0x10, v8;
	v50 =	vor.u32 v31, v16;
	[tilespmem:v26+s28+$0x0] =	vst.idx.msk $0xffff, v28  }
0x159: {  	v23 =	vand.u32 $0x1F, v8;
	v29 =	vor.u32 v34, v46;
	[tilespmem:v22+s28+$0x0] =	vst.idx.msk $0xffff, v1  }
0x15a: {  	v52 =	vor.u32 v31, v23;
	v2 =	vand.u32 $0x380, v2;
	v3 =	vand.u32 $0xC00, v17;
	[tilespmem:v30+s28+$0x0] =	vst.idx.msk $0xffff, v25  }
0x15b: {  	v17 =	vor.u32 v2, v3;
	v3 =	vor.u32 v34, v40;
	v26 =	vand.u32 $0x380, v27;
	v27 =	vld [tilespmem:$0x1FFB0]  }
0x15c: {  	v53 =	vshll.u32 v8, $0x7  }
0x15d: {  	v6 =	vand.u32 $0xC00, v53;
	v2 =	vor.u32 v0, v17;
	v5 =	vld.idx.msk [tilespmem:v50+s16+$0x0], $0xffff  }
0x15e: {  	v54 =	vor.u32 v35, v21;
	v8 =	vor.u32 v11, v44;
	v7 =	vld.idx.msk [tilespmem:v29+s16+$0x0], $0xffff;
	v22 =	vor.u32 v26, v6  }
0x15f: {  	v1 =	vor.u32 v34, v41;
	v4 =	vld.idx.msk [tilespmem:v52+s16+$0x0], $0xffff;
	v26 =	vor.u32 v0, v22  }
0x160: {  	v25 =	vor.u32 v35, v19;
	v3 =	vld.idx.msk [tilespmem:v3+s16+$0x0], $0xffff;
	v38 =	vor.u32 v27, v24;
	v27 =	vor.u32 v11, v43  }
0x161: {  	v55 =	vor.u32 v38, v47  }
0x162: {  	[tilespmem:v2+s28+$0x0] =	vst.idx.msk $0xffff, v5  }
0x163: {  	v56 =	vor.u32 v9, v20;
	[tilespmem:v8+s28+$0x0] =	vst.idx.msk $0xffff, v7;
	v5 =	vld.idx.msk [tilespmem:v54+s16+$0x0], $0xffff  }
0x164: {  	v2 =	vor.u32 v11, v42;
	v1 =	vld.idx.msk [tilespmem:v1+s16+$0x0], $0xffff;
	[tilespmem:v26+s28+$0x0] =	vst.idx.msk $0xffff, v4  }
0x165: {  	v26 =	vor.u32 v9, v18;
	v25 =	vld.idx.msk [tilespmem:v25+s16+$0x0], $0xffff;
	[tilespmem:v27+s28+$0x0] =	vst.idx.msk $0xffff, v3  }
0x166: {  	v57 =	vor.u32 v38, v46;
	v27 =	vor.u32 v12, v45;
	v7 =	vld.idx.msk [tilespmem:v55+s16+$0x0], $0xffff;
	_ =	sdelay $0x1  }
0x167: {  	[tilespmem:v56+s28+$0x0] =	vst.idx.msk $0xffff, v5  }
0x168: {  	v8 =	vor.u32 v35, v16;
	[tilespmem:v2+s28+$0x0] =	vst.idx.msk $0xffff, v1  }
0x169: {  	[tilespmem:v26+s28+$0x0] =	vst.idx.msk $0xffff, v25;
	v3 =	vor.u32 v35, v23  }
0x16a: {  	v1 =	vor.u32 v38, v40;
	v2 =	vld.idx.msk [tilespmem:v57+s16+$0x0], $0xffff;
	[tilespmem:v27+s28+$0x0] =	vst.idx.msk $0xffff, v7  }
0x16b: {  	v58 =	vor.u32 v12, v44;
	v25 =	vld [tilespmem:$0x1FFA0];
	_ =	sdelay $0x1  }
0x16c: {  	v59 =	vor.u32 v9, v17;
	v5 =	vld.idx.msk [tilespmem:v8+s16+$0x0], $0xffff;
	v8 =	vor.u32 v38, v41  }
0x16d: {  	v28 =	vor.u32 v9, v22;
	v3 =	vld.idx.msk [tilespmem:v3+s16+$0x0], $0xffff  }
0x16e: {  	v62 =	vor.u32 v12, v42;
	v60 =	vor.u32 v37, v19;
	v26 =	vor.u32 v37, v21;
	v1 =	vld.idx.msk [tilespmem:v1+s16+$0x0], $0xffff  }
0x16f: {  	v29 =	vor.u32 v12, v43;
	v36 =	vor.u32 v25, v24;
	v25 =	vld [tilespmem:$0x1FF90];
	[tilespmem:v58+s28+$0x0] =	vst.idx.msk $0xffff, v2  }
0x170: {  	v49 =	vor.u32 v13, v45;
	v50 =	vor.u32 v34, v21;
	v52 =	vor.u32 v10, v17;
	v4 =	vld [tilespmem:$0x1FF80]  }
0x171: {  	v30 =	vor.u32 v10, v18;
	v2 =	vor.u32 v36, v47;
	[tilespmem:v59+s28+$0x0] =	vst.idx.msk $0xffff, v5;
	v61 =	vld.idx.msk [tilespmem:v8+s16+$0x0], $0xffff  }
0x172: {  	v57 =	vor.u32 v13, v44;
	[tilespmem:v28+s28+$0x0] =	vst.idx.msk $0xffff, v3;
	v3 =	vor.u32 v36, v46  }
0x173: {  	s29 =	simm.s32 $0x4;
	v55 =	vor.u32 v13, v43;
	v8 =	vor.u32 v10, v20;
	v28 =	vor.u32 v37, v16;
	v6 =	vld.idx.msk [tilespmem:v26+s16+$0x0], $0xffff  }
0x174: {  	[tilespmem:v29+s28+$0x0] =	vst.idx.msk $0xffff, v1;
	v1 =	vor.u32 v37, v23;
	v26 =	vadd.s32 s29, v0;
	v7 =	vld.idx.msk [tilespmem:v60+s16+$0x0], $0xffff  }
0x175: {  	v63 =	vor.u32 v36, v40;
	v58 =	vor.u32 v36, v41;
	s29 =	simm.s32 $0x5;
	v27 =	vand.u32 $0xF, v26  }
0x176: {  	v51 =	vadd.s32 s29, v0;
	v39 =	vor.u32 v31, v27;
	v2 =	vld.idx.msk [tilespmem:v2+s16+$0x0], $0xffff;
	[tilespmem:v62+s28+$0x0] =	vst.idx.msk $0xffff, v61  }
0x177: {  	v33 =	vor.u32 $0x10, v26;
	v56 =	vshll.u32 v26, $0x7;
	v29 =	vand.u32 $0xF, v51;
	v3 =	vld.idx.msk [tilespmem:v3+s16+$0x0], $0xffff  }
0x178: {  	v26 =	vand.u32 $0x780, v56;
	v32 =	vand.u32 $0x1F, v33;
	[tilespmem:v8+s28+$0x0] =	vst.idx.msk $0xffff, v6;
	v8 =	vor.u32 v31, v29  }
0x179: {  	v54 =	vshll.u32 v51, $0x7;
	v59 =	vor.u32 $0x10, v51;
	v60 =	vshll.u32 v33, $0x7;
	[tilespmem:v30+s28+$0x0] =	vst.idx.msk $0xffff, v7;
	v28 =	vld.idx.msk [tilespmem:v28+s16+$0x0], $0xffff  }
0x17a: {  	v25 =	vor.u32 v25, v24;
	v24 =	vor.u32 v4, v24;
	v30 =	vor.u32 v10, v22;
	v1 =	vld.idx.msk [tilespmem:v1+s16+$0x0], $0xffff  }
0x17b: {  	v48 =	vor.u32 v25, v47;
	v53 =	vld.idx.msk [tilespmem:v39+s16+$0x0], $0xffff;
	[tilespmem:v49+s28+$0x0] =	vst.idx.msk $0xffff, v2;
	v2 =	vor.u32 v0, v26  }
0x17c: {  	v33 =	vand.u32 $0x1F, v59;
	v39 =	vand.u32 $0x780, v54;
	v4 =	vld.idx.msk [tilespmem:v63+s16+$0x0], $0xffff;
	[tilespmem:v57+s28+$0x0] =	vst.idx.msk $0xffff, v3;
	v3 =	vor.u32 v34, v19  }
0x17d: {  	v62 =	vor.u32 v31, v33;
	v61 =	vor.u32 v0, v39;
	v49 =	vor.u32 v31, v32;
	v8 =	vld.idx.msk [tilespmem:v8+s16+$0x0], $0xffff  }
0x17e: {  	v6 =	vshll.u32 v59, $0x7;
	v59 =	vor.u32 v11, v18;
	v63 =	vor.u32 v13, v42;
	[tilespmem:v52+s28+$0x0] =	vst.idx.msk $0xffff, v28  }
0x17f: {  	v57 =	vor.u32 v25, v46;
	[tilespmem:v30+s28+$0x0] =	vst.idx.msk $0xffff, v1;
	v1 =	vor.u32 v11, v20;
	v7 =	vld.idx.msk [tilespmem:v58+s16+$0x0], $0xffff  }
0x180: {  	v5 =	vand.u32 $0x380, v56;
	v28 =	vand.u32 $0xC00, v60;
	v58 =	vor.u32 v34, v16;
	[tilespmem:v2+s28+$0x0] =	vst.idx.msk $0xffff, v53;
	v2 =	vld.idx.msk [tilespmem:v50+s16+$0x0], $0xffff  }
0x181: {  	v6 =	vand.u32 $0xC00, v6;
	v30 =	vand.u32 $0x380, v54;
	v28 =	vor.u32 v5, v28;
	[tilespmem:v55+s28+$0x0] =	vst.idx.msk $0xffff, v4;
	v3 =	vld.idx.msk [tilespmem:v3+s16+$0x0], $0xffff  }
0x182: {  	v53 =	vor.u32 v0, v28;
	v49 =	vld.idx.msk [tilespmem:v49+s16+$0x0], $0xffff;
	[tilespmem:v61+s28+$0x0] =	vst.idx.msk $0xffff, v8;
	v8 =	vor.u32 v34, v23  }
0x183: {  	v60 =	vor.u32 v35, v27;
	v30 =	vor.u32 v30, v6;
	v61 =	vor.u32 v14, v45;
	v48 =	vld.idx.msk [tilespmem:v48+s16+$0x0], $0xffff  }
0x184: {  	v51 =	vld.idx.msk [tilespmem:v62+s16+$0x0], $0xffff;
	[tilespmem:v63+s28+$0x0] =	vst.idx.msk $0xffff, v7;
	v62 =	vor.u32 v0, v30;
	v63 =	vor.u32 v25, v40  }
0x185: {  	v50 =	vor.u32 v14, v44;
	[tilespmem:v1+s28+$0x0] =	vst.idx.msk $0xffff, v2;
	v1 =	vld.idx.msk [tilespmem:v57+s16+$0x0], $0xffff;
	v2 =	vor.u32 v35, v29  }
0x186: {  	v57 =	vor.u32 v25, v41;
	v4 =	vld.idx.msk [tilespmem:v58+s16+$0x0], $0xffff;
	[tilespmem:v59+s28+$0x0] =	vst.idx.msk $0xffff, v3;
	v3 =	vor.u32 v11, v17  }
0x187: {  	[tilespmem:v53+s28+$0x0] =	vst.idx.msk $0xffff, v49;
	v58 =	vor.u32 v38, v21;
	v59 =	vor.u32 v11, v22;
	v8 =	vld.idx.msk [tilespmem:v8+s16+$0x0], $0xffff  }
0x188: {  	v52 =	vld.idx.msk [tilespmem:v60+s16+$0x0], $0xffff;
	[tilespmem:v61+s28+$0x0] =	vst.idx.msk $0xffff, v48;
	v60 =	vor.u32 v9, v26;
	v61 =	vor.u32 v38, v19  }
0x189: {  	v55 =	vor.u32 v14, v43;
	[tilespmem:v62+s28+$0x0] =	vst.idx.msk $0xffff, v51;
	v62 =	vld.idx.msk [tilespmem:v63+s16+$0x0], $0xffff;
	v63 =	vor.u32 v35, v32  }
0x18a: {  	[tilespmem:v50+s28+$0x0] =	vst.idx.msk $0xffff, v1;
	v1 =	vld.idx.msk [tilespmem:v2+s16+$0x0], $0xffff;
	v2 =	vor.u32 v9, v39  }
0x18b: {  	v47 =	vor.u32 v24, v47;
	[tilespmem:v3+s28+$0x0] =	vst.idx.msk $0xffff, v4;
	v3 =	vld.idx.msk [tilespmem:v57+s16+$0x0], $0xffff;
	v57 =	vor.u32 v14, v42  }
0x18c: {  	v56 =	vor.u32 v35, v33;
	[tilespmem:v59+s28+$0x0] =	vst.idx.msk $0xffff, v8;
	v8 =	vld.idx.msk [tilespmem:v58+s16+$0x0], $0xffff;
	v58 =	vor.u32 v12, v20  }
0x18d: {  	v46 =	vor.u32 v24, v46;
	[tilespmem:v60+s28+$0x0] =	vst.idx.msk $0xffff, v52;
	v48 =	vld.idx.msk [tilespmem:v61+s16+$0x0], $0xffff  }
0x18e: {  	v59 =	vor.u32 v38, v16;
	v7 =	vld.idx.msk [tilespmem:v63+s16+$0x0], $0xffff;
	[tilespmem:v55+s28+$0x0] =	vst.idx.msk $0xffff, v62;
	v61 =	vor.u32 v9, v28  }
0x18f: {  	v60 =	vor.u32 v12, v18;
	v62 =	vor.u32 v37, v27;
	[tilespmem:v2+s28+$0x0] =	vst.idx.msk $0xffff, v1  }
0x190: {  	v63 =	vor.u32 v15, v45;
	v1 =	vor.u32 v38, v23;
	v2 =	vld.idx.msk [tilespmem:v47+s16+$0x0], $0xffff;
	[tilespmem:v57+s28+$0x0] =	vst.idx.msk $0xffff, v3  }
0x191: {  	v4 =	vld.idx.msk [tilespmem:v56+s16+$0x0], $0xffff;
	v3 =	vor.u32 v9, v30;
	[tilespmem:v58+s28+$0x0] =	vst.idx.msk $0xffff, v8;
	v8 =	vor.u32 v24, v40  }
0x192: {  	v54 =	vor.u32 v37, v29;
	v5 =	vor.u32 v24, v41;
	v44 =	vor.u32 v15, v44;
	v46 =	vld.idx.msk [tilespmem:v46+s16+$0x0], $0xffff  }
0x193: {  	v41 =	vor.u32 v25, v21;
	v56 =	vor.u32 v12, v17;
	v6 =	vld.idx.msk [tilespmem:v59+s16+$0x0], $0xffff;
	[tilespmem:v61+s28+$0x0] =	vst.idx.msk $0xffff, v7  }
0x194: {  	s29 =	simm.s32 $0x6;
	v49 =	vor.u32 v36, v19;
	[tilespmem:v60+s28+$0x0] =	vst.idx.msk $0xffff, v48;
	v7 =	vor.u32 v36, v21;
	v59 =	vld.idx.msk [tilespmem:v62+s16+$0x0], $0xffff  }
0x195: {  	v52 =	vor.u32 v15, v43;
	v45 =	vadd.s32 s29, v0;
	v53 =	vld.idx.msk [tilespmem:v1+s16+$0x0], $0xffff;
	[tilespmem:v63+s28+$0x0] =	vst.idx.msk $0xffff, v2  }
0x196: {  	v55 =	vor.u32 v12, v22;
	v57 =	vor.u32 v34, v27;
	[tilespmem:v3+s28+$0x0] =	vst.idx.msk $0xffff, v4;
	v50 =	vld.idx.msk [tilespmem:v8+s16+$0x0], $0xffff  }
0x197: {  	v58 =	vor.u32 $0x10, v45;
	v40 =	vand.u32 $0xF, v45;
	v61 =	vor.u32 v10, v26;
	v60 =	vld.idx.msk [tilespmem:v54+s16+$0x0], $0xffff;
	[tilespmem:v44+s28+$0x0] =	vst.idx.msk $0xffff, v46  }
0x198: {  	v62 =	vor.u32 v37, v32;
	v63 =	vor.u32 v10, v39;
	[tilespmem:v56+s28+$0x0] =	vst.idx.msk $0xffff, v6;
	v51 =	vld.idx.msk [tilespmem:v5+s16+$0x0], $0xffff  }
0x199: {  	s30 =	simm.s32 $0x7;
	s29 =	simm.s32 $0x8;
	v1 =	vor.u32 v37, v33;
	v54 =	vor.u32 v15, v42;
	v56 =	vor.u32 v35, v40;
	v48 =	vld.idx.msk [tilespmem:v7+s16+$0x0], $0xffff  }
.LBB2_8:
0x19a: {  	v2 =	vor.u32 v31, v40;
	v3 =	vadd.s32 s30, v0;
	v4 =	vor.u32 v13, v20  }
0x19b: {  	p0 =	slt.u32 s29, $0xE;
	[tilespmem:v55+s28+$0x0] =	vst.idx.msk $0xffff, v53;
	v44 =	vmovc v16;
	v16 =	vmovc v32;
	v43 =	vmov v18;
	v18 =	vmov v39;
	v42 =	vmov v23  }
0x19c: {  	v5 =	vshll.u32 v45, $0x7;
	v47 =	vand.u32 $0xF, v3;
	[tilespmem:v61+s28+$0x0] =	vst.idx.msk $0xffff, v59;
	v6 =	vor.u32 v36, v44;
	v7 =	vld.idx.msk [tilespmem:v49+s16+$0x0], $0xffff  }
0x19d: {  	v49 =	vor.u32 v13, v43;
	v8 =	vor.u32 v31, v47;
	v46 =	vld.idx.msk [tilespmem:v62+s16+$0x0], $0xffff;
	[tilespmem:v52+s28+$0x0] =	vst.idx.msk $0xffff, v50  }
0x19e: {  	v53 =	vor.u32 v36, v42;
	v50 =	vand.u32 $0x380, v5;
	v52 =	vor.u32 v10, v28;
	[tilespmem:v63+s28+$0x0] =	vst.idx.msk $0xffff, v60  }
0x19f: {  	v32 =	vand.u32 $0x1F, v58;
	v45 =	vand.u32 $0x780, v5;
	v5 =	vor.u32 v11, v26;
	v1 =	vld.idx.msk [tilespmem:v1+s16+$0x0], $0xffff;
	[tilespmem:v54+s28+$0x0] =	vst.idx.msk $0xffff, v51  }
0x1a0: {  	v51 =	vor.u32 v31, v32;
	v54 =	vor.u32 v10, v30;
	v2 =	vld.idx.msk [tilespmem:v2+s16+$0x0], $0xffff;
	[tilespmem:v4+s28+$0x0] =	vst.idx.msk $0xffff, v48  }
0x1a1: {  	v55 =	vor.u32 v34, v29;
	v23 =	vmovc v33;
	v4 =	vor.u32 v0, v45;
	v48 =	vshll.u32 v3, $0x7;
	v6 =	vld.idx.msk [tilespmem:v6+s16+$0x0], $0xffff  }
0x1a2: {  	v59 =	vor.u32 v13, v17;
	v3 =	vor.u32 $0x10, v3;
	v39 =	vand.u32 $0x780, v48;
	v8 =	vld.idx.msk [tilespmem:v8+s16+$0x0], $0xffff;
	[tilespmem:v49+s28+$0x0] =	vst.idx.msk $0xffff, v7  }
0x1a3: {  	v33 =	vand.u32 $0x1F, v3;
	v7 =	vshll.u32 v58, $0x7;
	v49 =	vor.u32 v0, v39;
	[tilespmem:v52+s28+$0x0] =	vst.idx.msk $0xffff, v46;
	v52 =	vld.idx.msk [tilespmem:v53+s16+$0x0], $0xffff  }
0x1a4: {  	v58 =	vor.u32 v13, v22;
	v7 =	vand.u32 $0xC00, v7;
	v53 =	vor.u32 v31, v33;
	v46 =	vmovc v17;
	v57 =	vld.idx.msk [tilespmem:v57+s16+$0x0], $0xffff  }
0x1a5: {  	v17 =	vmov v28;
	v28 =	vor.u32 v50, v7;
	[tilespmem:v54+s28+$0x0] =	vst.idx.msk $0xffff, v1;
	v1 =	vor.u32 v25, v19  }
0x1a6: {  	[tilespmem:v4+s28+$0x0] =	vst.idx.msk $0xffff, v2;
	v2 =	vor.u32 v0, v28;
	v4 =	vor.u32 v34, v16;
	v7 =	vld.idx.msk [tilespmem:v55+s16+$0x0], $0xffff  }
0x1a7: {  	v3 =	vshll.u32 v3, $0x7;
	v50 =	vld.idx.msk [tilespmem:v51+s16+$0x0], $0xffff;
	v51 =	vor.u32 v11, v18;
	[tilespmem:v59+s28+$0x0] =	vst.idx.msk $0xffff, v6;
	v6 =	vmov v22  }
0x1a8: {  	v3 =	vand.u32 $0xC00, v3;
	v22 =	vand.u32 $0x380, v48;
	[tilespmem:v49+s28+$0x0] =	vst.idx.msk $0xffff, v8;
	v8 =	vor.u32 v34, v23;
	v41 =	vld.idx.msk [tilespmem:v41+s16+$0x0], $0xffff  }
0x1a9: {  	v3 =	vor.u32 v22, v3;
	v49 =	vor.u32 v14, v20;
	v48 =	vld.idx.msk [tilespmem:v53+s16+$0x0], $0xffff;
	[tilespmem:v58+s28+$0x0] =	vst.idx.msk $0xffff, v52  }
0x1aa: {  	v52 =	vor.u32 v0, v3;
	[tilespmem:v5+s28+$0x0] =	vst.idx.msk $0xffff, v57;
	v5 =	vor.u32 v25, v44;
	v1 =	vld.idx.msk [tilespmem:v1+s16+$0x0], $0xffff  }
0x1ab: {  	v54 =	vor.u32 v14, v43;
	v53 =	vor.u32 v35, v47;
	v22 =	vmovc v30;
	v30 =	vmov v3;
	v4 =	vld.idx.msk [tilespmem:v4+s16+$0x0], $0xffff  }
0x1ac: {  	v3 =	vor.u32 v11, v17;
	[tilespmem:v51+s28+$0x0] =	vst.idx.msk $0xffff, v7;
	v7 =	vor.u32 v25, v42  }
0x1ad: {  	[tilespmem:v2+s28+$0x0] =	vst.idx.msk $0xffff, v50;
	v2 =	vor.u32 v38, v27;
	v8 =	vld.idx.msk [tilespmem:v8+s16+$0x0], $0xffff  }
0x1ae: {  	v51 =	vor.u32 v11, v22;
	v50 =	vld.idx.msk [tilespmem:v56+s16+$0x0], $0xffff;
	[tilespmem:v49+s28+$0x0] =	vst.idx.msk $0xffff, v41  }
0x1af: {  	v41 =	vor.u32 v9, v45;
	[tilespmem:v52+s28+$0x0] =	vst.idx.msk $0xffff, v48;
	v48 =	vor.u32 v38, v29;
	v5 =	vld.idx.msk [tilespmem:v5+s16+$0x0], $0xffff  }
0x1b0: {  	v49 =	vor.u32 v35, v32;
	v52 =	vld.idx.msk [tilespmem:v53+s16+$0x0], $0xffff;
	v53 =	vor.u32 v14, v46;
	[tilespmem:v54+s28+$0x0] =	vst.idx.msk $0xffff, v1  }
0x1b1: {  	v1 =	vor.u32 v9, v39;
	[tilespmem:v3+s28+$0x0] =	vst.idx.msk $0xffff, v4;
	v3 =	vor.u32 v24, v21;
	v4 =	vld.idx.msk [tilespmem:v7+s16+$0x0], $0xffff  }
0x1b2: {  	v54 =	vor.u32 v14, v6;
	v7 =	vor.u32 v35, v33;
	v21 =	vmovc v27;
	v27 =	vmov v40;
	v2 =	vld.idx.msk [tilespmem:v2+s16+$0x0], $0xffff  }
0x1b3: {  	v40 =	vor.u32 v12, v26;
	[tilespmem:v51+s28+$0x0] =	vst.idx.msk $0xffff, v8;
	v8 =	vor.u32 v24, v19;
	v19 =	vmov v29  }
0x1b4: {  	v29 =	vmov v47;
	[tilespmem:v41+s28+$0x0] =	vst.idx.msk $0xffff, v50;
	v41 =	vor.u32 v38, v16;
	v48 =	vld.idx.msk [tilespmem:v48+s16+$0x0], $0xffff  }
0x1b5: {  	v47 =	vld.idx.msk [tilespmem:v49+s16+$0x0], $0xffff;
	v49 =	vor.u32 v12, v18;
	[tilespmem:v53+s28+$0x0] =	vst.idx.msk $0xffff, v5  }
0x1b6: {  	v5 =	vor.u32 v9, v28;
	[tilespmem:v1+s28+$0x0] =	vst.idx.msk $0xffff, v52;
	v1 =	vor.u32 v38, v23;
	v3 =	vld.idx.msk [tilespmem:v3+s16+$0x0], $0xffff  }
0x1b7: {  	v51 =	vor.u32 v15, v20;
	v50 =	vor.u32 v37, v27;
	v7 =	vld.idx.msk [tilespmem:v7+s16+$0x0], $0xffff;
	[tilespmem:v54+s28+$0x0] =	vst.idx.msk $0xffff, v4  }
0x1b8: {  	v4 =	vor.u32 v9, v30;
	[tilespmem:v40+s28+$0x0] =	vst.idx.msk $0xffff, v2;
	v2 =	vor.u32 v24, v44;
	v8 =	vld.idx.msk [tilespmem:v8+s16+$0x0], $0xffff  }
0x1b9: {  	v43 =	vor.u32 v15, v43;
	v20 =	vmovc v26;
	v26 =	vmov v45;
	v44 =	vor.u32 v37, v29;
	v54 =	vld.idx.msk [tilespmem:v41+s16+$0x0], $0xffff  }
0x1ba: {  	v42 =	vor.u32 v24, v42;
	v56 =	vor.u32 v12, v17;
	v45 =	vadd.s32 s29, v0;
	[tilespmem:v49+s28+$0x0] =	vst.idx.msk $0xffff, v48  }
0x1bb: {  	v58 =	vor.u32 $0x10, v45;
	v40 =	vand.u32 $0xF, v45;
	[tilespmem:v5+s28+$0x0] =	vst.idx.msk $0xffff, v47;
	v5 =	vor.u32 v36, v21;
	v53 =	vld.idx.msk [tilespmem:v1+s16+$0x0], $0xffff  }
.Ltmp2:
0x1bc: {  	v55 =	vor.u32 v12, v22;
	v41 =	vor.u32 v25, v21;
	v59 =	vld.idx.msk [tilespmem:v50+s16+$0x0], $0xffff;
	[tilespmem:v51+s28+$0x0] =	vst.idx.msk $0xffff, v3;
	(pc) =	sbr.rel @p0 .LBB2_8-.Ltmp2, $4  }
0x1bd: {  	v61 =	vor.u32 v10, v26;
	v49 =	vor.u32 v36, v19;
	[tilespmem:v4+s28+$0x0] =	vst.idx.msk $0xffff, v7;
	v50 =	vld.idx.msk [tilespmem:v2+s16+$0x0], $0xffff  }
0x1be: {  	v62 =	vor.u32 v37, v32;
	v52 =	vor.u32 v15, v46;
	v60 =	vld.idx.msk [tilespmem:v44+s16+$0x0], $0xffff;
	[tilespmem:v43+s28+$0x0] =	vst.idx.msk $0xffff, v8  }
0x1bf: {  	v63 =	vor.u32 v10, v39;
	v57 =	vor.u32 v34, v27;
	[tilespmem:v56+s28+$0x0] =	vst.idx.msk $0xffff, v54;
	v51 =	vld.idx.msk [tilespmem:v42+s16+$0x0], $0xffff  }
0x1c0: {  	s30 =	sadd.s32 $0x1, s29;
	s29 =	sadd.s32 $0x2, s29;
	v1 =	vor.u32 v37, v33;
	v56 =	vor.u32 v35, v40;
	v54 =	vor.u32 v15, v6;
	v48 =	vld.idx.msk [tilespmem:v5+s16+$0x0], $0xffff  }
0x1c1: {  	v2 =	vadd.s32 s30, v0  }
0x1c2: {  	v3 =	vor.u32 v31, v40;
	v47 =	vand.u32 $0xF, v2  }
0x1c3: {  	v4 =	vor.u32 v31, v47;
	_ =	sdelay $0x1  }
0x1c4: {  	v5 =	vshll.u32 v45, $0x7  }
0x1c5: {  	v42 =	vand.u32 $0x1F, v58;
	v44 =	vand.u32 $0x780, v5;
	v6 =	vshll.u32 v2, $0x7  }
0x1c6: {  	v2 =	vor.u32 $0x10, v2;
	v7 =	vor.u32 v0, v44;
	v45 =	vand.u32 $0x780, v6;
	v3 =	vld.idx.msk [tilespmem:v3+s16+$0x0], $0xffff  }
0x1c7: {  	v8 =	vor.u32 v31, v42;
	v46 =	vand.u32 $0x1F, v2;
	v43 =	vor.u32 v0, v45;
	v4 =	vld.idx.msk [tilespmem:v4+s16+$0x0], $0xffff  }
0x1c8: {  	v31 =	vor.u32 v31, v46  }
0x1c9: {  	v58 =	vshll.u32 v58, $0x7  }
0x1ca: {  	v5 =	vand.u32 $0x380, v5;
	v58 =	vand.u32 $0xC00, v58;
	v2 =	vshll.u32 v2, $0x7  }
0x1cb: {  	v2 =	vand.u32 $0xC00, v2;
	[tilespmem:v7+s28+$0x0] =	vst.idx.msk $0xffff, v3;
	v3 =	vor.u32 v5, v58;
	v5 =	vand.u32 $0x380, v6  }
0x1cc: {  	v58 =	vld.idx.msk [tilespmem:v8+s16+$0x0], $0xffff;
	[tilespmem:v43+s28+$0x0] =	vst.idx.msk $0xffff, v4;
	v4 =	vor.u32 v0, v3;
	v43 =	vor.u32 v5, v2  }
0x1cd: {  	v2 =	vld.idx.msk [tilespmem:v31+s16+$0x0], $0xffff;
	v5 =	vor.u32 v0, v43  }
0x1ce: {  	v31 =	vor.u32 v35, v47;
	_ =	sdelay $0x2  }
0x1cf: {  	[tilespmem:v4+s28+$0x0] =	vst.idx.msk $0xffff, v58  }
0x1d0: {  	v58 =	vor.u32 v9, v44;
	v4 =	vld.idx.msk [tilespmem:v56+s16+$0x0], $0xffff;
	[tilespmem:v5+s28+$0x0] =	vst.idx.msk $0xffff, v2  }
0x1d1: {  	v2 =	vor.u32 v35, v42;
	v5 =	vld.idx.msk [tilespmem:v31+s16+$0x0], $0xffff;
	v31 =	vor.u32 v9, v45  }
0x1d2: {  	v8 =	vor.u32 v35, v46;
	_ =	sdelay $0x2  }
0x1d3: {  	[tilespmem:v58+s28+$0x0] =	vst.idx.msk $0xffff, v4  }
0x1d4: {  	v56 =	vor.u32 v9, v3;
	v2 =	vld.idx.msk [tilespmem:v2+s16+$0x0], $0xffff;
	[tilespmem:v31+s28+$0x0] =	vst.idx.msk $0xffff, v5  }
0x1d5: {  	v35 =	vor.u32 v9, v43;
	v58 =	vor.u32 v37, v40;
	v31 =	vld.idx.msk [tilespmem:v8+s16+$0x0], $0xffff  }
0x1d6: {  	v8 =	vor.u32 v37, v47;
	_ =	sdelay $0x2  }
0x1d7: {  	[tilespmem:v56+s28+$0x0] =	vst.idx.msk $0xffff, v2  }
0x1d8: {  	v4 =	vor.u32 v10, v44;
	v2 =	vld.idx.msk [tilespmem:v58+s16+$0x0], $0xffff;
	[tilespmem:v35+s28+$0x0] =	vst.idx.msk $0xffff, v31  }
0x1d9: {  	v56 =	vor.u32 v37, v42;
	v58 =	vor.u32 v10, v45;
	v6 =	vld.idx.msk [tilespmem:v8+s16+$0x0], $0xffff  }
0x1da: {  	[tilespmem:v61+s28+$0x0] =	vst.idx.msk $0xffff, v59;
	v8 =	vor.u32 v37, v46  }
0x1db: {  	[tilespmem:v63+s28+$0x0] =	vst.idx.msk $0xffff, v60;
	v31 =	vld.idx.msk [tilespmem:v62+s16+$0x0], $0xffff;
	v35 =	vor.u32 v10, v28  }
0x1dc: {  	v60 =	vor.u32 v10, v30;
	v1 =	vld.idx.msk [tilespmem:v1+s16+$0x0], $0xffff  }
0x1dd: {  	[tilespmem:v4+s28+$0x0] =	vst.idx.msk $0xffff, v2;
	v2 =	vor.u32 v34, v29  }
0x1de: {  	v61 =	vor.u32 v10, v3;
	v4 =	vld.idx.msk [tilespmem:v56+s16+$0x0], $0xffff;
	[tilespmem:v58+s28+$0x0] =	vst.idx.msk $0xffff, v6  }
0x1df: {  	v62 =	vor.u32 v34, v40;
	v7 =	vld.idx.msk [tilespmem:v8+s16+$0x0], $0xffff;
	v8 =	vor.u32 v10, v43  }
0x1e0: {  	v63 =	vor.u32 v34, v47;
	[tilespmem:v35+s28+$0x0] =	vst.idx.msk $0xffff, v31  }
0x1e1: {  	[tilespmem:v60+s28+$0x0] =	vst.idx.msk $0xffff, v1;
	v31 =	vor.u32 v11, v26;
	v35 =	vld.idx.msk [tilespmem:v57+s16+$0x0], $0xffff  }
0x1e2: {  	v1 =	vor.u32 v34, v32;
	v37 =	vor.u32 v11, v39;
	v2 =	vld.idx.msk [tilespmem:v2+s16+$0x0], $0xffff  }
0x1e3: {  	v60 =	vor.u32 v34, v33;
	[tilespmem:v61+s28+$0x0] =	vst.idx.msk $0xffff, v4  }
0x1e4: {  	v61 =	vor.u32 v11, v44;
	v6 =	vld.idx.msk [tilespmem:v62+s16+$0x0], $0xffff;
	[tilespmem:v8+s28+$0x0] =	vst.idx.msk $0xffff, v7  }
0x1e5: {  	v62 =	vor.u32 v34, v42;
	v8 =	vld.idx.msk [tilespmem:v63+s16+$0x0], $0xffff;
	v63 =	vor.u32 v11, v45  }
0x1e6: {  	v59 =	vor.u32 v34, v46;
	[tilespmem:v31+s28+$0x0] =	vst.idx.msk $0xffff, v35  }
0x1e7: {  	v31 =	vor.u32 v11, v28;
	v1 =	vld.idx.msk [tilespmem:v1+s16+$0x0], $0xffff;
	[tilespmem:v37+s28+$0x0] =	vst.idx.msk $0xffff, v2  }
0x1e8: {  	v35 =	vor.u32 v11, v30;
	v2 =	vor.u32 v38, v27;
	v4 =	vld.idx.msk [tilespmem:v60+s16+$0x0], $0xffff  }
0x1e9: {  	v60 =	vor.u32 v38, v29;
	[tilespmem:v61+s28+$0x0] =	vst.idx.msk $0xffff, v6  }
0x1ea: {  	v61 =	vor.u32 v11, v3;
	v6 =	vld.idx.msk [tilespmem:v62+s16+$0x0], $0xffff;
	[tilespmem:v63+s28+$0x0] =	vst.idx.msk $0xffff, v8  }
0x1eb: {  	v8 =	vor.u32 v38, v40;
	v62 =	vor.u32 v11, v43;
	v34 =	vld.idx.msk [tilespmem:v59+s16+$0x0], $0xffff  }
0x1ec: {  	[tilespmem:v31+s28+$0x0] =	vst.idx.msk $0xffff, v1;
	v63 =	vor.u32 v38, v47  }
0x1ed: {  	v1 =	vld.idx.msk [tilespmem:v2+s16+$0x0], $0xffff;
	v2 =	vor.u32 v12, v26;
	[tilespmem:v35+s28+$0x0] =	vst.idx.msk $0xffff, v4  }
0x1ee: {  	v58 =	vor.u32 v38, v32;
	v59 =	vor.u32 v12, v39;
	v5 =	vld.idx.msk [tilespmem:v60+s16+$0x0], $0xffff  }
0x1ef: {  	v60 =	vor.u32 v38, v33;
	[tilespmem:v61+s28+$0x0] =	vst.idx.msk $0xffff, v6  }
0x1f0: {  	v7 =	vld.idx.msk [tilespmem:v8+s16+$0x0], $0xffff;
	v8 =	vor.u32 v12, v44;
	[tilespmem:v62+s28+$0x0] =	vst.idx.msk $0xffff, v34  }
0x1f1: {  	[tilespmem:v55+s28+$0x0] =	vst.idx.msk $0xffff, v53;
	v61 =	vor.u32 v38, v42;
	v62 =	vld.idx.msk [tilespmem:v63+s16+$0x0], $0xffff;
	v63 =	vor.u32 v12, v45  }
0x1f2: {  	v55 =	vor.u32 v38, v46;
	[tilespmem:v2+s28+$0x0] =	vst.idx.msk $0xffff, v1  }
0x1f3: {  	v2 =	vor.u32 v12, v28;
	v1 =	vld.idx.msk [tilespmem:v58+s16+$0x0], $0xffff;
	[tilespmem:v59+s28+$0x0] =	vst.idx.msk $0xffff, v5  }
0x1f4: {  	v56 =	vor.u32 v12, v30;
	v4 =	vor.u32 v36, v27;
	v5 =	vld.idx.msk [tilespmem:v60+s16+$0x0], $0xffff  }
0x1f5: {  	v57 =	vor.u32 v36, v29;
	v60 =	vor.u32 v13, v20;
	[tilespmem:v8+s28+$0x0] =	vst.idx.msk $0xffff, v7  }
0x1f6: {  	v31 =	vor.u32 v12, v3;
	v8 =	vld.idx.msk [tilespmem:v61+s16+$0x0], $0xffff;
	[tilespmem:v63+s28+$0x0] =	vst.idx.msk $0xffff, v62;
	v62 =	vor.u32 v36, v16  }
0x1f7: {  	[tilespmem:v52+s28+$0x0] =	vst.idx.msk $0xffff, v50;
	v58 =	vor.u32 v36, v40;
	v59 =	vor.u32 v12, v43;
	v35 =	vld.idx.msk [tilespmem:v55+s16+$0x0], $0xffff  }
0x1f8: {  	v49 =	vld.idx.msk [tilespmem:v49+s16+$0x0], $0xffff;
	v61 =	vor.u32 v36, v47;
	v63 =	vor.u32 v13, v18;
	[tilespmem:v2+s28+$0x0] =	vst.idx.msk $0xffff, v1  }
0x1f9: {  	v1 =	vor.u32 v36, v23;
	v2 =	vld.idx.msk [tilespmem:v4+s16+$0x0], $0xffff;
	[tilespmem:v56+s28+$0x0] =	vst.idx.msk $0xffff, v5  }
0x1fa: {  	v55 =	vor.u32 v13, v26;
	[tilespmem:v60+s28+$0x0] =	vst.idx.msk $0xffff, v48;
	v6 =	vld.idx.msk [tilespmem:v57+s16+$0x0], $0xffff  }
0x1fb: {  	v56 =	vor.u32 v36, v32;
	v57 =	vor.u32 v13, v39;
	[tilespmem:v31+s28+$0x0] =	vst.idx.msk $0xffff, v8;
	v48 =	vld.idx.msk [tilespmem:v62+s16+$0x0], $0xffff  }
0x1fc: {  	v8 =	vor.u32 v36, v33;
	v31 =	vld.idx.msk [tilespmem:v58+s16+$0x0], $0xffff;
	v58 =	vor.u32 v13, v44;
	[tilespmem:v59+s28+$0x0] =	vst.idx.msk $0xffff, v35  }
0x1fd: {  	v60 =	vor.u32 v13, v45;
	[tilespmem:v63+s28+$0x0] =	vst.idx.msk $0xffff, v49;
	v59 =	vor.u32 v36, v42;
	v37 =	vld.idx.msk [tilespmem:v61+s16+$0x0], $0xffff  }
0x1fe: {  	[tilespmem:v54+s28+$0x0] =	vst.idx.msk $0xffff, v51;
	v62 =	vor.u32 v36, v46;
	v63 =	vor.u32 v13, v22;
	v1 =	vld.idx.msk [tilespmem:v1+s16+$0x0], $0xffff  }
0x1ff: {  	v61 =	vor.u32 v13, v17;
	[tilespmem:v55+s28+$0x0] =	vst.idx.msk $0xffff, v2;
	v2 =	vor.u32 v25, v19  }
0x200: {  	v52 =	vor.u32 v13, v28;
	v4 =	vld.idx.msk [tilespmem:v56+s16+$0x0], $0xffff;
	[tilespmem:v57+s28+$0x0] =	vst.idx.msk $0xffff, v6  }
0x201: {  	v53 =	vor.u32 v25, v27;
	v7 =	vld.idx.msk [tilespmem:v8+s16+$0x0], $0xffff;
	v8 =	vor.u32 v13, v30;
	[tilespmem:v58+s28+$0x0] =	vst.idx.msk $0xffff, v31  }
0x202: {  	v54 =	vor.u32 v25, v29;
	v55 =	vor.u32 v13, v3;
	v34 =	vld.idx.msk [tilespmem:v59+s16+$0x0], $0xffff;
	[tilespmem:v60+s28+$0x0] =	vst.idx.msk $0xffff, v37  }
0x203: {  	v56 =	vor.u32 v25, v40;
	v57 =	vor.u32 v13, v43;
	[tilespmem:v63+s28+$0x0] =	vst.idx.msk $0xffff, v1;
	v36 =	vld.idx.msk [tilespmem:v62+s16+$0x0], $0xffff  }
0x204: {  	v1 =	vor.u32 v25, v47;
	[tilespmem:v61+s28+$0x0] =	vst.idx.msk $0xffff, v48;
	v2 =	vld.idx.msk [tilespmem:v2+s16+$0x0], $0xffff;
	v60 =	vor.u32 v14, v18  }
0x205: {  	v58 =	vor.u32 v14, v20;
	v61 =	vor.u32 v25, v23;
	v41 =	vld.idx.msk [tilespmem:v41+s16+$0x0], $0xffff;
	[tilespmem:v52+s28+$0x0] =	vst.idx.msk $0xffff, v4  }
0x206: {  	v59 =	vor.u32 v25, v16;
	v62 =	vor.u32 v14, v26;
	v5 =	vld.idx.msk [tilespmem:v53+s16+$0x0], $0xffff;
	[tilespmem:v8+s28+$0x0] =	vst.idx.msk $0xffff, v7  }
0x207: {  	v63 =	vor.u32 v25, v32;
	v52 =	vor.u32 v14, v39;
	v8 =	vld.idx.msk [tilespmem:v54+s16+$0x0], $0xffff;
	[tilespmem:v55+s28+$0x0] =	vst.idx.msk $0xffff, v34  }
0x208: {  	v53 =	vor.u32 v25, v33;
	v54 =	vor.u32 v14, v44;
	v35 =	vld.idx.msk [tilespmem:v56+s16+$0x0], $0xffff;
	[tilespmem:v57+s28+$0x0] =	vst.idx.msk $0xffff, v36  }
0x209: {  	v55 =	vor.u32 v25, v42;
	[tilespmem:v60+s28+$0x0] =	vst.idx.msk $0xffff, v2;
	v56 =	vor.u32 v14, v45;
	v1 =	vld.idx.msk [tilespmem:v1+s16+$0x0], $0xffff  }
0x20a: {  	v2 =	vor.u32 v25, v46;
	[tilespmem:v58+s28+$0x0] =	vst.idx.msk $0xffff, v41;
	v4 =	vld.idx.msk [tilespmem:v61+s16+$0x0], $0xffff;
	v58 =	vor.u32 v14, v22  }
0x20b: {  	v57 =	vor.u32 v14, v17;
	v41 =	vld.idx.msk [tilespmem:v59+s16+$0x0], $0xffff;
	[tilespmem:v62+s28+$0x0] =	vst.idx.msk $0xffff, v5;
	v59 =	vor.u32 v24, v19  }
0x20c: {  	v21 =	vor.u32 v24, v21;
	v60 =	vor.u32 v14, v28;
	v6 =	vld.idx.msk [tilespmem:v63+s16+$0x0], $0xffff;
	[tilespmem:v52+s28+$0x0] =	vst.idx.msk $0xffff, v8  }
0x20d: {  	v62 =	vor.u32 v14, v30;
	v8 =	vor.u32 v24, v27;
	v61 =	vld.idx.msk [tilespmem:v53+s16+$0x0], $0xffff;
	[tilespmem:v54+s28+$0x0] =	vst.idx.msk $0xffff, v35  }
0x20e: {  	v37 =	vor.u32 v14, v3;
	v63 =	vor.u32 v24, v29;
	v36 =	vld.idx.msk [tilespmem:v55+s16+$0x0], $0xffff;
	[tilespmem:v56+s28+$0x0] =	vst.idx.msk $0xffff, v1  }
0x20f: {  	v48 =	vor.u32 v14, v43;
	[tilespmem:v58+s28+$0x0] =	vst.idx.msk $0xffff, v4;
	v1 =	vor.u32 v24, v40;
	v2 =	vld.idx.msk [tilespmem:v2+s16+$0x0], $0xffff  }
0x210: {  	v50 =	vor.u32 v24, v47;
	v51 =	vor.u32 v15, v18;
	[tilespmem:v57+s28+$0x0] =	vst.idx.msk $0xffff, v41;
	v5 =	vld.idx.msk [tilespmem:v59+s16+$0x0], $0xffff  }
0x211: {  	v49 =	vor.u32 v15, v20;
	v52 =	vor.u32 v24, v23;
	v21 =	vld.idx.msk [tilespmem:v21+s16+$0x0], $0xffff;
	[tilespmem:v60+s28+$0x0] =	vst.idx.msk $0xffff, v6  }
0x212: {  	v16 =	vor.u32 v24, v16;
	v7 =	vld.idx.msk [tilespmem:v8+s16+$0x0], $0xffff;
	v8 =	vor.u32 v15, v26;
	[tilespmem:v62+s28+$0x0] =	vst.idx.msk $0xffff, v61  }
0x213: {  	v53 =	vor.u32 v24, v32;
	v55 =	vor.u32 v15, v39;
	v54 =	vld.idx.msk [tilespmem:v63+s16+$0x0], $0xffff;
	[tilespmem:v37+s28+$0x0] =	vst.idx.msk $0xffff, v36  }
0x214: {  	v56 =	vor.u32 v24, v33;
	v57 =	vor.u32 v15, v44;
	v1 =	vld.idx.msk [tilespmem:v1+s16+$0x0], $0xffff;
	[tilespmem:v48+s28+$0x0] =	vst.idx.msk $0xffff, v2  }
0x215: {  	v58 =	vor.u32 v15, v45;
	[tilespmem:v51+s28+$0x0] =	vst.idx.msk $0xffff, v5;
	v2 =	vor.u32 v24, v42;
	v4 =	vld.idx.msk [tilespmem:v50+s16+$0x0], $0xffff  }
0x216: {  	v59 =	vor.u32 v24, v46;
	v60 =	vor.u32 v15, v22;
	[tilespmem:v49+s28+$0x0] =	vst.idx.msk $0xffff, v21;
	v6 =	vld.idx.msk [tilespmem:v52+s16+$0x0], $0xffff  }
0x217: {  	v17 =	vor.u32 v15, v17;
	v16 =	vld.idx.msk [tilespmem:v16+s16+$0x0], $0xffff;
	[tilespmem:v8+s28+$0x0] =	vst.idx.msk $0xffff, v7  }
0x218: {  	v8 =	vor.u32 v15, v28;
	v7 =	vld.idx.msk [tilespmem:v53+s16+$0x0], $0xffff;
	[tilespmem:v55+s28+$0x0] =	vst.idx.msk $0xffff, v54  }
0x219: {  	v62 =	vor.u32 v15, v30;
	v61 =	vld.idx.msk [tilespmem:v56+s16+$0x0], $0xffff;
	[tilespmem:v57+s28+$0x0] =	vst.idx.msk $0xffff, v1  }
0x21a: {  	v1 =	vld.idx.msk [tilespmem:v2+s16+$0x0], $0xffff;
	v2 =	vor.u32 v15, v3;
	[tilespmem:v58+s28+$0x0] =	vst.idx.msk $0xffff, v4  }
0x21b: {  	s29 =	sshll.u32 s25, $0x10;
	s25 =	sadd.s32 $0x1, s25;
	v63 =	vor.u32 v15, v43;
	[tilespmem:v60+s28+$0x0] =	vst.idx.msk $0xffff, v6;
	v3 =	vld.idx.msk [tilespmem:v59+s16+$0x0], $0xffff  }
0x21c: {  	p0 =	sne.s32 s25, $0x8;
	[tilespmem:v17+s28+$0x0] =	vst.idx.msk $0xffff, v16  }
.Ltmp3:
0x21d: {  	[tilespmem:v8+s28+$0x0] =	vst.idx.msk $0xffff, v7;
	(pc) =	sbr.rel @p0 .LBB2_7-.Ltmp3, $4  }
0x21e: {  	[tilespmem:v62+s28+$0x0] =	vst.idx.msk $0xffff, v61  }
0x21f: {  	[tilespmem:v2+s28+$0x0] =	vst.idx.msk $0xffff, v1  }
0x220: {  	s26 =	sadd.s32 $0x5, s26;
	s29 =	sadd.s32 s29, s23;
	[tilespmem:v63+s28+$0x0] =	vst.idx.msk $0xffff, v3  }
0x221: {  	[hbm4b:s29+s11] =	stream.strided.scatter [tilespmem:s28], [sflag:s26], $0x1000, s17, s11, $0x38;
	[tilespmem:$0x12800] =	vst v63  }
0x222: {  	s22 =	sadd.s32 $0x1, s22  }
0x223: {  	_ =	swait.ge [sflag:s18], $0x1000;
	p0 =	sne.s32 s22, $0x32  }
.Ltmp4:
0x224: {  	[sflag:s18] =	ssyncset.done $0x0;
	(pc) =	sbr.rel @p0 .LBB2_2-.Ltmp4, $4  }
0x225: {  	[sflag:s18] =	ssyncadd.s32 $0xFFFFF000  }
0x226: {  	_ =	swait.ge [sflag:s19], $0x1000  }
0x227: {  	[sflag:s19] =	ssyncset.done $0x0  }
0x228: {  	[sflag:s19] =	ssyncadd.s32 $0xFFFFF000  }
0x229: {  	s21 =	sadd.s32 $0x1, s21  }
0x22a: {  	p0 =	sne.s32 s21, s10  }
.Ltmp5:
0x22b: {  	_ = 	snop;
	(pc) =	sbr.rel @p0 .LBB2_1-.Ltmp5, $1  }
0x22c: {  	_ =	sdelay $0x3  }
0x22d: {  	_ =	sfence.sel $0x180000  }
0x22e: {  	[bflag:$0x0] =	sbarrier.arrive $0xFFFF  }
0x22f: {  	p0 =	sne.s32 s0, $0x0;
	_ =	strace $0x90000047  }
0x230: {  	s0 =	sadd.s32 @!p0 $0x100000, s1;
	[bflag:$0x2] =	sbarrier.arrive $0xFFFF  }
0x231: {  	[sflag:s0] =	ssyncadd.tile.s32 @!p0 $0x1;
	_ =	shalt  }
.Lfunc_end2:
_tile_overlayer_lowered:
.L_overlay_start_2:
0x232: {  	(tag) =	ssettag $0x2  }
0x233: {  	s0 =	rddreg [dreg:$0x0];
	s2 =	stileid.u32  }
0x234: {  	s1 =	rddreg [dreg:$0x1];
	p0 =	sne.s32 s2, $0x0  }
0x235: {  	s3 =	rddreg [dreg:$0x2];
	[bflag:$0x3] =	sbarrier.arrive $0xFFFF;
	s2 =	simm.s32 @!p0 $0x1C07  }
0x236: {  	[timem:s3], [sflag:s2] =	dma.local @!p0 [hbm:s0], s1  }
0x237: {  	s0 =	simm.s32 @!p0 $0x7  }
0x238: {  	_ =	swait.ge @!p0 [sflag:s0], s1  }
0x239: {  	s1 =	ssub.s32 @!p0 $0x0, s1;
	[sflag:s0] =	ssyncset.done @!p0 $0x0  }
0x23a: {  	[sflag:s0] =	ssyncadd.s32 @!p0 s1  }
0x23b: {  	[bflag:$0x3] =	sbarrier.arrive $0xFFFF  }
0x23c: {  	_ =	shalt  }

</sc_bundles>
